<compile_context>
chip_gen: v7x
topology: tpu7x:2x2x1
jax: 0.10.2.dev20260603
libtpu: 0.0.44.dev20260713+nightly
codegen_flags: <defaults>
</compile_context>

<pallas_src>
import functools
import math

import jax
import jax.numpy as jnp
from jax import lax
from jax.experimental import pallas as pl
from jax.experimental.pallas import tpu as pltpu
from jax.experimental.pallas import tpu_sc as plsc

_N = 50000
_D = 64
_G = 64
_EPS = 1e-05
_PI = math.pi
_PHI = 2.0 * math.pi / _D

_NW = 32
_BT = 1600
_CB = 80
_NCH = _BT // _CB
_EPAD = _NW * _BT * _D

_ACOS_COEF = (
    -0.0187293,
    0.0742610,
    -0.2121144,
    1.5707288,
)


def _rsqrtv(x, iters):
  i = plsc.bitcast(x, jnp.int32)
  y = plsc.bitcast(jnp.int32(0x5F3759DF) - (i >> 1), jnp.float32)
  xh = 0.5 * x
  for _ in range(iters):
    y = y * (1.5 - xh * y * y)
  return y


def _arccosv(t):
  x = jnp.abs(t)
  p = jnp.full_like(x, _ACOS_COEF[0])
  for c in _ACOS_COEF[1:]:
    p = p * x + c
  om = jnp.maximum(1.0 - x, 0.0)
  q = om * _rsqrtv(om, 1) * p
  return jnp.where(t < 0.0, _PI - q, q)


def _sort64k(k, rev):
  s0 = jnp.sort(k[0])
  s1 = rev(jnp.sort(k[1]))
  s2 = jnp.sort(k[2])
  s3 = rev(jnp.sort(k[3]))
  a0 = jnp.sort(jnp.minimum(s0, s1))
  a1 = jnp.sort(jnp.maximum(s0, s1))
  t0 = jnp.sort(jnp.minimum(s2, s3))
  t1 = jnp.sort(jnp.maximum(s2, s3))
  b0 = rev(t1)
  b1 = rev(t0)
  l0 = jnp.minimum(a0, b0)
  h0 = jnp.maximum(a0, b0)
  l1 = jnp.minimum(a1, b1)
  h1 = jnp.maximum(a1, b1)
  return [jnp.sort(jnp.minimum(l0, l1)), jnp.sort(jnp.maximum(l0, l1)),
          jnp.sort(jnp.minimum(h0, h1)), jnp.sort(jnp.maximum(h0, h1))]


@functools.cache
def _make_sc_kernel():
  mesh = plsc.VectorSubcoreMesh(core_axis_name="c", subcore_axis_name="s")

  @functools.partial(
      pl.kernel,
      out_type=jax.ShapeDtypeStruct((_NW, 16), jnp.float32),
      mesh=mesh,
      compiler_params=pltpu.CompilerParams(needs_layout_passes=False),
      scratch_types=[
          pltpu.VMEM((_N,), jnp.float32),
          pltpu.VMEM((_N,), jnp.float32),
          pltpu.VMEM((_CB * _D,), jnp.int32),
          pltpu.VMEM((_CB * _D,), jnp.int32),
          pltpu.VMEM((16,), jnp.float32),
          pltpu.SemaphoreType.DMA,
          pltpu.SemaphoreType.DMA,
      ],
  )
  def sc_kernel(posx_hbm, posy_hbm, v_hbm, out_hbm,
                posx_s, posy_s, vbuf0, vbuf1, outb, sem0, sem1):
    wid = lax.axis_index("s") * 2 + lax.axis_index("c")
    pltpu.sync_copy(posx_hbm, posx_s)
    pltpu.sync_copy(posy_hbm, posy_s)
    iota = lax.iota(jnp.int32, 16)
    rot1 = jnp.where(iota == 15, 0, iota + 1)
    revi = 15 - iota
    zid = jnp.full((16,), 0, jnp.int32)
    last = iota == 15
    base_blk = wid * _BT

    def _perm(x, idx):
      return x.at[idx].get(mode="promise_in_bounds")

    def _rev(x):
      return _perm(x, revi)

    def _rot64(vs):
      out = []
      for j in range(4):
        a = _perm(vs[j], rot1)
        b = _perm(vs[(j + 1) % 4], zid)
        out.append(jnp.where(last, b, a))
      return out

    kzero = _arccosv(jnp.full((16,), 0.0, jnp.float32))

    def one_block(vbuf, cbase, bi, acc):
      u = jnp.minimum(cbase + bi, _N - 1)
      usplat = jnp.full((16,), u, jnp.int32)
      ux = plsc.load_gather(posx_s, [usplat])
      uy = plsc.load_gather(posy_s, [usplat])
      keys = []
      for j in range(4):
        vj = vbuf[pl.ds(bi * _D + 16 * j, 16)]
        pvx = plsc.load_gather(posx_s, [vj])
        pvy = plsc.load_gather(posy_s, [vj])
        dx = pvx - ux
        dy = pvy - uy
        y = _rsqrtv(dx * dx + dy * dy, iters=2)
        c = dx * y
        a = _arccosv(c)
        keys.append(jnp.where(dy < 0.0, 2.0 * _PI - a, a))
      sk = _sort64k(keys, _rev)
      rk = _rot64(sk)
      for j in range(4):
        d = jnp.abs(rk[j] - sk[j])
        theta = jnp.minimum(d, 2.0 * _PI - d)
        degen = jnp.logical_or(sk[j] == kzero, rk[j] == kzero)
        theta = jnp.where(degen, 0.5 * _PI, theta)
        term = jnp.abs(_PHI - theta)
        acc = acc + jnp.where(sk[j] != rk[j], term, 0.0)
      return acc

    def _copy(ci, buf, sem):
      return pltpu.make_async_copy(
          v_hbm.at[pl.ds((base_blk + ci * _CB) * _D, _CB * _D)], buf, sem)

    def compute_chunk(ci, buf, acc):
      cbase = base_blk + ci * _CB

      def blk_body(bi, acc):
        return one_block(buf, cbase, bi, acc)

      return lax.fori_loop(0, _CB, blk_body, acc)

    _copy(0, vbuf0, sem0).start()

    def pair_body(t, acc):
      c0 = 2 * t
      _copy(c0 + 1, vbuf1, sem1).start()
      _copy(c0, vbuf0, sem0).wait()
      acc = compute_chunk(c0, vbuf0, acc)

      @pl.when(t < _NCH // 2 - 1)
      def _():
        _copy(c0 + 2, vbuf0, sem0).start()

      _copy(c0 + 1, vbuf1, sem1).wait()
      return compute_chunk(c0 + 1, vbuf1, acc)

    acc = lax.fori_loop(0, _NCH // 2, pair_body, jnp.zeros((16,), jnp.float32))
    outb[...] = acc
    pltpu.sync_copy(outb, out_hbm.at[wid])

  return sc_kernel


def kernel(node_pos, edge_index, batch_vec):
  del batch_vec
  posx = node_pos[:, 0]
  posy = node_pos[:, 1]
  v = edge_index[1]
  vpad = jnp.concatenate(
      [v, jnp.zeros((_EPAD - v.shape[0],), jnp.int32)])
  partial = _make_sc_kernel()(posx, posy, vpad)
  return jnp.sum(partial) / jnp.float32(_G)

# --- scband reference (transcript-rebuilt; emitter-appended) ---
"""Pipeline reference for scband-incident-angle-32220844654987 (READ-ONLY COPY).

The authoritative reference and input builder live on the scoring server;
editing this copy changes nothing except your own understanding.
"""

import jax, jax.numpy as jnp
import numpy as np

N = 50000
D = 64
E = N * D
G = 64
EPS = 1e-05


def setup_inputs(seed: int = 0) -> dict:
    key = jax.random.key(seed)
    k1, k2, k3 = jax.random.split(key, 3)
    node_pos = jax.random.normal(k1, (N, 2), dtype=jnp.float32) * 10.0
    # Edges grouped by source node with fixed out-degree D (sorted u), which the
    # original roll/unique logic in get_counter_clockwise_sorted_angle_vertices assumes.
    u = jnp.repeat(jnp.arange(N, dtype=jnp.int32), D)
    v = jax.random.randint(k2, (E,), 0, N, dtype=jnp.int32)
    edge_index = jnp.stack([u, v])
    # batch.batch: sorted node -> graph-id assignment for G graphs
    batch_vec = jnp.sort(jax.random.randint(k3, (N,), 0, G, dtype=jnp.int32))
    return {"node_pos": node_pos, "edge_index": edge_index, "batch_vec": batch_vec}


def _l2_normalize(x):
    norm = jnp.linalg.norm(x, axis=1, keepdims=True)
    return x / (norm + EPS)


def reference(node_pos, edge_index, batch_vec):
    u = edge_index[0]
    v = edge_index[1]
    # --- get_counter_clockwise_sorted_angle_vertices ---
    diff = node_pos[v] - node_pos[u]
    dn = _l2_normalize(diff)
    cosang = dn[:, 0]  # dot with [1, 0]
    radian = jnp.arccos(jnp.clip(cosang, -1.0, 1.0)) * jnp.sign(diff[:, 1])
    sorted_idx = jnp.lexsort((radian, u))  # sort by (u, radian)
    sorted_v = v[sorted_idx]
    ar = jnp.arange(E)
    pos_in_block = ar % D
    roll_idx = jnp.where(pos_in_block == D - 1, ar - (D - 1), ar + 1)
    rolled_v = sorted_v[roll_idx]
    mask = (sorted_v != rolled_v).astype(node_pos.dtype)  # replaces boolean filter
    # --- get_radians ---
    e1 = _l2_normalize(node_pos[sorted_v] - node_pos[u])
    e2 = _l2_normalize(node_pos[rolled_v] - node_pos[u])
    theta = jnp.arccos(jnp.clip(jnp.sum(e1 * e2, axis=1), -1.0, 1.0))
    deg = jnp.bincount(u, length=N)
    degrees = deg[u].astype(node_pos.dtype)
    # --- IncidentAngle.forward ---
    phi = (2.0 * jnp.pi) / degrees
    angle_l1 = jnp.abs(phi - theta) * mask
    index = batch_vec[u]
    graph_l1 = jax.ops.segment_sum(angle_l1, index, num_segments=G)
    return jnp.mean(graph_l1)

if __name__ == "__main__":
    import jax
    _d = setup_inputs()
    print(jax.jit(kernel)(*tuple(_d.values())))

</pallas_src>

<mosaic_0001>
#map = affine_map<(d0, d1) -> (0)>
#map1 = affine_map<(d0, d1) -> (0, 0)>
module attributes {stable_mosaic.version = 14 : i64} {
  func.func @sc_kernel(%arg0: i32, %arg1: i32, %arg2: memref<50000xf32, #tpu.memory_space<hbm>>, %arg3: memref<50000xf32, #tpu.memory_space<hbm>>, %arg4: memref<3276800xi32, #tpu.memory_space<hbm>>, %arg5: memref<32x16xf32, #tpu.memory_space<hbm>>, %arg6: memref<50000xf32, #tpu.memory_space<vmem>>, %arg7: memref<50000xf32, #tpu.memory_space<vmem>>, %arg8: memref<5120xi32, #tpu.memory_space<vmem>>, %arg9: memref<5120xi32, #tpu.memory_space<vmem>>, %arg10: memref<16xf32, #tpu.memory_space<vmem>>, %arg11: memref<!tpu.dma_semaphore, #tpu.memory_space<semaphore_mem>>, %arg12: memref<!tpu.dma_semaphore, #tpu.memory_space<semaphore_mem>>) attributes {dimension_semantics = [#tpu.dimension_semantics<core_parallel>, #tpu.dimension_semantics<subcore_parallel>], iteration_bounds = array<i64: 2, 16>, scalar_prefetch = 0 : i64, scratch_operands = 7 : i64, tpu.core_type = #tpu.core_type<sc_vector_subcore>, window_params = [{transform_indices = #map}, {transform_indices = #map}, {transform_indices = #map}, {transform_indices = #map1}]} {
    %mul3A = arith.constant 2 : i32
    %mul3A_0 = arith.muli %arg1, %mul3A : i32
    %add3A = arith.addi %mul3A_0, %arg0 : i32
    "tpu.region"() ({
      %run_scoped3A = tpu.sem_alloc : memref<!tpu.dma_semaphore, #tpu.memory_space<semaphore_mem>>
      tpu.enqueue_dma source(%arg2 : memref<50000xf32, #tpu.memory_space<hbm>>) target(%arg6 : memref<50000xf32, #tpu.memory_space<vmem>>) target_semaphore(%run_scoped3A : memref<!tpu.dma_semaphore, #tpu.memory_space<semaphore_mem>>)
      tpu.wait_dma2 semaphore(%run_scoped3A : memref<!tpu.dma_semaphore, #tpu.memory_space<semaphore_mem>>) src(%arg2 : memref<50000xf32, #tpu.memory_space<hbm>>) dst(%arg6 : memref<50000xf32, #tpu.memory_space<vmem>>)
      tpu.yield
    }) : () -> ()
    "tpu.region"() ({
      %run_scoped3A = tpu.sem_alloc : memref<!tpu.dma_semaphore, #tpu.memory_space<semaphore_mem>>
      tpu.enqueue_dma source(%arg3 : memref<50000xf32, #tpu.memory_space<hbm>>) target(%arg7 : memref<50000xf32, #tpu.memory_space<vmem>>) target_semaphore(%run_scoped3A : memref<!tpu.dma_semaphore, #tpu.memory_space<semaphore_mem>>)
      tpu.wait_dma2 semaphore(%run_scoped3A : memref<!tpu.dma_semaphore, #tpu.memory_space<semaphore_mem>>) src(%arg3 : memref<50000xf32, #tpu.memory_space<hbm>>) dst(%arg7 : memref<50000xf32, #tpu.memory_space<vmem>>)
      tpu.yield
    }) : () -> ()
    %iota3A = tpu.iota {dimensions = array<i32: 0>} : vector<16xi32>
    %eq3A = arith.constant 15 : i32
    %eq3A_1 = vector.broadcast %eq3A : i32 to vector<16xi32>
    %eq3A_2 = arith.cmpi eq, %iota3A, %eq3A_1 : vector<16xi32>
    %add3A_3 = arith.constant 1 : i32
    %add3A_4 = vector.broadcast %add3A_3 : i32 to vector<16xi32>
    %add3A_5 = arith.addi %iota3A, %add3A_4 : vector<16xi32>
    %jit3A = arith.constant 0 : i32
    %broadcast_in_dim3A = vector.broadcast %jit3A : i32 to vector<16xi32>
    %select_n3A = arith.select %eq3A_2, %broadcast_in_dim3A, %add3A_5 : vector<16xi1>, vector<16xi32>
    %sub3A = arith.constant 15 : i32
    %sub3A_6 = vector.broadcast %sub3A : i32 to vector<16xi32>
    %sub3A_7 = arith.subi %sub3A_6, %iota3A : vector<16xi32>
    %broadcast_in_dim3A_8 = arith.constant 0 : i32
    %broadcast_in_dim3A_9 = vector.broadcast %broadcast_in_dim3A_8 : i32 to vector<16xi32>
    %eq3A_10 = arith.constant 15 : i32
    %eq3A_11 = vector.broadcast %eq3A_10 : i32 to vector<16xi32>
    %eq3A_12 = arith.cmpi eq, %iota3A, %eq3A_11 : vector<16xi32>
    %mul3A_13 = arith.constant 1600 : i32
    %mul3A_14 = arith.muli %add3A, %mul3A_13 : i32
    %broadcast_in_dim3A_15 = arith.constant 0.000000e+00 : f32
    %broadcast_in_dim3A_16 = vector.broadcast %broadcast_in_dim3A_15 : f32 to vector<16xf32>
    %abs3A = math.absf %broadcast_in_dim3A_16 : vector<16xf32>
    %broadcast_in_dim3A_17 = arith.constant -1.872930e-02 : f32
    %broadcast_in_dim3A_18 = vector.broadcast %broadcast_in_dim3A_17 : f32 to vector<16xf32>
    %mul3A_19 = arith.mulf %broadcast_in_dim3A_18, %abs3A : vector<16xf32>
    %add3A_20 = arith.constant 7.426100e-02 : f32
    %add3A_21 = vector.broadcast %add3A_20 : f32 to vector<16xf32>
    %add3A_22 = arith.addf %mul3A_19, %add3A_21 : vector<16xf32>
    %mul3A_23 = arith.mulf %add3A_22, %abs3A : vector<16xf32>
    %add3A_24 = arith.constant -0.212114394 : f32
    %add3A_25 = vector.broadcast %add3A_24 : f32 to vector<16xf32>
    %add3A_26 = arith.addf %mul3A_23, %add3A_25 : vector<16xf32>
    %mul3A_27 = arith.mulf %add3A_26, %abs3A : vector<16xf32>
    %add3A_28 = arith.constant 1.57072878 : f32
    %add3A_29 = vector.broadcast %add3A_28 : f32 to vector<16xf32>
    %add3A_30 = arith.addf %mul3A_27, %add3A_29 : vector<16xf32>
    %sub3A_31 = arith.constant 1.000000e+00 : f32
    %sub3A_32 = vector.broadcast %sub3A_31 : f32 to vector<16xf32>
    %sub3A_33 = arith.subf %sub3A_32, %abs3A : vector<16xf32>
    %max3A = arith.constant 0.000000e+00 : f32
    %max3A_34 = vector.broadcast %max3A : f32 to vector<16xf32>
    %max3A_35 = arith.maximumf %sub3A_33, %max3A_34 : vector<16xf32>
    %bitcast3A = vector.bitcast %max3A_35 : vector<16xf32> to vector<16xi32>
    %shift_right_arithmetic3A = arith.constant 1 : i32
    %shift_right_arithmetic3A_36 = vector.broadcast %shift_right_arithmetic3A : i32 to vector<16xi32>
    %shift_right_arithmetic3A_37 = arith.shrsi %bitcast3A, %shift_right_arithmetic3A_36 : vector<16xi32>
    %sub3A_38 = arith.constant 1597463007 : i32
    %sub3A_39 = vector.broadcast %sub3A_38 : i32 to vector<16xi32>
    %sub3A_40 = arith.subi %sub3A_39, %shift_right_arithmetic3A_37 : vector<16xi32>
    %bitcast3A_41 = vector.bitcast %sub3A_40 : vector<16xi32> to vector<16xf32>
    %mul3A_42 = arith.constant 5.000000e-01 : f32
    %mul3A_43 = vector.broadcast %mul3A_42 : f32 to vector<16xf32>
    %mul3A_44 = arith.mulf %mul3A_43, %max3A_35 : vector<16xf32>
    %mul3A_45 = arith.mulf %mul3A_44, %bitcast3A_41 : vector<16xf32>
    %mul3A_46 = arith.mulf %mul3A_45, %bitcast3A_41 : vector<16xf32>
    %sub3A_47 = arith.constant 1.500000e+00 : f32
    %sub3A_48 = vector.broadcast %sub3A_47 : f32 to vector<16xf32>
    %sub3A_49 = arith.subf %sub3A_48, %mul3A_46 : vector<16xf32>
    %mul3A_50 = arith.mulf %bitcast3A_41, %sub3A_49 : vector<16xf32>
    %mul3A_51 = arith.mulf %max3A_35, %mul3A_50 : vector<16xf32>
    %mul3A_52 = arith.mulf %mul3A_51, %add3A_30 : vector<16xf32>
    %lt3A = arith.constant 0.000000e+00 : f32
    %lt3A_53 = vector.broadcast %lt3A : f32 to vector<16xf32>
    %lt3A_54 = arith.cmpf olt, %broadcast_in_dim3A_16, %lt3A_53 : vector<16xf32>
    %sub3A_55 = arith.constant 3.14159274 : f32
    %sub3A_56 = vector.broadcast %sub3A_55 : f32 to vector<16xf32>
    %sub3A_57 = arith.subf %sub3A_56, %mul3A_52 : vector<16xf32>
    %select_n3A_58 = arith.select %lt3A_54, %sub3A_57, %mul3A_52 : vector<16xi1>, vector<16xf32>
    %add3A_59 = arith.constant 0 : i32
    %add3A_60 = arith.addi %mul3A_14, %add3A_59 : i32
    %mul3A_61 = arith.constant 64 : i32
    %mul3A_62 = arith.muli %add3A_60, %mul3A_61 : i32
    %dma_start3A = tpu.memref_slice %arg4[%mul3A_62] : memref<3276800xi32, #tpu.memory_space<hbm>> -> memref<5120xi32, #tpu.memory_space<hbm>>
    %dma_start3A_63 = tpu.memref_slice %arg4[%mul3A_62] : memref<3276800xi32, #tpu.memory_space<hbm>> -> memref<5120xi32, #tpu.memory_space<hbm>>
    tpu.enqueue_dma source(%dma_start3A_63 : memref<5120xi32, #tpu.memory_space<hbm>>) target(%arg8 : memref<5120xi32, #tpu.memory_space<vmem>>) target_semaphore(%arg11 : memref<!tpu.dma_semaphore, #tpu.memory_space<semaphore_mem>>)
    %broadcast_in_dim3A_64 = arith.constant 0.000000e+00 : f32
    %broadcast_in_dim3A_65 = vector.broadcast %broadcast_in_dim3A_64 : f32 to vector<16xf32>
    %scan3A = arith.constant 0 : i32
    %scan3A_66 = arith.constant 10 : i32
    %scan3A_67 = arith.addi %scan3A, %scan3A_66 : i32
    %scan3A_68 = arith.constant 1 : i32
    %scan3A_69 = scf.for %scan3A_72 = %scan3A to %scan3A_67 step %scan3A_68 iter_args(%scan3A_73 = %broadcast_in_dim3A_65) -> (vector<16xf32>)  : i32 {
      %mul3A_74 = arith.constant 2 : i32
      %mul3A_75 = arith.muli %mul3A_74, %scan3A_72 : i32
      %add3A_76 = arith.constant 1 : i32
      %add3A_77 = arith.addi %mul3A_75, %add3A_76 : i32
      %mul3A_78 = arith.constant 80 : i32
      %mul3A_79 = arith.muli %add3A_77, %mul3A_78 : i32
      %add3A_80 = arith.addi %mul3A_14, %mul3A_79 : i32
      %mul3A_81 = arith.constant 64 : i32
      %mul3A_82 = arith.muli %add3A_80, %mul3A_81 : i32
      %dma_start3A_83 = tpu.memref_slice %arg4[%mul3A_82] : memref<3276800xi32, #tpu.memory_space<hbm>> -> memref<5120xi32, #tpu.memory_space<hbm>>
      %dma_start3A_84 = tpu.memref_slice %arg4[%mul3A_82] : memref<3276800xi32, #tpu.memory_space<hbm>> -> memref<5120xi32, #tpu.memory_space<hbm>>
      tpu.enqueue_dma source(%dma_start3A_84 : memref<5120xi32, #tpu.memory_space<hbm>>) target(%arg9 : memref<5120xi32, #tpu.memory_space<vmem>>) target_semaphore(%arg12 : memref<!tpu.dma_semaphore, #tpu.memory_space<semaphore_mem>>)
      %mul3A_85 = arith.constant 80 : i32
      %mul3A_86 = arith.muli %mul3A_75, %mul3A_85 : i32
      %add3A_87 = arith.addi %mul3A_14, %mul3A_86 : i32
      %mul3A_88 = arith.constant 64 : i32
      %mul3A_89 = arith.muli %add3A_87, %mul3A_88 : i32
      %dma_wait3A = tpu.memref_slice %arg4[%mul3A_89] : memref<3276800xi32, #tpu.memory_space<hbm>> -> memref<5120xi32, #tpu.memory_space<hbm>>
      %dma_wait3A_90 = tpu.memref_slice %arg4[%mul3A_89] : memref<3276800xi32, #tpu.memory_space<hbm>> -> memref<5120xi32, #tpu.memory_space<hbm>>
      tpu.wait_dma2 semaphore(%arg11 : memref<!tpu.dma_semaphore, #tpu.memory_space<semaphore_mem>>) src(%dma_wait3A_90 : memref<5120xi32, #tpu.memory_space<hbm>>) dst(%arg8 : memref<5120xi32, #tpu.memory_space<vmem>>)
      %mul3A_91 = arith.constant 80 : i32
      %mul3A_92 = arith.muli %mul3A_75, %mul3A_91 : i32
      %add3A_93 = arith.addi %mul3A_14, %mul3A_92 : i32
      %scan3A_94 = arith.constant 0 : i32
      %scan3A_95 = arith.constant 80 : i32
      %scan3A_96 = arith.addi %scan3A_94, %scan3A_95 : i32
      %scan3A_97 = arith.constant 1 : i32
      %scan3A_98 = scf.for %scan3A_123 = %scan3A_94 to %scan3A_96 step %scan3A_97 iter_args(%scan3A_124 = %scan3A_73) -> (vector<16xf32>)  : i32 {
        %add3A_125 = arith.addi %add3A_93, %scan3A_123 : i32
        %min3A = arith.constant 49999 : i32
        %min3A_126 = arith.minsi %add3A_125, %min3A : i32
        %broadcast_in_dim3A_127 = vector.broadcast %min3A_126 : i32 to vector<16xi32>
        %gather3A = tpu.vector_load_idx %arg6[%broadcast_in_dim3A_127] : memref<50000xf32, #tpu.memory_space<vmem>>[vector<16xi32>], vector<16xf32>,
        %gather3A_128 = tpu.vector_load_idx %arg7[%broadcast_in_dim3A_127] : memref<50000xf32, #tpu.memory_space<vmem>>[vector<16xi32>], vector<16xf32>,
        %mul3A_129 = arith.constant 64 : i32
        %mul3A_130 = arith.muli %scan3A_123, %mul3A_129 : i32
        %add3A_131 = arith.constant 0 : i32
        %add3A_132 = arith.addi %mul3A_130, %add3A_131 : i32
        %get3A = arith.index_cast %add3A_132 : i32 to index
        %get3A_133 = tpu.vector_load %arg8[%get3A] {strides = array<i32>} : memref<5120xi32, #tpu.memory_space<vmem>>, vector<16xi32>,
        %gather3A_134 = tpu.vector_load_idx %arg6[%get3A_133] : memref<50000xf32, #tpu.memory_space<vmem>>[vector<16xi32>], vector<16xf32>,
        %gather3A_135 = tpu.vector_load_idx %arg7[%get3A_133] : memref<50000xf32, #tpu.memory_space<vmem>>[vector<16xi32>], vector<16xf32>,
        %sub3A_136 = arith.subf %gather3A_134, %gather3A : vector<16xf32>
        %sub3A_137 = arith.subf %gather3A_135, %gather3A_128 : vector<16xf32>
        %mul3A_138 = arith.mulf %sub3A_136, %sub3A_136 : vector<16xf32>
        %mul3A_139 = arith.mulf %sub3A_137, %sub3A_137 : vector<16xf32>
        %add3A_140 = arith.addf %mul3A_138, %mul3A_139 : vector<16xf32>
        %bitcast3A_141 = vector.bitcast %add3A_140 : vector<16xf32> to vector<16xi32>
        %shift_right_arithmetic3A_142 = arith.constant 1 : i32
        %shift_right_arithmetic3A_143 = vector.broadcast %shift_right_arithmetic3A_142 : i32 to vector<16xi32>
        %shift_right_arithmetic3A_144 = arith.shrsi %bitcast3A_141, %shift_right_arithmetic3A_143 : vector<16xi32>
        %sub3A_145 = arith.constant 1597463007 : i32
        %sub3A_146 = vector.broadcast %sub3A_145 : i32 to vector<16xi32>
        %sub3A_147 = arith.subi %sub3A_146, %shift_right_arithmetic3A_144 : vector<16xi32>
        %bitcast3A_148 = vector.bitcast %sub3A_147 : vector<16xi32> to vector<16xf32>
        %mul3A_149 = arith.constant 5.000000e-01 : f32
        %mul3A_150 = vector.broadcast %mul3A_149 : f32 to vector<16xf32>
        %mul3A_151 = arith.mulf %mul3A_150, %add3A_140 : vector<16xf32>
        %mul3A_152 = arith.mulf %mul3A_151, %bitcast3A_148 : vector<16xf32>
        %mul3A_153 = arith.mulf %mul3A_152, %bitcast3A_148 : vector<16xf32>
        %sub3A_154 = arith.constant 1.500000e+00 : f32
        %sub3A_155 = vector.broadcast %sub3A_154 : f32 to vector<16xf32>
        %sub3A_156 = arith.subf %sub3A_155, %mul3A_153 : vector<16xf32>
        %mul3A_157 = arith.mulf %bitcast3A_148, %sub3A_156 : vector<16xf32>
        %mul3A_158 = arith.mulf %mul3A_151, %mul3A_157 : vector<16xf32>
        %mul3A_159 = arith.mulf %mul3A_158, %mul3A_157 : vector<16xf32>
        %sub3A_160 = arith.constant 1.500000e+00 : f32
        %sub3A_161 = vector.broadcast %sub3A_160 : f32 to vector<16xf32>
        %sub3A_162 = arith.subf %sub3A_161, %mul3A_159 : vector<16xf32>
        %mul3A_163 = arith.mulf %mul3A_157, %sub3A_162 : vector<16xf32>
        %mul3A_164 = arith.mulf %sub3A_136, %mul3A_163 : vector<16xf32>
        %abs3A_165 = math.absf %mul3A_164 : vector<16xf32>
        %broadcast_in_dim3A_166 = arith.constant -1.872930e-02 : f32
        %broadcast_in_dim3A_167 = vector.broadcast %broadcast_in_dim3A_166 : f32 to vector<16xf32>
        %mul3A_168 = arith.mulf %broadcast_in_dim3A_167, %abs3A_165 : vector<16xf32>
        %add3A_169 = arith.constant 7.426100e-02 : f32
        %add3A_170 = vector.broadcast %add3A_169 : f32 to vector<16xf32>
        %add3A_171 = arith.addf %mul3A_168, %add3A_170 : vector<16xf32>
        %mul3A_172 = arith.mulf %add3A_171, %abs3A_165 : vector<16xf32>
        %add3A_173 = arith.constant -0.212114394 : f32
        %add3A_174 = vector.broadcast %add3A_173 : f32 to vector<16xf32>
        %add3A_175 = arith.addf %mul3A_172, %add3A_174 : vector<16xf32>
        %mul3A_176 = arith.mulf %add3A_175, %abs3A_165 : vector<16xf32>
        %add3A_177 = arith.constant 1.57072878 : f32
        %add3A_178 = vector.broadcast %add3A_177 : f32 to vector<16xf32>
        %add3A_179 = arith.addf %mul3A_176, %add3A_178 : vector<16xf32>
        %sub3A_180 = arith.constant 1.000000e+00 : f32
        %sub3A_181 = vector.broadcast %sub3A_180 : f32 to vector<16xf32>
        %sub3A_182 = arith.subf %sub3A_181, %abs3A_165 : vector<16xf32>
        %max3A_183 = arith.constant 0.000000e+00 : f32
        %max3A_184 = vector.broadcast %max3A_183 : f32 to vector<16xf32>
        %max3A_185 = arith.maximumf %sub3A_182, %max3A_184 : vector<16xf32>
        %bitcast3A_186 = vector.bitcast %max3A_185 : vector<16xf32> to vector<16xi32>
        %shift_right_arithmetic3A_187 = arith.constant 1 : i32
        %shift_right_arithmetic3A_188 = vector.broadcast %shift_right_arithmetic3A_187 : i32 to vector<16xi32>
        %shift_right_arithmetic3A_189 = arith.shrsi %bitcast3A_186, %shift_right_arithmetic3A_188 : vector<16xi32>
        %sub3A_190 = arith.constant 1597463007 : i32
        %sub3A_191 = vector.broadcast %sub3A_190 : i32 to vector<16xi32>
        %sub3A_192 = arith.subi %sub3A_191, %shift_right_arithmetic3A_189 : vector<16xi32>
        %bitcast3A_193 = vector.bitcast %sub3A_192 : vector<16xi32> to vector<16xf32>
        %mul3A_194 = arith.constant 5.000000e-01 : f32
        %mul3A_195 = vector.broadcast %mul3A_194 : f32 to vector<16xf32>
        %mul3A_196 = arith.mulf %mul3A_195, %max3A_185 : vector<16xf32>
        %mul3A_197 = arith.mulf %mul3A_196, %bitcast3A_193 : vector<16xf32>
        %mul3A_198 = arith.mulf %mul3A_197, %bitcast3A_193 : vector<16xf32>
        %sub3A_199 = arith.constant 1.500000e+00 : f32
        %sub3A_200 = vector.broadcast %sub3A_199 : f32 to vector<16xf32>
        %sub3A_201 = arith.subf %sub3A_200, %mul3A_198 : vector<16xf32>
        %mul3A_202 = arith.mulf %bitcast3A_193, %sub3A_201 : vector<16xf32>
        %mul3A_203 = arith.mulf %max3A_185, %mul3A_202 : vector<16xf32>
        %mul3A_204 = arith.mulf %mul3A_203, %add3A_179 : vector<16xf32>
        %lt3A_205 = arith.constant 0.000000e+00 : f32
        %lt3A_206 = vector.broadcast %lt3A_205 : f32 to vector<16xf32>
        %lt3A_207 = arith.cmpf olt, %mul3A_164, %lt3A_206 : vector<16xf32>
        %sub3A_208 = arith.constant 3.14159274 : f32
        %sub3A_209 = vector.broadcast %sub3A_208 : f32 to vector<16xf32>
        %sub3A_210 = arith.subf %sub3A_209, %mul3A_204 : vector<16xf32>
        %select_n3A_211 = arith.select %lt3A_207, %sub3A_210, %mul3A_204 : vector<16xi1>, vector<16xf32>
        %lt3A_212 = arith.constant 0.000000e+00 : f32
        %lt3A_213 = vector.broadcast %lt3A_212 : f32 to vector<16xf32>
        %lt3A_214 = arith.cmpf olt, %sub3A_137, %lt3A_213 : vector<16xf32>
        %sub3A_215 = arith.constant 6.28318548 : f32
        %sub3A_216 = vector.broadcast %sub3A_215 : f32 to vector<16xf32>
        %sub3A_217 = arith.subf %sub3A_216, %select_n3A_211 : vector<16xf32>
        %select_n3A_218 = arith.select %lt3A_214, %sub3A_217, %select_n3A_211 : vector<16xi1>, vector<16xf32>
        %mul3A_219 = arith.constant 64 : i32
        %mul3A_220 = arith.muli %scan3A_123, %mul3A_219 : i32
        %add3A_221 = arith.constant 16 : i32
        %add3A_222 = arith.addi %mul3A_220, %add3A_221 : i32
        %get3A_223 = arith.index_cast %add3A_222 : i32 to index
        %get3A_224 = tpu.vector_load %arg8[%get3A_223] {strides = array<i32>} : memref<5120xi32, #tpu.memory_space<vmem>>, vector<16xi32>,
        %gather3A_225 = tpu.vector_load_idx %arg6[%get3A_224] : memref<50000xf32, #tpu.memory_space<vmem>>[vector<16xi32>], vector<16xf32>,
        %gather3A_226 = tpu.vector_load_idx %arg7[%get3A_224] : memref<50000xf32, #tpu.memory_space<vmem>>[vector<16xi32>], vector<16xf32>,
        %sub3A_227 = arith.subf %gather3A_225, %gather3A : vector<16xf32>
        %sub3A_228 = arith.subf %gather3A_226, %gather3A_128 : vector<16xf32>
        %mul3A_229 = arith.mulf %sub3A_227, %sub3A_227 : vector<16xf32>
        %mul3A_230 = arith.mulf %sub3A_228, %sub3A_228 : vector<16xf32>
        %add3A_231 = arith.addf %mul3A_229, %mul3A_230 : vector<16xf32>
        %bitcast3A_232 = vector.bitcast %add3A_231 : vector<16xf32> to vector<16xi32>
        %shift_right_arithmetic3A_233 = arith.constant 1 : i32
        %shift_right_arithmetic3A_234 = vector.broadcast %shift_right_arithmetic3A_233 : i32 to vector<16xi32>
        %shift_right_arithmetic3A_235 = arith.shrsi %bitcast3A_232, %shift_right_arithmetic3A_234 : vector<16xi32>
        %sub3A_236 = arith.constant 1597463007 : i32
        %sub3A_237 = vector.broadcast %sub3A_236 : i32 to vector<16xi32>
        %sub3A_238 = arith.subi %sub3A_237, %shift_right_arithmetic3A_235 : vector<16xi32>
        %bitcast3A_239 = vector.bitcast %sub3A_238 : vector<16xi32> to vector<16xf32>
        %mul3A_240 = arith.constant 5.000000e-01 : f32
        %mul3A_241 = vector.broadcast %mul3A_240 : f32 to vector<16xf32>
        %mul3A_242 = arith.mulf %mul3A_241, %add3A_231 : vector<16xf32>
        %mul3A_243 = arith.mulf %mul3A_242, %bitcast3A_239 : vector<16xf32>
        %mul3A_244 = arith.mulf %mul3A_243, %bitcast3A_239 : vector<16xf32>
        %sub3A_245 = arith.constant 1.500000e+00 : f32
        %sub3A_246 = vector.broadcast %sub3A_245 : f32 to vector<16xf32>
        %sub3A_247 = arith.subf %sub3A_246, %mul3A_244 : vector<16xf32>
        %mul3A_248 = arith.mulf %bitcast3A_239, %sub3A_247 : vector<16xf32>
        %mul3A_249 = arith.mulf %mul3A_242, %mul3A_248 : vector<16xf32>
        %mul3A_250 = arith.mulf %mul3A_249, %mul3A_248 : vector<16xf32>
        %sub3A_251 = arith.constant 1.500000e+00 : f32
        %sub3A_252 = vector.broadcast %sub3A_251 : f32 to vector<16xf32>
        %sub3A_253 = arith.subf %sub3A_252, %mul3A_250 : vector<16xf32>
        %mul3A_254 = arith.mulf %mul3A_248, %sub3A_253 : vector<16xf32>
        %mul3A_255 = arith.mulf %sub3A_227, %mul3A_254 : vector<16xf32>
        %abs3A_256 = math.absf %mul3A_255 : vector<16xf32>
        %broadcast_in_dim3A_257 = arith.constant -1.872930e-02 : f32
        %broadcast_in_dim3A_258 = vector.broadcast %broadcast_in_dim3A_257 : f32 to vector<16xf32>
        %mul3A_259 = arith.mulf %broadcast_in_dim3A_258, %abs3A_256 : vector<16xf32>
        %add3A_260 = arith.constant 7.426100e-02 : f32
        %add3A_261 = vector.broadcast %add3A_260 : f32 to vector<16xf32>
        %add3A_262 = arith.addf %mul3A_259, %add3A_261 : vector<16xf32>
        %mul3A_263 = arith.mulf %add3A_262, %abs3A_256 : vector<16xf32>
        %add3A_264 = arith.constant -0.212114394 : f32
        %add3A_265 = vector.broadcast %add3A_264 : f32 to vector<16xf32>
        %add3A_266 = arith.addf %mul3A_263, %add3A_265 : vector<16xf32>
        %mul3A_267 = arith.mulf %add3A_266, %abs3A_256 : vector<16xf32>
        %add3A_268 = arith.constant 1.57072878 : f32
        %add3A_269 = vector.broadcast %add3A_268 : f32 to vector<16xf32>
        %add3A_270 = arith.addf %mul3A_267, %add3A_269 : vector<16xf32>
        %sub3A_271 = arith.constant 1.000000e+00 : f32
        %sub3A_272 = vector.broadcast %sub3A_271 : f32 to vector<16xf32>
        %sub3A_273 = arith.subf %sub3A_272, %abs3A_256 : vector<16xf32>
        %max3A_274 = arith.constant 0.000000e+00 : f32
        %max3A_275 = vector.broadcast %max3A_274 : f32 to vector<16xf32>
        %max3A_276 = arith.maximumf %sub3A_273, %max3A_275 : vector<16xf32>
        %bitcast3A_277 = vector.bitcast %max3A_276 : vector<16xf32> to vector<16xi32>
        %shift_right_arithmetic3A_278 = arith.constant 1 : i32
        %shift_right_arithmetic3A_279 = vector.broadcast %shift_right_arithmetic3A_278 : i32 to vector<16xi32>
        %shift_right_arithmetic3A_280 = arith.shrsi %bitcast3A_277, %shift_right_arithmetic3A_279 : vector<16xi32>
        %sub3A_281 = arith.constant 1597463007 : i32
        %sub3A_282 = vector.broadcast %sub3A_281 : i32 to vector<16xi32>
        %sub3A_283 = arith.subi %sub3A_282, %shift_right_arithmetic3A_280 : vector<16xi32>
        %bitcast3A_284 = vector.bitcast %sub3A_283 : vector<16xi32> to vector<16xf32>
        %mul3A_285 = arith.constant 5.000000e-01 : f32
        %mul3A_286 = vector.broadcast %mul3A_285 : f32 to vector<16xf32>
        %mul3A_287 = arith.mulf %mul3A_286, %max3A_276 : vector<16xf32>
        %mul3A_288 = arith.mulf %mul3A_287, %bitcast3A_284 : vector<16xf32>
        %mul3A_289 = arith.mulf %mul3A_288, %bitcast3A_284 : vector<16xf32>
        %sub3A_290 = arith.constant 1.500000e+00 : f32
        %sub3A_291 = vector.broadcast %sub3A_290 : f32 to vector<16xf32>
        %sub3A_292 = arith.subf %sub3A_291, %mul3A_289 : vector<16xf32>
        %mul3A_293 = arith.mulf %bitcast3A_284, %sub3A_292 : vector<16xf32>
        %mul3A_294 = arith.mulf %max3A_276, %mul3A_293 : vector<16xf32>
        %mul3A_295 = arith.mulf %mul3A_294, %add3A_270 : vector<16xf32>
        %lt3A_296 = arith.constant 0.000000e+00 : f32
        %lt3A_297 = vector.broadcast %lt3A_296 : f32 to vector<16xf32>
        %lt3A_298 = arith.cmpf olt, %mul3A_255, %lt3A_297 : vector<16xf32>
        %sub3A_299 = arith.constant 3.14159274 : f32
        %sub3A_300 = vector.broadcast %sub3A_299 : f32 to vector<16xf32>
        %sub3A_301 = arith.subf %sub3A_300, %mul3A_295 : vector<16xf32>
        %select_n3A_302 = arith.select %lt3A_298, %sub3A_301, %mul3A_295 : vector<16xi1>, vector<16xf32>
        %lt3A_303 = arith.constant 0.000000e+00 : f32
        %lt3A_304 = vector.broadcast %lt3A_303 : f32 to vector<16xf32>
        %lt3A_305 = arith.cmpf olt, %sub3A_228, %lt3A_304 : vector<16xf32>
        %sub3A_306 = arith.constant 6.28318548 : f32
        %sub3A_307 = vector.broadcast %sub3A_306 : f32 to vector<16xf32>
        %sub3A_308 = arith.subf %sub3A_307, %select_n3A_302 : vector<16xf32>
        %select_n3A_309 = arith.select %lt3A_305, %sub3A_308, %select_n3A_302 : vector<16xi1>, vector<16xf32>
        %mul3A_310 = arith.constant 64 : i32
        %mul3A_311 = arith.muli %scan3A_123, %mul3A_310 : i32
        %add3A_312 = arith.constant 32 : i32
        %add3A_313 = arith.addi %mul3A_311, %add3A_312 : i32
        %get3A_314 = arith.index_cast %add3A_313 : i32 to index
        %get3A_315 = tpu.vector_load %arg8[%get3A_314] {strides = array<i32>} : memref<5120xi32, #tpu.memory_space<vmem>>, vector<16xi32>,
        %gather3A_316 = tpu.vector_load_idx %arg6[%get3A_315] : memref<50000xf32, #tpu.memory_space<vmem>>[vector<16xi32>], vector<16xf32>,
        %gather3A_317 = tpu.vector_load_idx %arg7[%get3A_315] : memref<50000xf32, #tpu.memory_space<vmem>>[vector<16xi32>], vector<16xf32>,
        %sub3A_318 = arith.subf %gather3A_316, %gather3A : vector<16xf32>
        %sub3A_319 = arith.subf %gather3A_317, %gather3A_128 : vector<16xf32>
        %mul3A_320 = arith.mulf %sub3A_318, %sub3A_318 : vector<16xf32>
        %mul3A_321 = arith.mulf %sub3A_319, %sub3A_319 : vector<16xf32>
        %add3A_322 = arith.addf %mul3A_320, %mul3A_321 : vector<16xf32>
        %bitcast3A_323 = vector.bitcast %add3A_322 : vector<16xf32> to vector<16xi32>
        %shift_right_arithmetic3A_324 = arith.constant 1 : i32
        %shift_right_arithmetic3A_325 = vector.broadcast %shift_right_arithmetic3A_324 : i32 to vector<16xi32>
        %shift_right_arithmetic3A_326 = arith.shrsi %bitcast3A_323, %shift_right_arithmetic3A_325 : vector<16xi32>
        %sub3A_327 = arith.constant 1597463007 : i32
        %sub3A_328 = vector.broadcast %sub3A_327 : i32 to vector<16xi32>
        %sub3A_329 = arith.subi %sub3A_328, %shift_right_arithmetic3A_326 : vector<16xi32>
        %bitcast3A_330 = vector.bitcast %sub3A_329 : vector<16xi32> to vector<16xf32>
        %mul3A_331 = arith.constant 5.000000e-01 : f32
        %mul3A_332 = vector.broadcast %mul3A_331 : f32 to vector<16xf32>
        %mul3A_333 = arith.mulf %mul3A_332, %add3A_322 : vector<16xf32>
        %mul3A_334 = arith.mulf %mul3A_333, %bitcast3A_330 : vector<16xf32>
        %mul3A_335 = arith.mulf %mul3A_334, %bitcast3A_330 : vector<16xf32>
        %sub3A_336 = arith.constant 1.500000e+00 : f32
        %sub3A_337 = vector.broadcast %sub3A_336 : f32 to vector<16xf32>
        %sub3A_338 = arith.subf %sub3A_337, %mul3A_335 : vector<16xf32>
        %mul3A_339 = arith.mulf %bitcast3A_330, %sub3A_338 : vector<16xf32>
        %mul3A_340 = arith.mulf %mul3A_333, %mul3A_339 : vector<16xf32>
        %mul3A_341 = arith.mulf %mul3A_340, %mul3A_339 : vector<16xf32>
        %sub3A_342 = arith.constant 1.500000e+00 : f32
        %sub3A_343 = vector.broadcast %sub3A_342 : f32 to vector<16xf32>
        %sub3A_344 = arith.subf %sub3A_343, %mul3A_341 : vector<16xf32>
        %mul3A_345 = arith.mulf %mul3A_339, %sub3A_344 : vector<16xf32>
        %mul3A_346 = arith.mulf %sub3A_318, %mul3A_345 : vector<16xf32>
        %abs3A_347 = math.absf %mul3A_346 : vector<16xf32>
        %broadcast_in_dim3A_348 = arith.constant -1.872930e-02 : f32
        %broadcast_in_dim3A_349 = vector.broadcast %broadcast_in_dim3A_348 : f32 to vector<16xf32>
        %mul3A_350 = arith.mulf %broadcast_in_dim3A_349, %abs3A_347 : vector<16xf32>
        %add3A_351 = arith.constant 7.426100e-02 : f32
        %add3A_352 = vector.broadcast %add3A_351 : f32 to vector<16xf32>
        %add3A_353 = arith.addf %mul3A_350, %add3A_352 : vector<16xf32>
        %mul3A_354 = arith.mulf %add3A_353, %abs3A_347 : vector<16xf32>
        %add3A_355 = arith.constant -0.212114394 : f32
        %add3A_356 = vector.broadcast %add3A_355 : f32 to vector<16xf32>
        %add3A_357 = arith.addf %mul3A_354, %add3A_356 : vector<16xf32>
        %mul3A_358 = arith.mulf %add3A_357, %abs3A_347 : vector<16xf32>
        %add3A_359 = arith.constant 1.57072878 : f32
        %add3A_360 = vector.broadcast %add3A_359 : f32 to vector<16xf32>
        %add3A_361 = arith.addf %mul3A_358, %add3A_360 : vector<16xf32>
        %sub3A_362 = arith.constant 1.000000e+00 : f32
        %sub3A_363 = vector.broadcast %sub3A_362 : f32 to vector<16xf32>
        %sub3A_364 = arith.subf %sub3A_363, %abs3A_347 : vector<16xf32>
        %max3A_365 = arith.constant 0.000000e+00 : f32
        %max3A_366 = vector.broadcast %max3A_365 : f32 to vector<16xf32>
        %max3A_367 = arith.maximumf %sub3A_364, %max3A_366 : vector<16xf32>
        %bitcast3A_368 = vector.bitcast %max3A_367 : vector<16xf32> to vector<16xi32>
        %shift_right_arithmetic3A_369 = arith.constant 1 : i32
        %shift_right_arithmetic3A_370 = vector.broadcast %shift_right_arithmetic3A_369 : i32 to vector<16xi32>
        %shift_right_arithmetic3A_371 = arith.shrsi %bitcast3A_368, %shift_right_arithmetic3A_370 : vector<16xi32>
        %sub3A_372 = arith.constant 1597463007 : i32
        %sub3A_373 = vector.broadcast %sub3A_372 : i32 to vector<16xi32>
        %sub3A_374 = arith.subi %sub3A_373, %shift_right_arithmetic3A_371 : vector<16xi32>
        %bitcast3A_375 = vector.bitcast %sub3A_374 : vector<16xi32> to vector<16xf32>
        %mul3A_376 = arith.constant 5.000000e-01 : f32
        %mul3A_377 = vector.broadcast %mul3A_376 : f32 to vector<16xf32>
        %mul3A_378 = arith.mulf %mul3A_377, %max3A_367 : vector<16xf32>
        %mul3A_379 = arith.mulf %mul3A_378, %bitcast3A_375 : vector<16xf32>
        %mul3A_380 = arith.mulf %mul3A_379, %bitcast3A_375 : vector<16xf32>
        %sub3A_381 = arith.constant 1.500000e+00 : f32
        %sub3A_382 = vector.broadcast %sub3A_381 : f32 to vector<16xf32>
        %sub3A_383 = arith.subf %sub3A_382, %mul3A_380 : vector<16xf32>
        %mul3A_384 = arith.mulf %bitcast3A_375, %sub3A_383 : vector<16xf32>
        %mul3A_385 = arith.mulf %max3A_367, %mul3A_384 : vector<16xf32>
        %mul3A_386 = arith.mulf %mul3A_385, %add3A_361 : vector<16xf32>
        %lt3A_387 = arith.constant 0.000000e+00 : f32
        %lt3A_388 = vector.broadcast %lt3A_387 : f32 to vector<16xf32>
        %lt3A_389 = arith.cmpf olt, %mul3A_346, %lt3A_388 : vector<16xf32>
        %sub3A_390 = arith.constant 3.14159274 : f32
        %sub3A_391 = vector.broadcast %sub3A_390 : f32 to vector<16xf32>
        %sub3A_392 = arith.subf %sub3A_391, %mul3A_386 : vector<16xf32>
        %select_n3A_393 = arith.select %lt3A_389, %sub3A_392, %mul3A_386 : vector<16xi1>, vector<16xf32>
        %lt3A_394 = arith.constant 0.000000e+00 : f32
        %lt3A_395 = vector.broadcast %lt3A_394 : f32 to vector<16xf32>
        %lt3A_396 = arith.cmpf olt, %sub3A_319, %lt3A_395 : vector<16xf32>
        %sub3A_397 = arith.constant 6.28318548 : f32
        %sub3A_398 = vector.broadcast %sub3A_397 : f32 to vector<16xf32>
        %sub3A_399 = arith.subf %sub3A_398, %select_n3A_393 : vector<16xf32>
        %select_n3A_400 = arith.select %lt3A_396, %sub3A_399, %select_n3A_393 : vector<16xi1>, vector<16xf32>
        %mul3A_401 = arith.constant 64 : i32
        %mul3A_402 = arith.muli %scan3A_123, %mul3A_401 : i32
        %add3A_403 = arith.constant 48 : i32
        %add3A_404 = arith.addi %mul3A_402, %add3A_403 : i32
        %get3A_405 = arith.index_cast %add3A_404 : i32 to index
        %get3A_406 = tpu.vector_load %arg8[%get3A_405] {strides = array<i32>} : memref<5120xi32, #tpu.memory_space<vmem>>, vector<16xi32>,
        %gather3A_407 = tpu.vector_load_idx %arg6[%get3A_406] : memref<50000xf32, #tpu.memory_space<vmem>>[vector<16xi32>], vector<16xf32>,
        %gather3A_408 = tpu.vector_load_idx %arg7[%get3A_406] : memref<50000xf32, #tpu.memory_space<vmem>>[vector<16xi32>], vector<16xf32>,
        %sub3A_409 = arith.subf %gather3A_407, %gather3A : vector<16xf32>
        %sub3A_410 = arith.subf %gather3A_408, %gather3A_128 : vector<16xf32>
        %mul3A_411 = arith.mulf %sub3A_409, %sub3A_409 : vector<16xf32>
        %mul3A_412 = arith.mulf %sub3A_410, %sub3A_410 : vector<16xf32>
        %add3A_413 = arith.addf %mul3A_411, %mul3A_412 : vector<16xf32>
        %bitcast3A_414 = vector.bitcast %add3A_413 : vector<16xf32> to vector<16xi32>
        %shift_right_arithmetic3A_415 = arith.constant 1 : i32
        %shift_right_arithmetic3A_416 = vector.broadcast %shift_right_arithmetic3A_415 : i32 to vector<16xi32>
        %shift_right_arithmetic3A_417 = arith.shrsi %bitcast3A_414, %shift_right_arithmetic3A_416 : vector<16xi32>
        %sub3A_418 = arith.constant 1597463007 : i32
        %sub3A_419 = vector.broadcast %sub3A_418 : i32 to vector<16xi32>
        %sub3A_420 = arith.subi %sub3A_419, %shift_right_arithmetic3A_417 : vector<16xi32>
        %bitcast3A_421 = vector.bitcast %sub3A_420 : vector<16xi32> to vector<16xf32>
        %mul3A_422 = arith.constant 5.000000e-01 : f32
        %mul3A_423 = vector.broadcast %mul3A_422 : f32 to vector<16xf32>
        %mul3A_424 = arith.mulf %mul3A_423, %add3A_413 : vector<16xf32>
        %mul3A_425 = arith.mulf %mul3A_424, %bitcast3A_421 : vector<16xf32>
        %mul3A_426 = arith.mulf %mul3A_425, %bitcast3A_421 : vector<16xf32>
        %sub3A_427 = arith.constant 1.500000e+00 : f32
        %sub3A_428 = vector.broadcast %sub3A_427 : f32 to vector<16xf32>
        %sub3A_429 = arith.subf %sub3A_428, %mul3A_426 : vector<16xf32>
        %mul3A_430 = arith.mulf %bitcast3A_421, %sub3A_429 : vector<16xf32>
        %mul3A_431 = arith.mulf %mul3A_424, %mul3A_430 : vector<16xf32>
        %mul3A_432 = arith.mulf %mul3A_431, %mul3A_430 : vector<16xf32>
        %sub3A_433 = arith.constant 1.500000e+00 : f32
        %sub3A_434 = vector.broadcast %sub3A_433 : f32 to vector<16xf32>
        %sub3A_435 = arith.subf %sub3A_434, %mul3A_432 : vector<16xf32>
        %mul3A_436 = arith.mulf %mul3A_430, %sub3A_435 : vector<16xf32>
        %mul3A_437 = arith.mulf %sub3A_409, %mul3A_436 : vector<16xf32>
        %abs3A_438 = math.absf %mul3A_437 : vector<16xf32>
        %broadcast_in_dim3A_439 = arith.constant -1.872930e-02 : f32
        %broadcast_in_dim3A_440 = vector.broadcast %broadcast_in_dim3A_439 : f32 to vector<16xf32>
        %mul3A_441 = arith.mulf %broadcast_in_dim3A_440, %abs3A_438 : vector<16xf32>
        %add3A_442 = arith.constant 7.426100e-02 : f32
        %add3A_443 = vector.broadcast %add3A_442 : f32 to vector<16xf32>
        %add3A_444 = arith.addf %mul3A_441, %add3A_443 : vector<16xf32>
        %mul3A_445 = arith.mulf %add3A_444, %abs3A_438 : vector<16xf32>
        %add3A_446 = arith.constant -0.212114394 : f32
        %add3A_447 = vector.broadcast %add3A_446 : f32 to vector<16xf32>
        %add3A_448 = arith.addf %mul3A_445, %add3A_447 : vector<16xf32>
        %mul3A_449 = arith.mulf %add3A_448, %abs3A_438 : vector<16xf32>
        %add3A_450 = arith.constant 1.57072878 : f32
        %add3A_451 = vector.broadcast %add3A_450 : f32 to vector<16xf32>
        %add3A_452 = arith.addf %mul3A_449, %add3A_451 : vector<16xf32>
        %sub3A_453 = arith.constant 1.000000e+00 : f32
        %sub3A_454 = vector.broadcast %sub3A_453 : f32 to vector<16xf32>
        %sub3A_455 = arith.subf %sub3A_454, %abs3A_438 : vector<16xf32>
        %max3A_456 = arith.constant 0.000000e+00 : f32
        %max3A_457 = vector.broadcast %max3A_456 : f32 to vector<16xf32>
        %max3A_458 = arith.maximumf %sub3A_455, %max3A_457 : vector<16xf32>
        %bitcast3A_459 = vector.bitcast %max3A_458 : vector<16xf32> to vector<16xi32>
        %shift_right_arithmetic3A_460 = arith.constant 1 : i32
        %shift_right_arithmetic3A_461 = vector.broadcast %shift_right_arithmetic3A_460 : i32 to vector<16xi32>
        %shift_right_arithmetic3A_462 = arith.shrsi %bitcast3A_459, %shift_right_arithmetic3A_461 : vector<16xi32>
        %sub3A_463 = arith.constant 1597463007 : i32
        %sub3A_464 = vector.broadcast %sub3A_463 : i32 to vector<16xi32>
        %sub3A_465 = arith.subi %sub3A_464, %shift_right_arithmetic3A_462 : vector<16xi32>
        %bitcast3A_466 = vector.bitcast %sub3A_465 : vector<16xi32> to vector<16xf32>
        %mul3A_467 = arith.constant 5.000000e-01 : f32
        %mul3A_468 = vector.broadcast %mul3A_467 : f32 to vector<16xf32>
        %mul3A_469 = arith.mulf %mul3A_468, %max3A_458 : vector<16xf32>
        %mul3A_470 = arith.mulf %mul3A_469, %bitcast3A_466 : vector<16xf32>
        %mul3A_471 = arith.mulf %mul3A_470, %bitcast3A_466 : vector<16xf32>
        %sub3A_472 = arith.constant 1.500000e+00 : f32
        %sub3A_473 = vector.broadcast %sub3A_472 : f32 to vector<16xf32>
        %sub3A_474 = arith.subf %sub3A_473, %mul3A_471 : vector<16xf32>
        %mul3A_475 = arith.mulf %bitcast3A_466, %sub3A_474 : vector<16xf32>
        %mul3A_476 = arith.mulf %max3A_458, %mul3A_475 : vector<16xf32>
        %mul3A_477 = arith.mulf %mul3A_476, %add3A_452 : vector<16xf32>
        %lt3A_478 = arith.constant 0.000000e+00 : f32
        %lt3A_479 = vector.broadcast %lt3A_478 : f32 to vector<16xf32>
        %lt3A_480 = arith.cmpf olt, %mul3A_437, %lt3A_479 : vector<16xf32>
        %sub3A_481 = arith.constant 3.14159274 : f32
        %sub3A_482 = vector.broadcast %sub3A_481 : f32 to vector<16xf32>
        %sub3A_483 = arith.subf %sub3A_482, %mul3A_477 : vector<16xf32>
        %select_n3A_484 = arith.select %lt3A_480, %sub3A_483, %mul3A_477 : vector<16xi1>, vector<16xf32>
        %lt3A_485 = arith.constant 0.000000e+00 : f32
        %lt3A_486 = vector.broadcast %lt3A_485 : f32 to vector<16xf32>
        %lt3A_487 = arith.cmpf olt, %sub3A_410, %lt3A_486 : vector<16xf32>
        %sub3A_488 = arith.constant 6.28318548 : f32
        %sub3A_489 = vector.broadcast %sub3A_488 : f32 to vector<16xf32>
        %sub3A_490 = arith.subf %sub3A_489, %select_n3A_484 : vector<16xf32>
        %select_n3A_491 = arith.select %lt3A_487, %sub3A_490, %select_n3A_484 : vector<16xi1>, vector<16xf32>
        %sort3A = arith.constant dense<true> : vector<16xi1>
        %sort3A_492, %sort3A_493, %sort3A_494 = tpu.sort %select_n3A_218, %select_n3A_218 masked %sort3A : (vector<16xf32>, vector<16xf32>, vector<16xi1>) -> (vector<16xi1>, vector<16xf32>, vector<16xf32>)
        %sort3A_495 = arith.constant dense<true> : vector<16xi1>
        %sort3A_496, %sort3A_497, %sort3A_498 = tpu.sort %select_n3A_309, %select_n3A_309 masked %sort3A_495 : (vector<16xf32>, vector<16xf32>, vector<16xi1>) -> (vector<16xi1>, vector<16xf32>, vector<16xf32>)
        %lt3A_499 = arith.constant 0 : i32
        %lt3A_500 = vector.broadcast %lt3A_499 : i32 to vector<16xi32>
        %lt3A_501 = arith.cmpi slt, %sub3A_7, %lt3A_500 : vector<16xi32>
        %add3A_502 = arith.constant 16 : i32
        %add3A_503 = vector.broadcast %add3A_502 : i32 to vector<16xi32>
        %add3A_504 = arith.addi %sub3A_7, %add3A_503 : vector<16xi32>
        %select_n3A_505 = arith.select %lt3A_501, %add3A_504, %sub3A_7 : vector<16xi1>, vector<16xi32>
        %broadcast_in_dim3A_506 = vector.shape_cast %select_n3A_505 : vector<16xi32> to vector<16x1xi32>
        %gather3A_507 = vector.shape_cast %broadcast_in_dim3A_506 : vector<16x1xi32> to vector<16xi32>
        %gather3A_508 = tpu.dynamic_gather %sort3A_497[%gather3A_507] in [0] : vector<16xf32>, vector<16xi32> -> vector<16xf32>
        %sort3A_509 = arith.constant dense<true> : vector<16xi1>
        %sort3A_510, %sort3A_511, %sort3A_512 = tpu.sort %select_n3A_400, %select_n3A_400 masked %sort3A_509 : (vector<16xf32>, vector<16xf32>, vector<16xi1>) -> (vector<16xi1>, vector<16xf32>, vector<16xf32>)
        %sort3A_513 = arith.constant dense<true> : vector<16xi1>
        %sort3A_514, %sort3A_515, %sort3A_516 = tpu.sort %select_n3A_491, %select_n3A_491 masked %sort3A_513 : (vector<16xf32>, vector<16xf32>, vector<16xi1>) -> (vector<16xi1>, vector<16xf32>, vector<16xf32>)
        %lt3A_517 = arith.constant 0 : i32
        %lt3A_518 = vector.broadcast %lt3A_517 : i32 to vector<16xi32>
        %lt3A_519 = arith.cmpi slt, %sub3A_7, %lt3A_518 : vector<16xi32>
        %add3A_520 = arith.constant 16 : i32
        %add3A_521 = vector.broadcast %add3A_520 : i32 to vector<16xi32>
        %add3A_522 = arith.addi %sub3A_7, %add3A_521 : vector<16xi32>
        %select_n3A_523 = arith.select %lt3A_519, %add3A_522, %sub3A_7 : vector<16xi1>, vector<16xi32>
        %broadcast_in_dim3A_524 = vector.shape_cast %select_n3A_523 : vector<16xi32> to vector<16x1xi32>
        %gather3A_525 = vector.shape_cast %broadcast_in_dim3A_524 : vector<16x1xi32> to vector<16xi32>
        %gather3A_526 = tpu.dynamic_gather %sort3A_515[%gather3A_525] in [0] : vector<16xf32>, vector<16xi32> -> vector<16xf32>
        %min3A_527 = arith.minimumf %sort3A_493, %gather3A_508 : vector<16xf32>
        %sort3A_528 = arith.constant dense<true> : vector<16xi1>
        %sort3A_529, %sort3A_530, %sort3A_531 = tpu.sort %min3A_527, %min3A_527 masked %sort3A_528 : (vector<16xf32>, vector<16xf32>, vector<16xi1>) -> (vector<16xi1>, vector<16xf32>, vector<16xf32>)
        %max3A_532 = arith.maximumf %sort3A_493, %gather3A_508 : vector<16xf32>
        %sort3A_533 = arith.constant dense<true> : vector<16xi1>
        %sort3A_534, %sort3A_535, %sort3A_536 = tpu.sort %max3A_532, %max3A_532 masked %sort3A_533 : (vector<16xf32>, vector<16xf32>, vector<16xi1>) -> (vector<16xi1>, vector<16xf32>, vector<16xf32>)
        %min3A_537 = arith.minimumf %sort3A_511, %gather3A_526 : vector<16xf32>
        %sort3A_538 = arith.constant dense<true> : vector<16xi1>
        %sort3A_539, %sort3A_540, %sort3A_541 = tpu.sort %min3A_537, %min3A_537 masked %sort3A_538 : (vector<16xf32>, vector<16xf32>, vector<16xi1>) -> (vector<16xi1>, vector<16xf32>, vector<16xf32>)
        %max3A_542 = arith.maximumf %sort3A_511, %gather3A_526 : vector<16xf32>
        %sort3A_543 = arith.constant dense<true> : vector<16xi1>
        %sort3A_544, %sort3A_545, %sort3A_546 = tpu.sort %max3A_542, %max3A_542 masked %sort3A_543 : (vector<16xf32>, vector<16xf32>, vector<16xi1>) -> (vector<16xi1>, vector<16xf32>, vector<16xf32>)
        %lt3A_547 = arith.constant 0 : i32
        %lt3A_548 = vector.broadcast %lt3A_547 : i32 to vector<16xi32>
        %lt3A_549 = arith.cmpi slt, %sub3A_7, %lt3A_548 : vector<16xi32>
        %add3A_550 = arith.constant 16 : i32
        %add3A_551 = vector.broadcast %add3A_550 : i32 to vector<16xi32>
        %add3A_552 = arith.addi %sub3A_7, %add3A_551 : vector<16xi32>
        %select_n3A_553 = arith.select %lt3A_549, %add3A_552, %sub3A_7 : vector<16xi1>, vector<16xi32>
        %broadcast_in_dim3A_554 = vector.shape_cast %select_n3A_553 : vector<16xi32> to vector<16x1xi32>
        %gather3A_555 = vector.shape_cast %broadcast_in_dim3A_554 : vector<16x1xi32> to vector<16xi32>
        %gather3A_556 = tpu.dynamic_gather %sort3A_545[%gather3A_555] in [0] : vector<16xf32>, vector<16xi32> -> vector<16xf32>
        %lt3A_557 = arith.constant 0 : i32
        %lt3A_558 = vector.broadcast %lt3A_557 : i32 to vector<16xi32>
        %lt3A_559 = arith.cmpi slt, %sub3A_7, %lt3A_558 : vector<16xi32>
        %add3A_560 = arith.constant 16 : i32
        %add3A_561 = vector.broadcast %add3A_560 : i32 to vector<16xi32>
        %add3A_562 = arith.addi %sub3A_7, %add3A_561 : vector<16xi32>
        %select_n3A_563 = arith.select %lt3A_559, %add3A_562, %sub3A_7 : vector<16xi1>, vector<16xi32>
        %broadcast_in_dim3A_564 = vector.shape_cast %select_n3A_563 : vector<16xi32> to vector<16x1xi32>
        %gather3A_565 = vector.shape_cast %broadcast_in_dim3A_564 : vector<16x1xi32> to vector<16xi32>
        %gather3A_566 = tpu.dynamic_gather %sort3A_540[%gather3A_565] in [0] : vector<16xf32>, vector<16xi32> -> vector<16xf32>
        %min3A_567 = arith.minimumf %sort3A_530, %gather3A_556 : vector<16xf32>
        %max3A_568 = arith.maximumf %sort3A_530, %gather3A_556 : vector<16xf32>
        %min3A_569 = arith.minimumf %sort3A_535, %gather3A_566 : vector<16xf32>
        %max3A_570 = arith.maximumf %sort3A_535, %gather3A_566 : vector<16xf32>
        %min3A_571 = arith.minimumf %min3A_567, %min3A_569 : vector<16xf32>
        %sort3A_572 = arith.constant dense<true> : vector<16xi1>
        %sort3A_573, %sort3A_574, %sort3A_575 = tpu.sort %min3A_571, %min3A_571 masked %sort3A_572 : (vector<16xf32>, vector<16xf32>, vector<16xi1>) -> (vector<16xi1>, vector<16xf32>, vector<16xf32>)
        %max3A_576 = arith.maximumf %min3A_567, %min3A_569 : vector<16xf32>
        %sort3A_577 = arith.constant dense<true> : vector<16xi1>
        %sort3A_578, %sort3A_579, %sort3A_580 = tpu.sort %max3A_576, %max3A_576 masked %sort3A_577 : (vector<16xf32>, vector<16xf32>, vector<16xi1>) -> (vector<16xi1>, vector<16xf32>, vector<16xf32>)
        %min3A_581 = arith.minimumf %max3A_568, %max3A_570 : vector<16xf32>
        %sort3A_582 = arith.constant dense<true> : vector<16xi1>
        %sort3A_583, %sort3A_584, %sort3A_585 = tpu.sort %min3A_581, %min3A_581 masked %sort3A_582 : (vector<16xf32>, vector<16xf32>, vector<16xi1>) -> (vector<16xi1>, vector<16xf32>, vector<16xf32>)
        %max3A_586 = arith.maximumf %max3A_568, %max3A_570 : vector<16xf32>
        %sort3A_587 = arith.constant dense<true> : vector<16xi1>
        %sort3A_588, %sort3A_589, %sort3A_590 = tpu.sort %max3A_586, %max3A_586 masked %sort3A_587 : (vector<16xf32>, vector<16xf32>, vector<16xi1>) -> (vector<16xi1>, vector<16xf32>, vector<16xf32>)
        %lt3A_591 = arith.constant 0 : i32
        %lt3A_592 = vector.broadcast %lt3A_591 : i32 to vector<16xi32>
        %lt3A_593 = arith.cmpi slt, %select_n3A, %lt3A_592 : vector<16xi32>
        %add3A_594 = arith.constant 16 : i32
        %add3A_595 = vector.broadcast %add3A_594 : i32 to vector<16xi32>
        %add3A_596 = arith.addi %select_n3A, %add3A_595 : vector<16xi32>
        %select_n3A_597 = arith.select %lt3A_593, %add3A_596, %select_n3A : vector<16xi1>, vector<16xi32>
        %broadcast_in_dim3A_598 = vector.shape_cast %select_n3A_597 : vector<16xi32> to vector<16x1xi32>
        %gather3A_599 = vector.shape_cast %broadcast_in_dim3A_598 : vector<16x1xi32> to vector<16xi32>
        %gather3A_600 = tpu.dynamic_gather %sort3A_574[%gather3A_599] in [0] : vector<16xf32>, vector<16xi32> -> vector<16xf32>
        %lt3A_601 = arith.constant 0 : i32
        %lt3A_602 = vector.broadcast %lt3A_601 : i32 to vector<16xi32>
        %lt3A_603 = arith.cmpi slt, %broadcast_in_dim3A_9, %lt3A_602 : vector<16xi32>
        %add3A_604 = arith.constant 16 : i32
        %add3A_605 = vector.broadcast %add3A_604 : i32 to vector<16xi32>
        %add3A_606 = arith.addi %broadcast_in_dim3A_9, %add3A_605 : vector<16xi32>
        %select_n3A_607 = arith.select %lt3A_603, %add3A_606, %broadcast_in_dim3A_9 : vector<16xi1>, vector<16xi32>
        %broadcast_in_dim3A_608 = vector.shape_cast %select_n3A_607 : vector<16xi32> to vector<16x1xi32>
        %gather3A_609 = vector.shape_cast %broadcast_in_dim3A_608 : vector<16x1xi32> to vector<16xi32>
        %gather3A_610 = tpu.dynamic_gather %sort3A_579[%gather3A_609] in [0] : vector<16xf32>, vector<16xi32> -> vector<16xf32>
        %select_n3A_611 = arith.select %eq3A_12, %gather3A_610, %gather3A_600 : vector<16xi1>, vector<16xf32>
        %lt3A_612 = arith.constant 0 : i32
        %lt3A_613 = vector.broadcast %lt3A_612 : i32 to vector<16xi32>
        %lt3A_614 = arith.cmpi slt, %select_n3A, %lt3A_613 : vector<16xi32>
        %add3A_615 = arith.constant 16 : i32
        %add3A_616 = vector.broadcast %add3A_615 : i32 to vector<16xi32>
        %add3A_617 = arith.addi %select_n3A, %add3A_616 : vector<16xi32>
        %select_n3A_618 = arith.select %lt3A_614, %add3A_617, %select_n3A : vector<16xi1>, vector<16xi32>
        %broadcast_in_dim3A_619 = vector.shape_cast %select_n3A_618 : vector<16xi32> to vector<16x1xi32>
        %gather3A_620 = vector.shape_cast %broadcast_in_dim3A_619 : vector<16x1xi32> to vector<16xi32>
        %gather3A_621 = tpu.dynamic_gather %sort3A_579[%gather3A_620] in [0] : vector<16xf32>, vector<16xi32> -> vector<16xf32>
        %lt3A_622 = arith.constant 0 : i32
        %lt3A_623 = vector.broadcast %lt3A_622 : i32 to vector<16xi32>
        %lt3A_624 = arith.cmpi slt, %broadcast_in_dim3A_9, %lt3A_623 : vector<16xi32>
        %add3A_625 = arith.constant 16 : i32
        %add3A_626 = vector.broadcast %add3A_625 : i32 to vector<16xi32>
        %add3A_627 = arith.addi %broadcast_in_dim3A_9, %add3A_626 : vector<16xi32>
        %select_n3A_628 = arith.select %lt3A_624, %add3A_627, %broadcast_in_dim3A_9 : vector<16xi1>, vector<16xi32>
        %broadcast_in_dim3A_629 = vector.shape_cast %select_n3A_628 : vector<16xi32> to vector<16x1xi32>
        %gather3A_630 = vector.shape_cast %broadcast_in_dim3A_629 : vector<16x1xi32> to vector<16xi32>
        %gather3A_631 = tpu.dynamic_gather %sort3A_584[%gather3A_630] in [0] : vector<16xf32>, vector<16xi32> -> vector<16xf32>
        %select_n3A_632 = arith.select %eq3A_12, %gather3A_631, %gather3A_621 : vector<16xi1>, vector<16xf32>
        %lt3A_633 = arith.constant 0 : i32
        %lt3A_634 = vector.broadcast %lt3A_633 : i32 to vector<16xi32>
        %lt3A_635 = arith.cmpi slt, %select_n3A, %lt3A_634 : vector<16xi32>
        %add3A_636 = arith.constant 16 : i32
        %add3A_637 = vector.broadcast %add3A_636 : i32 to vector<16xi32>
        %add3A_638 = arith.addi %select_n3A, %add3A_637 : vector<16xi32>
        %select_n3A_639 = arith.select %lt3A_635, %add3A_638, %select_n3A : vector<16xi1>, vector<16xi32>
        %broadcast_in_dim3A_640 = vector.shape_cast %select_n3A_639 : vector<16xi32> to vector<16x1xi32>
        %gather3A_641 = vector.shape_cast %broadcast_in_dim3A_640 : vector<16x1xi32> to vector<16xi32>
        %gather3A_642 = tpu.dynamic_gather %sort3A_584[%gather3A_641] in [0] : vector<16xf32>, vector<16xi32> -> vector<16xf32>
        %lt3A_643 = arith.constant 0 : i32
        %lt3A_644 = vector.broadcast %lt3A_643 : i32 to vector<16xi32>
        %lt3A_645 = arith.cmpi slt, %broadcast_in_dim3A_9, %lt3A_644 : vector<16xi32>
        %add3A_646 = arith.constant 16 : i32
        %add3A_647 = vector.broadcast %add3A_646 : i32 to vector<16xi32>
        %add3A_648 = arith.addi %broadcast_in_dim3A_9, %add3A_647 : vector<16xi32>
        %select_n3A_649 = arith.select %lt3A_645, %add3A_648, %broadcast_in_dim3A_9 : vector<16xi1>, vector<16xi32>
        %broadcast_in_dim3A_650 = vector.shape_cast %select_n3A_649 : vector<16xi32> to vector<16x1xi32>
        %gather3A_651 = vector.shape_cast %broadcast_in_dim3A_650 : vector<16x1xi32> to vector<16xi32>
        %gather3A_652 = tpu.dynamic_gather %sort3A_589[%gather3A_651] in [0] : vector<16xf32>, vector<16xi32> -> vector<16xf32>
        %select_n3A_653 = arith.select %eq3A_12, %gather3A_652, %gather3A_642 : vector<16xi1>, vector<16xf32>
        %lt3A_654 = arith.constant 0 : i32
        %lt3A_655 = vector.broadcast %lt3A_654 : i32 to vector<16xi32>
        %lt3A_656 = arith.cmpi slt, %select_n3A, %lt3A_655 : vector<16xi32>
        %add3A_657 = arith.constant 16 : i32
        %add3A_658 = vector.broadcast %add3A_657 : i32 to vector<16xi32>
        %add3A_659 = arith.addi %select_n3A, %add3A_658 : vector<16xi32>
        %select_n3A_660 = arith.select %lt3A_656, %add3A_659, %select_n3A : vector<16xi1>, vector<16xi32>
        %broadcast_in_dim3A_661 = vector.shape_cast %select_n3A_660 : vector<16xi32> to vector<16x1xi32>
        %gather3A_662 = vector.shape_cast %broadcast_in_dim3A_661 : vector<16x1xi32> to vector<16xi32>
        %gather3A_663 = tpu.dynamic_gather %sort3A_589[%gather3A_662] in [0] : vector<16xf32>, vector<16xi32> -> vector<16xf32>
        %lt3A_664 = arith.constant 0 : i32
        %lt3A_665 = vector.broadcast %lt3A_664 : i32 to vector<16xi32>
        %lt3A_666 = arith.cmpi slt, %broadcast_in_dim3A_9, %lt3A_665 : vector<16xi32>
        %add3A_667 = arith.constant 16 : i32
        %add3A_668 = vector.broadcast %add3A_667 : i32 to vector<16xi32>
        %add3A_669 = arith.addi %broadcast_in_dim3A_9, %add3A_668 : vector<16xi32>
        %select_n3A_670 = arith.select %lt3A_666, %add3A_669, %broadcast_in_dim3A_9 : vector<16xi1>, vector<16xi32>
        %broadcast_in_dim3A_671 = vector.shape_cast %select_n3A_670 : vector<16xi32> to vector<16x1xi32>
        %gather3A_672 = vector.shape_cast %broadcast_in_dim3A_671 : vector<16x1xi32> to vector<16xi32>
        %gather3A_673 = tpu.dynamic_gather %sort3A_574[%gather3A_672] in [0] : vector<16xf32>, vector<16xi32> -> vector<16xf32>
        %select_n3A_674 = arith.select %eq3A_12, %gather3A_673, %gather3A_663 : vector<16xi1>, vector<16xf32>
        %sub3A_675 = arith.subf %select_n3A_611, %sort3A_574 : vector<16xf32>
        %abs3A_676 = math.absf %sub3A_675 : vector<16xf32>
        %sub3A_677 = arith.constant 6.28318548 : f32
        %sub3A_678 = vector.broadcast %sub3A_677 : f32 to vector<16xf32>
        %sub3A_679 = arith.subf %sub3A_678, %abs3A_676 : vector<16xf32>
        %min3A_680 = arith.minimumf %abs3A_676, %sub3A_679 : vector<16xf32>
        %eq3A_681 = arith.cmpf oeq, %sort3A_574, %select_n3A_58 : vector<16xf32>
        %eq3A_682 = arith.cmpf oeq, %select_n3A_611, %select_n3A_58 : vector<16xf32>
        %or3A = arith.ori %eq3A_681, %eq3A_682 : vector<16xi1>
        %jit3A_683 = arith.constant 1.57079637 : f32
        %broadcast_in_dim3A_684 = vector.broadcast %jit3A_683 : f32 to vector<16xf32>
        %select_n3A_685 = arith.select %or3A, %broadcast_in_dim3A_684, %min3A_680 : vector<16xi1>, vector<16xf32>
        %sub3A_686 = arith.constant 0.0981747731 : f32
        %sub3A_687 = vector.broadcast %sub3A_686 : f32 to vector<16xf32>
        %sub3A_688 = arith.subf %sub3A_687, %select_n3A_685 : vector<16xf32>
        %abs3A_689 = math.absf %sub3A_688 : vector<16xf32>
        %ne3A = arith.cmpf one, %sort3A_574, %select_n3A_611 : vector<16xf32>
        %jit3A_690 = arith.constant 0.000000e+00 : f32
        %broadcast_in_dim3A_691 = vector.broadcast %jit3A_690 : f32 to vector<16xf32>
        %select_n3A_692 = arith.select %ne3A, %abs3A_689, %broadcast_in_dim3A_691 : vector<16xi1>, vector<16xf32>
        %add3A_693 = arith.addf %scan3A_124, %select_n3A_692 : vector<16xf32>
        %sub3A_694 = arith.subf %select_n3A_632, %sort3A_579 : vector<16xf32>
        %abs3A_695 = math.absf %sub3A_694 : vector<16xf32>
        %sub3A_696 = arith.constant 6.28318548 : f32
        %sub3A_697 = vector.broadcast %sub3A_696 : f32 to vector<16xf32>
        %sub3A_698 = arith.subf %sub3A_697, %abs3A_695 : vector<16xf32>
        %min3A_699 = arith.minimumf %abs3A_695, %sub3A_698 : vector<16xf32>
        %eq3A_700 = arith.cmpf oeq, %sort3A_579, %select_n3A_58 : vector<16xf32>
        %eq3A_701 = arith.cmpf oeq, %select_n3A_632, %select_n3A_58 : vector<16xf32>
        %or3A_702 = arith.ori %eq3A_700, %eq3A_701 : vector<16xi1>
        %jit3A_703 = arith.constant 1.57079637 : f32
        %broadcast_in_dim3A_704 = vector.broadcast %jit3A_703 : f32 to vector<16xf32>
        %select_n3A_705 = arith.select %or3A_702, %broadcast_in_dim3A_704, %min3A_699 : vector<16xi1>, vector<16xf32>
        %sub3A_706 = arith.constant 0.0981747731 : f32
        %sub3A_707 = vector.broadcast %sub3A_706 : f32 to vector<16xf32>
        %sub3A_708 = arith.subf %sub3A_707, %select_n3A_705 : vector<16xf32>
        %abs3A_709 = math.absf %sub3A_708 : vector<16xf32>
        %ne3A_710 = arith.cmpf one, %sort3A_579, %select_n3A_632 : vector<16xf32>
        %jit3A_711 = arith.constant 0.000000e+00 : f32
        %broadcast_in_dim3A_712 = vector.broadcast %jit3A_711 : f32 to vector<16xf32>
        %select_n3A_713 = arith.select %ne3A_710, %abs3A_709, %broadcast_in_dim3A_712 : vector<16xi1>, vector<16xf32>
        %add3A_714 = arith.addf %add3A_693, %select_n3A_713 : vector<16xf32>
        %sub3A_715 = arith.subf %select_n3A_653, %sort3A_584 : vector<16xf32>
        %abs3A_716 = math.absf %sub3A_715 : vector<16xf32>
        %sub3A_717 = arith.constant 6.28318548 : f32
        %sub3A_718 = vector.broadcast %sub3A_717 : f32 to vector<16xf32>
        %sub3A_719 = arith.subf %sub3A_718, %abs3A_716 : vector<16xf32>
        %min3A_720 = arith.minimumf %abs3A_716, %sub3A_719 : vector<16xf32>
        %eq3A_721 = arith.cmpf oeq, %sort3A_584, %select_n3A_58 : vector<16xf32>
        %eq3A_722 = arith.cmpf oeq, %select_n3A_653, %select_n3A_58 : vector<16xf32>
        %or3A_723 = arith.ori %eq3A_721, %eq3A_722 : vector<16xi1>
        %jit3A_724 = arith.constant 1.57079637 : f32
        %broadcast_in_dim3A_725 = vector.broadcast %jit3A_724 : f32 to vector<16xf32>
        %select_n3A_726 = arith.select %or3A_723, %broadcast_in_dim3A_725, %min3A_720 : vector<16xi1>, vector<16xf32>
        %sub3A_727 = arith.constant 0.0981747731 : f32
        %sub3A_728 = vector.broadcast %sub3A_727 : f32 to vector<16xf32>
        %sub3A_729 = arith.subf %sub3A_728, %select_n3A_726 : vector<16xf32>
        %abs3A_730 = math.absf %sub3A_729 : vector<16xf32>
        %ne3A_731 = arith.cmpf one, %sort3A_584, %select_n3A_653 : vector<16xf32>
        %jit3A_732 = arith.constant 0.000000e+00 : f32
        %broadcast_in_dim3A_733 = vector.broadcast %jit3A_732 : f32 to vector<16xf32>
        %select_n3A_734 = arith.select %ne3A_731, %abs3A_730, %broadcast_in_dim3A_733 : vector<16xi1>, vector<16xf32>
        %add3A_735 = arith.addf %add3A_714, %select_n3A_734 : vector<16xf32>
        %sub3A_736 = arith.subf %select_n3A_674, %sort3A_589 : vector<16xf32>
        %abs3A_737 = math.absf %sub3A_736 : vector<16xf32>
        %sub3A_738 = arith.constant 6.28318548 : f32
        %sub3A_739 = vector.broadcast %sub3A_738 : f32 to vector<16xf32>
        %sub3A_740 = arith.subf %sub3A_739, %abs3A_737 : vector<16xf32>
        %min3A_741 = arith.minimumf %abs3A_737, %sub3A_740 : vector<16xf32>
        %eq3A_742 = arith.cmpf oeq, %sort3A_589, %select_n3A_58 : vector<16xf32>
        %eq3A_743 = arith.cmpf oeq, %select_n3A_674, %select_n3A_58 : vector<16xf32>
        %or3A_744 = arith.ori %eq3A_742, %eq3A_743 : vector<16xi1>
        %jit3A_745 = arith.constant 1.57079637 : f32
        %broadcast_in_dim3A_746 = vector.broadcast %jit3A_745 : f32 to vector<16xf32>
        %select_n3A_747 = arith.select %or3A_744, %broadcast_in_dim3A_746, %min3A_741 : vector<16xi1>, vector<16xf32>
        %sub3A_748 = arith.constant 0.0981747731 : f32
        %sub3A_749 = vector.broadcast %sub3A_748 : f32 to vector<16xf32>
        %sub3A_750 = arith.subf %sub3A_749, %select_n3A_747 : vector<16xf32>
        %abs3A_751 = math.absf %sub3A_750 : vector<16xf32>
        %ne3A_752 = arith.cmpf one, %sort3A_589, %select_n3A_674 : vector<16xf32>
        %jit3A_753 = arith.constant 0.000000e+00 : f32
        %broadcast_in_dim3A_754 = vector.broadcast %jit3A_753 : f32 to vector<16xf32>
        %select_n3A_755 = arith.select %ne3A_752, %abs3A_751, %broadcast_in_dim3A_754 : vector<16xi1>, vector<16xf32>
        %add3A_756 = arith.addf %add3A_735, %select_n3A_755 : vector<16xf32>
        scf.yield %add3A_756 : vector<16xf32>
      }
      %scan3A_99 = arith.constant 80 : i32
      %lt3A_100 = arith.constant 9 : i32
      %lt3A_101 = arith.cmpi slt, %scan3A_72, %lt3A_100 : i32
      %convert_element_type3A = arith.extui %lt3A_101 : i1 to i32
      %cond3A = arith.constant 0 : i32
      %cond3A_102 = arith.cmpi ne, %convert_element_type3A, %cond3A : i32
      scf.if %cond3A_102 {
        %add3A_123 = arith.constant 2 : i32
        %add3A_124 = arith.addi %mul3A_75, %add3A_123 : i32
        %mul3A_125 = arith.constant 80 : i32
        %mul3A_126 = arith.muli %add3A_124, %mul3A_125 : i32
        %add3A_127 = arith.addi %mul3A_14, %mul3A_126 : i32
        %mul3A_128 = arith.constant 64 : i32
        %mul3A_129 = arith.muli %add3A_127, %mul3A_128 : i32
        %dma_start3A_130 = tpu.memref_slice %arg4[%mul3A_129] : memref<3276800xi32, #tpu.memory_space<hbm>> -> memref<5120xi32, #tpu.memory_space<hbm>>
        %dma_start3A_131 = tpu.memref_slice %arg4[%mul3A_129] : memref<3276800xi32, #tpu.memory_space<hbm>> -> memref<5120xi32, #tpu.memory_space<hbm>>
        tpu.enqueue_dma source(%dma_start3A_131 : memref<5120xi32, #tpu.memory_space<hbm>>) target(%arg8 : memref<5120xi32, #tpu.memory_space<vmem>>) target_semaphore(%arg11 : memref<!tpu.dma_semaphore, #tpu.memory_space<semaphore_mem>>)
      } else {
      }
      %add3A_103 = arith.constant 1 : i32
      %add3A_104 = arith.addi %mul3A_75, %add3A_103 : i32
      %mul3A_105 = arith.constant 80 : i32
      %mul3A_106 = arith.muli %add3A_104, %mul3A_105 : i32
      %add3A_107 = arith.addi %mul3A_14, %mul3A_106 : i32
      %mul3A_108 = arith.constant 64 : i32
      %mul3A_109 = arith.muli %add3A_107, %mul3A_108 : i32
      %dma_wait3A_110 = tpu.memref_slice %arg4[%mul3A_109] : memref<3276800xi32, #tpu.memory_space<hbm>> -> memref<5120xi32, #tpu.memory_space<hbm>>
      %dma_wait3A_111 = tpu.memref_slice %arg4[%mul3A_109] : memref<3276800xi32, #tpu.memory_space<hbm>> -> memref<5120xi32, #tpu.memory_space<hbm>>
      tpu.wait_dma2 semaphore(%arg12 : memref<!tpu.dma_semaphore, #tpu.memory_space<semaphore_mem>>) src(%dma_wait3A_111 : memref<5120xi32, #tpu.memory_space<hbm>>) dst(%arg9 : memref<5120xi32, #tpu.memory_space<vmem>>)
      %add3A_112 = arith.constant 1 : i32
      %add3A_113 = arith.addi %mul3A_75, %add3A_112 : i32
      %mul3A_114 = arith.constant 80 : i32
      %mul3A_115 = arith.muli %add3A_113, %mul3A_114 : i32
      %add3A_116 = arith.addi %mul3A_14, %mul3A_115 : i32
      %scan3A_117 = arith.constant 0 : i32
      %scan3A_118 = arith.constant 80 : i32
      %scan3A_119 = arith.addi %scan3A_117, %scan3A_118 : i32
      %scan3A_120 = arith.constant 1 : i32
      %scan3A_121 = scf.for %scan3A_123 = %scan3A_117 to %scan3A_119 step %scan3A_120 iter_args(%scan3A_124 = %scan3A_98) -> (vector<16xf32>)  : i32 {
        %add3A_125 = arith.addi %add3A_116, %scan3A_123 : i32
        %min3A = arith.constant 49999 : i32
        %min3A_126 = arith.minsi %add3A_125, %min3A : i32
        %broadcast_in_dim3A_127 = vector.broadcast %min3A_126 : i32 to vector<16xi32>
        %gather3A = tpu.vector_load_idx %arg6[%broadcast_in_dim3A_127] : memref<50000xf32, #tpu.memory_space<vmem>>[vector<16xi32>], vector<16xf32>,
        %gather3A_128 = tpu.vector_load_idx %arg7[%broadcast_in_dim3A_127] : memref<50000xf32, #tpu.memory_space<vmem>>[vector<16xi32>], vector<16xf32>,
        %mul3A_129 = arith.constant 64 : i32
        %mul3A_130 = arith.muli %scan3A_123, %mul3A_129 : i32
        %add3A_131 = arith.constant 0 : i32
        %add3A_132 = arith.addi %mul3A_130, %add3A_131 : i32
        %get3A = arith.index_cast %add3A_132 : i32 to index
        %get3A_133 = tpu.vector_load %arg9[%get3A] {strides = array<i32>} : memref<5120xi32, #tpu.memory_space<vmem>>, vector<16xi32>,
        %gather3A_134 = tpu.vector_load_idx %arg6[%get3A_133] : memref<50000xf32, #tpu.memory_space<vmem>>[vector<16xi32>], vector<16xf32>,
        %gather3A_135 = tpu.vector_load_idx %arg7[%get3A_133] : memref<50000xf32, #tpu.memory_space<vmem>>[vector<16xi32>], vector<16xf32>,
        %sub3A_136 = arith.subf %gather3A_134, %gather3A : vector<16xf32>
        %sub3A_137 = arith.subf %gather3A_135, %gather3A_128 : vector<16xf32>
        %mul3A_138 = arith.mulf %sub3A_136, %sub3A_136 : vector<16xf32>
        %mul3A_139 = arith.mulf %sub3A_137, %sub3A_137 : vector<16xf32>
        %add3A_140 = arith.addf %mul3A_138, %mul3A_139 : vector<16xf32>
        %bitcast3A_141 = vector.bitcast %add3A_140 : vector<16xf32> to vector<16xi32>
        %shift_right_arithmetic3A_142 = arith.constant 1 : i32
        %shift_right_arithmetic3A_143 = vector.broadcast %shift_right_arithmetic3A_142 : i32 to vector<16xi32>
        %shift_right_arithmetic3A_144 = arith.shrsi %bitcast3A_141, %shift_right_arithmetic3A_143 : vector<16xi32>
        %sub3A_145 = arith.constant 1597463007 : i32
        %sub3A_146 = vector.broadcast %sub3A_145 : i32 to vector<16xi32>
        %sub3A_147 = arith.subi %sub3A_146, %shift_right_arithmetic3A_144 : vector<16xi32>
        %bitcast3A_148 = vector.bitcast %sub3A_147 : vector<16xi32> to vector<16xf32>
        %mul3A_149 = arith.constant 5.000000e-01 : f32
        %mul3A_150 = vector.broadcast %mul3A_149 : f32 to vector<16xf32>
        %mul3A_151 = arith.mulf %mul3A_150, %add3A_140 : vector<16xf32>
        %mul3A_152 = arith.mulf %mul3A_151, %bitcast3A_148 : vector<16xf32>
        %mul3A_153 = arith.mulf %mul3A_152, %bitcast3A_148 : vector<16xf32>
        %sub3A_154 = arith.constant 1.500000e+00 : f32
        %sub3A_155 = vector.broadcast %sub3A_154 : f32 to vector<16xf32>
        %sub3A_156 = arith.subf %sub3A_155, %mul3A_153 : vector<16xf32>
        %mul3A_157 = arith.mulf %bitcast3A_148, %sub3A_156 : vector<16xf32>
        %mul3A_158 = arith.mulf %mul3A_151, %mul3A_157 : vector<16xf32>
        %mul3A_159 = arith.mulf %mul3A_158, %mul3A_157 : vector<16xf32>
        %sub3A_160 = arith.constant 1.500000e+00 : f32
        %sub3A_161 = vector.broadcast %sub3A_160 : f32 to vector<16xf32>
        %sub3A_162 = arith.subf %sub3A_161, %mul3A_159 : vector<16xf32>
        %mul3A_163 = arith.mulf %mul3A_157, %sub3A_162 : vector<16xf32>
        %mul3A_164 = arith.mulf %sub3A_136, %mul3A_163 : vector<16xf32>
        %abs3A_165 = math.absf %mul3A_164 : vector<16xf32>
        %broadcast_in_dim3A_166 = arith.constant -1.872930e-02 : f32
        %broadcast_in_dim3A_167 = vector.broadcast %broadcast_in_dim3A_166 : f32 to vector<16xf32>
        %mul3A_168 = arith.mulf %broadcast_in_dim3A_167, %abs3A_165 : vector<16xf32>
        %add3A_169 = arith.constant 7.426100e-02 : f32
        %add3A_170 = vector.broadcast %add3A_169 : f32 to vector<16xf32>
        %add3A_171 = arith.addf %mul3A_168, %add3A_170 : vector<16xf32>
        %mul3A_172 = arith.mulf %add3A_171, %abs3A_165 : vector<16xf32>
        %add3A_173 = arith.constant -0.212114394 : f32
        %add3A_174 = vector.broadcast %add3A_173 : f32 to vector<16xf32>
        %add3A_175 = arith.addf %mul3A_172, %add3A_174 : vector<16xf32>
        %mul3A_176 = arith.mulf %add3A_175, %abs3A_165 : vector<16xf32>
        %add3A_177 = arith.constant 1.57072878 : f32
        %add3A_178 = vector.broadcast %add3A_177 : f32 to vector<16xf32>
        %add3A_179 = arith.addf %mul3A_176, %add3A_178 : vector<16xf32>
        %sub3A_180 = arith.constant 1.000000e+00 : f32
        %sub3A_181 = vector.broadcast %sub3A_180 : f32 to vector<16xf32>
        %sub3A_182 = arith.subf %sub3A_181, %abs3A_165 : vector<16xf32>
        %max3A_183 = arith.constant 0.000000e+00 : f32
        %max3A_184 = vector.broadcast %max3A_183 : f32 to vector<16xf32>
        %max3A_185 = arith.maximumf %sub3A_182, %max3A_184 : vector<16xf32>
        %bitcast3A_186 = vector.bitcast %max3A_185 : vector<16xf32> to vector<16xi32>
        %shift_right_arithmetic3A_187 = arith.constant 1 : i32
        %shift_right_arithmetic3A_188 = vector.broadcast %shift_right_arithmetic3A_187 : i32 to vector<16xi32>
        %shift_right_arithmetic3A_189 = arith.shrsi %bitcast3A_186, %shift_right_arithmetic3A_188 : vector<16xi32>
        %sub3A_190 = arith.constant 1597463007 : i32
        %sub3A_191 = vector.broadcast %sub3A_190 : i32 to vector<16xi32>
        %sub3A_192 = arith.subi %sub3A_191, %shift_right_arithmetic3A_189 : vector<16xi32>
        %bitcast3A_193 = vector.bitcast %sub3A_192 : vector<16xi32> to vector<16xf32>
        %mul3A_194 = arith.constant 5.000000e-01 : f32
        %mul3A_195 = vector.broadcast %mul3A_194 : f32 to vector<16xf32>
        %mul3A_196 = arith.mulf %mul3A_195, %max3A_185 : vector<16xf32>
        %mul3A_197 = arith.mulf %mul3A_196, %bitcast3A_193 : vector<16xf32>
        %mul3A_198 = arith.mulf %mul3A_197, %bitcast3A_193 : vector<16xf32>
        %sub3A_199 = arith.constant 1.500000e+00 : f32
        %sub3A_200 = vector.broadcast %sub3A_199 : f32 to vector<16xf32>
        %sub3A_201 = arith.subf %sub3A_200, %mul3A_198 : vector<16xf32>
        %mul3A_202 = arith.mulf %bitcast3A_193, %sub3A_201 : vector<16xf32>
        %mul3A_203 = arith.mulf %max3A_185, %mul3A_202 : vector<16xf32>
        %mul3A_204 = arith.mulf %mul3A_203, %add3A_179 : vector<16xf32>
        %lt3A_205 = arith.constant 0.000000e+00 : f32
        %lt3A_206 = vector.broadcast %lt3A_205 : f32 to vector<16xf32>
        %lt3A_207 = arith.cmpf olt, %mul3A_164, %lt3A_206 : vector<16xf32>
        %sub3A_208 = arith.constant 3.14159274 : f32
        %sub3A_209 = vector.broadcast %sub3A_208 : f32 to vector<16xf32>
        %sub3A_210 = arith.subf %sub3A_209, %mul3A_204 : vector<16xf32>
        %select_n3A_211 = arith.select %lt3A_207, %sub3A_210, %mul3A_204 : vector<16xi1>, vector<16xf32>
        %lt3A_212 = arith.constant 0.000000e+00 : f32
        %lt3A_213 = vector.broadcast %lt3A_212 : f32 to vector<16xf32>
        %lt3A_214 = arith.cmpf olt, %sub3A_137, %lt3A_213 : vector<16xf32>
        %sub3A_215 = arith.constant 6.28318548 : f32
        %sub3A_216 = vector.broadcast %sub3A_215 : f32 to vector<16xf32>
        %sub3A_217 = arith.subf %sub3A_216, %select_n3A_211 : vector<16xf32>
        %select_n3A_218 = arith.select %lt3A_214, %sub3A_217, %select_n3A_211 : vector<16xi1>, vector<16xf32>
        %mul3A_219 = arith.constant 64 : i32
        %mul3A_220 = arith.muli %scan3A_123, %mul3A_219 : i32
        %add3A_221 = arith.constant 16 : i32
        %add3A_222 = arith.addi %mul3A_220, %add3A_221 : i32
        %get3A_223 = arith.index_cast %add3A_222 : i32 to index
        %get3A_224 = tpu.vector_load %arg9[%get3A_223] {strides = array<i32>} : memref<5120xi32, #tpu.memory_space<vmem>>, vector<16xi32>,
        %gather3A_225 = tpu.vector_load_idx %arg6[%get3A_224] : memref<50000xf32, #tpu.memory_space<vmem>>[vector<16xi32>], vector<16xf32>,
        %gather3A_226 = tpu.vector_load_idx %arg7[%get3A_224] : memref<50000xf32, #tpu.memory_space<vmem>>[vector<16xi32>], vector<16xf32>,
        %sub3A_227 = arith.subf %gather3A_225, %gather3A : vector<16xf32>
        %sub3A_228 = arith.subf %gather3A_226, %gather3A_128 : vector<16xf32>
        %mul3A_229 = arith.mulf %sub3A_227, %sub3A_227 : vector<16xf32>
        %mul3A_230 = arith.mulf %sub3A_228, %sub3A_228 : vector<16xf32>
        %add3A_231 = arith.addf %mul3A_229, %mul3A_230 : vector<16xf32>
        %bitcast3A_232 = vector.bitcast %add3A_231 : vector<16xf32> to vector<16xi32>
        %shift_right_arithmetic3A_233 = arith.constant 1 : i32
        %shift_right_arithmetic3A_234 = vector.broadcast %shift_right_arithmetic3A_233 : i32 to vector<16xi32>
        %shift_right_arithmetic3A_235 = arith.shrsi %bitcast3A_232, %shift_right_arithmetic3A_234 : vector<16xi32>
        %sub3A_236 = arith.constant 1597463007 : i32
        %sub3A_237 = vector.broadcast %sub3A_236 : i32 to vector<16xi32>
        %sub3A_238 = arith.subi %sub3A_237, %shift_right_arithmetic3A_235 : vector<16xi32>
        %bitcast3A_239 = vector.bitcast %sub3A_238 : vector<16xi32> to vector<16xf32>
        %mul3A_240 = arith.constant 5.000000e-01 : f32
        %mul3A_241 = vector.broadcast %mul3A_240 : f32 to vector<16xf32>
        %mul3A_242 = arith.mulf %mul3A_241, %add3A_231 : vector<16xf32>
        %mul3A_243 = arith.mulf %mul3A_242, %bitcast3A_239 : vector<16xf32>
        %mul3A_244 = arith.mulf %mul3A_243, %bitcast3A_239 : vector<16xf32>
        %sub3A_245 = arith.constant 1.500000e+00 : f32
        %sub3A_246 = vector.broadcast %sub3A_245 : f32 to vector<16xf32>
        %sub3A_247 = arith.subf %sub3A_246, %mul3A_244 : vector<16xf32>
        %mul3A_248 = arith.mulf %bitcast3A_239, %sub3A_247 : vector<16xf32>
        %mul3A_249 = arith.mulf %mul3A_242, %mul3A_248 : vector<16xf32>
        %mul3A_250 = arith.mulf %mul3A_249, %mul3A_248 : vector<16xf32>
        %sub3A_251 = arith.constant 1.500000e+00 : f32
        %sub3A_252 = vector.broadcast %sub3A_251 : f32 to vector<16xf32>
        %sub3A_253 = arith.subf %sub3A_252, %mul3A_250 : vector<16xf32>
        %mul3A_254 = arith.mulf %mul3A_248, %sub3A_253 : vector<16xf32>
        %mul3A_255 = arith.mulf %sub3A_227, %mul3A_254 : vector<16xf32>
        %abs3A_256 = math.absf %mul3A_255 : vector<16xf32>
        %broadcast_in_dim3A_257 = arith.constant -1.872930e-02 : f32
        %broadcast_in_dim3A_258 = vector.broadcast %broadcast_in_dim3A_257 : f32 to vector<16xf32>
        %mul3A_259 = arith.mulf %broadcast_in_dim3A_258, %abs3A_256 : vector<16xf32>
        %add3A_260 = arith.constant 7.426100e-02 : f32
        %add3A_261 = vector.broadcast %add3A_260 : f32 to vector<16xf32>
        %add3A_262 = arith.addf %mul3A_259, %add3A_261 : vector<16xf32>
        %mul3A_263 = arith.mulf %add3A_262, %abs3A_256 : vector<16xf32>
        %add3A_264 = arith.constant -0.212114394 : f32
        %add3A_265 = vector.broadcast %add3A_264 : f32 to vector<16xf32>
        %add3A_266 = arith.addf %mul3A_263, %add3A_265 : vector<16xf32>
        %mul3A_267 = arith.mulf %add3A_266, %abs3A_256 : vector<16xf32>
        %add3A_268 = arith.constant 1.57072878 : f32
        %add3A_269 = vector.broadcast %add3A_268 : f32 to vector<16xf32>
        %add3A_270 = arith.addf %mul3A_267, %add3A_269 : vector<16xf32>
        %sub3A_271 = arith.constant 1.000000e+00 : f32
        %sub3A_272 = vector.broadcast %sub3A_271 : f32 to vector<16xf32>
        %sub3A_273 = arith.subf %sub3A_272, %abs3A_256 : vector<16xf32>
        %max3A_274 = arith.constant 0.000000e+00 : f32
        %max3A_275 = vector.broadcast %max3A_274 : f32 to vector<16xf32>
        %max3A_276 = arith.maximumf %sub3A_273, %max3A_275 : vector<16xf32>
        %bitcast3A_277 = vector.bitcast %max3A_276 : vector<16xf32> to vector<16xi32>
        %shift_right_arithmetic3A_278 = arith.constant 1 : i32
        %shift_right_arithmetic3A_279 = vector.broadcast %shift_right_arithmetic3A_278 : i32 to vector<16xi32>
        %shift_right_arithmetic3A_280 = arith.shrsi %bitcast3A_277, %shift_right_arithmetic3A_279 : vector<16xi32>
        %sub3A_281 = arith.constant 1597463007 : i32
        %sub3A_282 = vector.broadcast %sub3A_281 : i32 to vector<16xi32>
        %sub3A_283 = arith.subi %sub3A_282, %shift_right_arithmetic3A_280 : vector<16xi32>
        %bitcast3A_284 = vector.bitcast %sub3A_283 : vector<16xi32> to vector<16xf32>
        %mul3A_285 = arith.constant 5.000000e-01 : f32
        %mul3A_286 = vector.broadcast %mul3A_285 : f32 to vector<16xf32>
        %mul3A_287 = arith.mulf %mul3A_286, %max3A_276 : vector<16xf32>
        %mul3A_288 = arith.mulf %mul3A_287, %bitcast3A_284 : vector<16xf32>
        %mul3A_289 = arith.mulf %mul3A_288, %bitcast3A_284 : vector<16xf32>
        %sub3A_290 = arith.constant 1.500000e+00 : f32
        %sub3A_291 = vector.broadcast %sub3A_290 : f32 to vector<16xf32>
        %sub3A_292 = arith.subf %sub3A_291, %mul3A_289 : vector<16xf32>
        %mul3A_293 = arith.mulf %bitcast3A_284, %sub3A_292 : vector<16xf32>
        %mul3A_294 = arith.mulf %max3A_276, %mul3A_293 : vector<16xf32>
        %mul3A_295 = arith.mulf %mul3A_294, %add3A_270 : vector<16xf32>
        %lt3A_296 = arith.constant 0.000000e+00 : f32
        %lt3A_297 = vector.broadcast %lt3A_296 : f32 to vector<16xf32>
        %lt3A_298 = arith.cmpf olt, %mul3A_255, %lt3A_297 : vector<16xf32>
        %sub3A_299 = arith.constant 3.14159274 : f32
        %sub3A_300 = vector.broadcast %sub3A_299 : f32 to vector<16xf32>
        %sub3A_301 = arith.subf %sub3A_300, %mul3A_295 : vector<16xf32>
        %select_n3A_302 = arith.select %lt3A_298, %sub3A_301, %mul3A_295 : vector<16xi1>, vector<16xf32>
        %lt3A_303 = arith.constant 0.000000e+00 : f32
        %lt3A_304 = vector.broadcast %lt3A_303 : f32 to vector<16xf32>
        %lt3A_305 = arith.cmpf olt, %sub3A_228, %lt3A_304 : vector<16xf32>
        %sub3A_306 = arith.constant 6.28318548 : f32
        %sub3A_307 = vector.broadcast %sub3A_306 : f32 to vector<16xf32>
        %sub3A_308 = arith.subf %sub3A_307, %select_n3A_302 : vector<16xf32>
        %select_n3A_309 = arith.select %lt3A_305, %sub3A_308, %select_n3A_302 : vector<16xi1>, vector<16xf32>
        %mul3A_310 = arith.constant 64 : i32
        %mul3A_311 = arith.muli %scan3A_123, %mul3A_310 : i32
        %add3A_312 = arith.constant 32 : i32
        %add3A_313 = arith.addi %mul3A_311, %add3A_312 : i32
        %get3A_314 = arith.index_cast %add3A_313 : i32 to index
        %get3A_315 = tpu.vector_load %arg9[%get3A_314] {strides = array<i32>} : memref<5120xi32, #tpu.memory_space<vmem>>, vector<16xi32>,
        %gather3A_316 = tpu.vector_load_idx %arg6[%get3A_315] : memref<50000xf32, #tpu.memory_space<vmem>>[vector<16xi32>], vector<16xf32>,
        %gather3A_317 = tpu.vector_load_idx %arg7[%get3A_315] : memref<50000xf32, #tpu.memory_space<vmem>>[vector<16xi32>], vector<16xf32>,
        %sub3A_318 = arith.subf %gather3A_316, %gather3A : vector<16xf32>
        %sub3A_319 = arith.subf %gather3A_317, %gather3A_128 : vector<16xf32>
        %mul3A_320 = arith.mulf %sub3A_318, %sub3A_318 : vector<16xf32>
        %mul3A_321 = arith.mulf %sub3A_319, %sub3A_319 : vector<16xf32>
        %add3A_322 = arith.addf %mul3A_320, %mul3A_321 : vector<16xf32>
        %bitcast3A_323 = vector.bitcast %add3A_322 : vector<16xf32> to vector<16xi32>
        %shift_right_arithmetic3A_324 = arith.constant 1 : i32
        %shift_right_arithmetic3A_325 = vector.broadcast %shift_right_arithmetic3A_324 : i32 to vector<16xi32>
        %shift_right_arithmetic3A_326 = arith.shrsi %bitcast3A_323, %shift_right_arithmetic3A_325 : vector<16xi32>
        %sub3A_327 = arith.constant 1597463007 : i32
        %sub3A_328 = vector.broadcast %sub3A_327 : i32 to vector<16xi32>
        %sub3A_329 = arith.subi %sub3A_328, %shift_right_arithmetic3A_326 : vector<16xi32>
        %bitcast3A_330 = vector.bitcast %sub3A_329 : vector<16xi32> to vector<16xf32>
        %mul3A_331 = arith.constant 5.000000e-01 : f32
        %mul3A_332 = vector.broadcast %mul3A_331 : f32 to vector<16xf32>
        %mul3A_333 = arith.mulf %mul3A_332, %add3A_322 : vector<16xf32>
        %mul3A_334 = arith.mulf %mul3A_333, %bitcast3A_330 : vector<16xf32>
        %mul3A_335 = arith.mulf %mul3A_334, %bitcast3A_330 : vector<16xf32>
        %sub3A_336 = arith.constant 1.500000e+00 : f32
        %sub3A_337 = vector.broadcast %sub3A_336 : f32 to vector<16xf32>
        %sub3A_338 = arith.subf %sub3A_337, %mul3A_335 : vector<16xf32>
        %mul3A_339 = arith.mulf %bitcast3A_330, %sub3A_338 : vector<16xf32>
        %mul3A_340 = arith.mulf %mul3A_333, %mul3A_339 : vector<16xf32>
        %mul3A_341 = arith.mulf %mul3A_340, %mul3A_339 : vector<16xf32>
        %sub3A_342 = arith.constant 1.500000e+00 : f32
        %sub3A_343 = vector.broadcast %sub3A_342 : f32 to vector<16xf32>
        %sub3A_344 = arith.subf %sub3A_343, %mul3A_341 : vector<16xf32>
        %mul3A_345 = arith.mulf %mul3A_339, %sub3A_344 : vector<16xf32>
        %mul3A_346 = arith.mulf %sub3A_318, %mul3A_345 : vector<16xf32>
        %abs3A_347 = math.absf %mul3A_346 : vector<16xf32>
        %broadcast_in_dim3A_348 = arith.constant -1.872930e-02 : f32
        %broadcast_in_dim3A_349 = vector.broadcast %broadcast_in_dim3A_348 : f32 to vector<16xf32>
        %mul3A_350 = arith.mulf %broadcast_in_dim3A_349, %abs3A_347 : vector<16xf32>
        %add3A_351 = arith.constant 7.426100e-02 : f32
        %add3A_352 = vector.broadcast %add3A_351 : f32 to vector<16xf32>
        %add3A_353 = arith.addf %mul3A_350, %add3A_352 : vector<16xf32>
        %mul3A_354 = arith.mulf %add3A_353, %abs3A_347 : vector<16xf32>
        %add3A_355 = arith.constant -0.212114394 : f32
        %add3A_356 = vector.broadcast %add3A_355 : f32 to vector<16xf32>
        %add3A_357 = arith.addf %mul3A_354, %add3A_356 : vector<16xf32>
        %mul3A_358 = arith.mulf %add3A_357, %abs3A_347 : vector<16xf32>
        %add3A_359 = arith.constant 1.57072878 : f32
        %add3A_360 = vector.broadcast %add3A_359 : f32 to vector<16xf32>
        %add3A_361 = arith.addf %mul3A_358, %add3A_360 : vector<16xf32>
        %sub3A_362 = arith.constant 1.000000e+00 : f32
        %sub3A_363 = vector.broadcast %sub3A_362 : f32 to vector<16xf32>
        %sub3A_364 = arith.subf %sub3A_363, %abs3A_347 : vector<16xf32>
        %max3A_365 = arith.constant 0.000000e+00 : f32
        %max3A_366 = vector.broadcast %max3A_365 : f32 to vector<16xf32>
        %max3A_367 = arith.maximumf %sub3A_364, %max3A_366 : vector<16xf32>
        %bitcast3A_368 = vector.bitcast %max3A_367 : vector<16xf32> to vector<16xi32>
        %shift_right_arithmetic3A_369 = arith.constant 1 : i32
        %shift_right_arithmetic3A_370 = vector.broadcast %shift_right_arithmetic3A_369 : i32 to vector<16xi32>
        %shift_right_arithmetic3A_371 = arith.shrsi %bitcast3A_368, %shift_right_arithmetic3A_370 : vector<16xi32>
        %sub3A_372 = arith.constant 1597463007 : i32
        %sub3A_373 = vector.broadcast %sub3A_372 : i32 to vector<16xi32>
        %sub3A_374 = arith.subi %sub3A_373, %shift_right_arithmetic3A_371 : vector<16xi32>
        %bitcast3A_375 = vector.bitcast %sub3A_374 : vector<16xi32> to vector<16xf32>
        %mul3A_376 = arith.constant 5.000000e-01 : f32
        %mul3A_377 = vector.broadcast %mul3A_376 : f32 to vector<16xf32>
        %mul3A_378 = arith.mulf %mul3A_377, %max3A_367 : vector<16xf32>
        %mul3A_379 = arith.mulf %mul3A_378, %bitcast3A_375 : vector<16xf32>
        %mul3A_380 = arith.mulf %mul3A_379, %bitcast3A_375 : vector<16xf32>
        %sub3A_381 = arith.constant 1.500000e+00 : f32
        %sub3A_382 = vector.broadcast %sub3A_381 : f32 to vector<16xf32>
        %sub3A_383 = arith.subf %sub3A_382, %mul3A_380 : vector<16xf32>
        %mul3A_384 = arith.mulf %bitcast3A_375, %sub3A_383 : vector<16xf32>
        %mul3A_385 = arith.mulf %max3A_367, %mul3A_384 : vector<16xf32>
        %mul3A_386 = arith.mulf %mul3A_385, %add3A_361 : vector<16xf32>
        %lt3A_387 = arith.constant 0.000000e+00 : f32
        %lt3A_388 = vector.broadcast %lt3A_387 : f32 to vector<16xf32>
        %lt3A_389 = arith.cmpf olt, %mul3A_346, %lt3A_388 : vector<16xf32>
        %sub3A_390 = arith.constant 3.14159274 : f32
        %sub3A_391 = vector.broadcast %sub3A_390 : f32 to vector<16xf32>
        %sub3A_392 = arith.subf %sub3A_391, %mul3A_386 : vector<16xf32>
        %select_n3A_393 = arith.select %lt3A_389, %sub3A_392, %mul3A_386 : vector<16xi1>, vector<16xf32>
        %lt3A_394 = arith.constant 0.000000e+00 : f32
        %lt3A_395 = vector.broadcast %lt3A_394 : f32 to vector<16xf32>
        %lt3A_396 = arith.cmpf olt, %sub3A_319, %lt3A_395 : vector<16xf32>
        %sub3A_397 = arith.constant 6.28318548 : f32
        %sub3A_398 = vector.broadcast %sub3A_397 : f32 to vector<16xf32>
        %sub3A_399 = arith.subf %sub3A_398, %select_n3A_393 : vector<16xf32>
        %select_n3A_400 = arith.select %lt3A_396, %sub3A_399, %select_n3A_393 : vector<16xi1>, vector<16xf32>
        %mul3A_401 = arith.constant 64 : i32
        %mul3A_402 = arith.muli %scan3A_123, %mul3A_401 : i32
        %add3A_403 = arith.constant 48 : i32
        %add3A_404 = arith.addi %mul3A_402, %add3A_403 : i32
        %get3A_405 = arith.index_cast %add3A_404 : i32 to index
        %get3A_406 = tpu.vector_load %arg9[%get3A_405] {strides = array<i32>} : memref<5120xi32, #tpu.memory_space<vmem>>, vector<16xi32>,
        %gather3A_407 = tpu.vector_load_idx %arg6[%get3A_406] : memref<50000xf32, #tpu.memory_space<vmem>>[vector<16xi32>], vector<16xf32>,
        %gather3A_408 = tpu.vector_load_idx %arg7[%get3A_406] : memref<50000xf32, #tpu.memory_space<vmem>>[vector<16xi32>], vector<16xf32>,
        %sub3A_409 = arith.subf %gather3A_407, %gather3A : vector<16xf32>
        %sub3A_410 = arith.subf %gather3A_408, %gather3A_128 : vector<16xf32>
        %mul3A_411 = arith.mulf %sub3A_409, %sub3A_409 : vector<16xf32>
        %mul3A_412 = arith.mulf %sub3A_410, %sub3A_410 : vector<16xf32>
        %add3A_413 = arith.addf %mul3A_411, %mul3A_412 : vector<16xf32>
        %bitcast3A_414 = vector.bitcast %add3A_413 : vector<16xf32> to vector<16xi32>
        %shift_right_arithmetic3A_415 = arith.constant 1 : i32
        %shift_right_arithmetic3A_416 = vector.broadcast %shift_right_arithmetic3A_415 : i32 to vector<16xi32>
        %shift_right_arithmetic3A_417 = arith.shrsi %bitcast3A_414, %shift_right_arithmetic3A_416 : vector<16xi32>
        %sub3A_418 = arith.constant 1597463007 : i32
        %sub3A_419 = vector.broadcast %sub3A_418 : i32 to vector<16xi32>
        %sub3A_420 = arith.subi %sub3A_419, %shift_right_arithmetic3A_417 : vector<16xi32>
        %bitcast3A_421 = vector.bitcast %sub3A_420 : vector<16xi32> to vector<16xf32>
        %mul3A_422 = arith.constant 5.000000e-01 : f32
        %mul3A_423 = vector.broadcast %mul3A_422 : f32 to vector<16xf32>
        %mul3A_424 = arith.mulf %mul3A_423, %add3A_413 : vector<16xf32>
        %mul3A_425 = arith.mulf %mul3A_424, %bitcast3A_421 : vector<16xf32>
        %mul3A_426 = arith.mulf %mul3A_425, %bitcast3A_421 : vector<16xf32>
        %sub3A_427 = arith.constant 1.500000e+00 : f32
        %sub3A_428 = vector.broadcast %sub3A_427 : f32 to vector<16xf32>
        %sub3A_429 = arith.subf %sub3A_428, %mul3A_426 : vector<16xf32>
        %mul3A_430 = arith.mulf %bitcast3A_421, %sub3A_429 : vector<16xf32>
        %mul3A_431 = arith.mulf %mul3A_424, %mul3A_430 : vector<16xf32>
        %mul3A_432 = arith.mulf %mul3A_431, %mul3A_430 : vector<16xf32>
        %sub3A_433 = arith.constant 1.500000e+00 : f32
        %sub3A_434 = vector.broadcast %sub3A_433 : f32 to vector<16xf32>
        %sub3A_435 = arith.subf %sub3A_434, %mul3A_432 : vector<16xf32>
        %mul3A_436 = arith.mulf %mul3A_430, %sub3A_435 : vector<16xf32>
        %mul3A_437 = arith.mulf %sub3A_409, %mul3A_436 : vector<16xf32>
        %abs3A_438 = math.absf %mul3A_437 : vector<16xf32>
        %broadcast_in_dim3A_439 = arith.constant -1.872930e-02 : f32
        %broadcast_in_dim3A_440 = vector.broadcast %broadcast_in_dim3A_439 : f32 to vector<16xf32>
        %mul3A_441 = arith.mulf %broadcast_in_dim3A_440, %abs3A_438 : vector<16xf32>
        %add3A_442 = arith.constant 7.426100e-02 : f32
        %add3A_443 = vector.broadcast %add3A_442 : f32 to vector<16xf32>
        %add3A_444 = arith.addf %mul3A_441, %add3A_443 : vector<16xf32>
        %mul3A_445 = arith.mulf %add3A_444, %abs3A_438 : vector<16xf32>
        %add3A_446 = arith.constant -0.212114394 : f32
        %add3A_447 = vector.broadcast %add3A_446 : f32 to vector<16xf32>
        %add3A_448 = arith.addf %mul3A_445, %add3A_447 : vector<16xf32>
        %mul3A_449 = arith.mulf %add3A_448, %abs3A_438 : vector<16xf32>
        %add3A_450 = arith.constant 1.57072878 : f32
        %add3A_451 = vector.broadcast %add3A_450 : f32 to vector<16xf32>
        %add3A_452 = arith.addf %mul3A_449, %add3A_451 : vector<16xf32>
        %sub3A_453 = arith.constant 1.000000e+00 : f32
        %sub3A_454 = vector.broadcast %sub3A_453 : f32 to vector<16xf32>
        %sub3A_455 = arith.subf %sub3A_454, %abs3A_438 : vector<16xf32>
        %max3A_456 = arith.constant 0.000000e+00 : f32
        %max3A_457 = vector.broadcast %max3A_456 : f32 to vector<16xf32>
        %max3A_458 = arith.maximumf %sub3A_455, %max3A_457 : vector<16xf32>
        %bitcast3A_459 = vector.bitcast %max3A_458 : vector<16xf32> to vector<16xi32>
        %shift_right_arithmetic3A_460 = arith.constant 1 : i32
        %shift_right_arithmetic3A_461 = vector.broadcast %shift_right_arithmetic3A_460 : i32 to vector<16xi32>
        %shift_right_arithmetic3A_462 = arith.shrsi %bitcast3A_459, %shift_right_arithmetic3A_461 : vector<16xi32>
        %sub3A_463 = arith.constant 1597463007 : i32
        %sub3A_464 = vector.broadcast %sub3A_463 : i32 to vector<16xi32>
        %sub3A_465 = arith.subi %sub3A_464, %shift_right_arithmetic3A_462 : vector<16xi32>
        %bitcast3A_466 = vector.bitcast %sub3A_465 : vector<16xi32> to vector<16xf32>
        %mul3A_467 = arith.constant 5.000000e-01 : f32
        %mul3A_468 = vector.broadcast %mul3A_467 : f32 to vector<16xf32>
        %mul3A_469 = arith.mulf %mul3A_468, %max3A_458 : vector<16xf32>
        %mul3A_470 = arith.mulf %mul3A_469, %bitcast3A_466 : vector<16xf32>
        %mul3A_471 = arith.mulf %mul3A_470, %bitcast3A_466 : vector<16xf32>
        %sub3A_472 = arith.constant 1.500000e+00 : f32
        %sub3A_473 = vector.broadcast %sub3A_472 : f32 to vector<16xf32>
        %sub3A_474 = arith.subf %sub3A_473, %mul3A_471 : vector<16xf32>
        %mul3A_475 = arith.mulf %bitcast3A_466, %sub3A_474 : vector<16xf32>
        %mul3A_476 = arith.mulf %max3A_458, %mul3A_475 : vector<16xf32>
        %mul3A_477 = arith.mulf %mul3A_476, %add3A_452 : vector<16xf32>
        %lt3A_478 = arith.constant 0.000000e+00 : f32
        %lt3A_479 = vector.broadcast %lt3A_478 : f32 to vector<16xf32>
        %lt3A_480 = arith.cmpf olt, %mul3A_437, %lt3A_479 : vector<16xf32>
        %sub3A_481 = arith.constant 3.14159274 : f32
        %sub3A_482 = vector.broadcast %sub3A_481 : f32 to vector<16xf32>
        %sub3A_483 = arith.subf %sub3A_482, %mul3A_477 : vector<16xf32>
        %select_n3A_484 = arith.select %lt3A_480, %sub3A_483, %mul3A_477 : vector<16xi1>, vector<16xf32>
        %lt3A_485 = arith.constant 0.000000e+00 : f32
        %lt3A_486 = vector.broadcast %lt3A_485 : f32 to vector<16xf32>
        %lt3A_487 = arith.cmpf olt, %sub3A_410, %lt3A_486 : vector<16xf32>
        %sub3A_488 = arith.constant 6.28318548 : f32
        %sub3A_489 = vector.broadcast %sub3A_488 : f32 to vector<16xf32>
        %sub3A_490 = arith.subf %sub3A_489, %select_n3A_484 : vector<16xf32>
        %select_n3A_491 = arith.select %lt3A_487, %sub3A_490, %select_n3A_484 : vector<16xi1>, vector<16xf32>
        %sort3A = arith.constant dense<true> : vector<16xi1>
        %sort3A_492, %sort3A_493, %sort3A_494 = tpu.sort %select_n3A_218, %select_n3A_218 masked %sort3A : (vector<16xf32>, vector<16xf32>, vector<16xi1>) -> (vector<16xi1>, vector<16xf32>, vector<16xf32>)
        %sort3A_495 = arith.constant dense<true> : vector<16xi1>
        %sort3A_496, %sort3A_497, %sort3A_498 = tpu.sort %select_n3A_309, %select_n3A_309 masked %sort3A_495 : (vector<16xf32>, vector<16xf32>, vector<16xi1>) -> (vector<16xi1>, vector<16xf32>, vector<16xf32>)
        %lt3A_499 = arith.constant 0 : i32
        %lt3A_500 = vector.broadcast %lt3A_499 : i32 to vector<16xi32>
        %lt3A_501 = arith.cmpi slt, %sub3A_7, %lt3A_500 : vector<16xi32>
        %add3A_502 = arith.constant 16 : i32
        %add3A_503 = vector.broadcast %add3A_502 : i32 to vector<16xi32>
        %add3A_504 = arith.addi %sub3A_7, %add3A_503 : vector<16xi32>
        %select_n3A_505 = arith.select %lt3A_501, %add3A_504, %sub3A_7 : vector<16xi1>, vector<16xi32>
        %broadcast_in_dim3A_506 = vector.shape_cast %select_n3A_505 : vector<16xi32> to vector<16x1xi32>
        %gather3A_507 = vector.shape_cast %broadcast_in_dim3A_506 : vector<16x1xi32> to vector<16xi32>
        %gather3A_508 = tpu.dynamic_gather %sort3A_497[%gather3A_507] in [0] : vector<16xf32>, vector<16xi32> -> vector<16xf32>
        %sort3A_509 = arith.constant dense<true> : vector<16xi1>
        %sort3A_510, %sort3A_511, %sort3A_512 = tpu.sort %select_n3A_400, %select_n3A_400 masked %sort3A_509 : (vector<16xf32>, vector<16xf32>, vector<16xi1>) -> (vector<16xi1>, vector<16xf32>, vector<16xf32>)
        %sort3A_513 = arith.constant dense<true> : vector<16xi1>
        %sort3A_514, %sort3A_515, %sort3A_516 = tpu.sort %select_n3A_491, %select_n3A_491 masked %sort3A_513 : (vector<16xf32>, vector<16xf32>, vector<16xi1>) -> (vector<16xi1>, vector<16xf32>, vector<16xf32>)
        %lt3A_517 = arith.constant 0 : i32
        %lt3A_518 = vector.broadcast %lt3A_517 : i32 to vector<16xi32>
        %lt3A_519 = arith.cmpi slt, %sub3A_7, %lt3A_518 : vector<16xi32>
        %add3A_520 = arith.constant 16 : i32
        %add3A_521 = vector.broadcast %add3A_520 : i32 to vector<16xi32>
        %add3A_522 = arith.addi %sub3A_7, %add3A_521 : vector<16xi32>
        %select_n3A_523 = arith.select %lt3A_519, %add3A_522, %sub3A_7 : vector<16xi1>, vector<16xi32>
        %broadcast_in_dim3A_524 = vector.shape_cast %select_n3A_523 : vector<16xi32> to vector<16x1xi32>
        %gather3A_525 = vector.shape_cast %broadcast_in_dim3A_524 : vector<16x1xi32> to vector<16xi32>
        %gather3A_526 = tpu.dynamic_gather %sort3A_515[%gather3A_525] in [0] : vector<16xf32>, vector<16xi32> -> vector<16xf32>
        %min3A_527 = arith.minimumf %sort3A_493, %gather3A_508 : vector<16xf32>
        %sort3A_528 = arith.constant dense<true> : vector<16xi1>
        %sort3A_529, %sort3A_530, %sort3A_531 = tpu.sort %min3A_527, %min3A_527 masked %sort3A_528 : (vector<16xf32>, vector<16xf32>, vector<16xi1>) -> (vector<16xi1>, vector<16xf32>, vector<16xf32>)
        %max3A_532 = arith.maximumf %sort3A_493, %gather3A_508 : vector<16xf32>
        %sort3A_533 = arith.constant dense<true> : vector<16xi1>
        %sort3A_534, %sort3A_535, %sort3A_536 = tpu.sort %max3A_532, %max3A_532 masked %sort3A_533 : (vector<16xf32>, vector<16xf32>, vector<16xi1>) -> (vector<16xi1>, vector<16xf32>, vector<16xf32>)
        %min3A_537 = arith.minimumf %sort3A_511, %gather3A_526 : vector<16xf32>
        %sort3A_538 = arith.constant dense<true> : vector<16xi1>
        %sort3A_539, %sort3A_540, %sort3A_541 = tpu.sort %min3A_537, %min3A_537 masked %sort3A_538 : (vector<16xf32>, vector<16xf32>, vector<16xi1>) -> (vector<16xi1>, vector<16xf32>, vector<16xf32>)
        %max3A_542 = arith.maximumf %sort3A_511, %gather3A_526 : vector<16xf32>
        %sort3A_543 = arith.constant dense<true> : vector<16xi1>
        %sort3A_544, %sort3A_545, %sort3A_546 = tpu.sort %max3A_542, %max3A_542 masked %sort3A_543 : (vector<16xf32>, vector<16xf32>, vector<16xi1>) -> (vector<16xi1>, vector<16xf32>, vector<16xf32>)
        %lt3A_547 = arith.constant 0 : i32
        %lt3A_548 = vector.broadcast %lt3A_547 : i32 to vector<16xi32>
        %lt3A_549 = arith.cmpi slt, %sub3A_7, %lt3A_548 : vector<16xi32>
        %add3A_550 = arith.constant 16 : i32
        %add3A_551 = vector.broadcast %add3A_550 : i32 to vector<16xi32>
        %add3A_552 = arith.addi %sub3A_7, %add3A_551 : vector<16xi32>
        %select_n3A_553 = arith.select %lt3A_549, %add3A_552, %sub3A_7 : vector<16xi1>, vector<16xi32>
        %broadcast_in_dim3A_554 = vector.shape_cast %select_n3A_553 : vector<16xi32> to vector<16x1xi32>
        %gather3A_555 = vector.shape_cast %broadcast_in_dim3A_554 : vector<16x1xi32> to vector<16xi32>
        %gather3A_556 = tpu.dynamic_gather %sort3A_545[%gather3A_555] in [0] : vector<16xf32>, vector<16xi32> -> vector<16xf32>
        %lt3A_557 = arith.constant 0 : i32
        %lt3A_558 = vector.broadcast %lt3A_557 : i32 to vector<16xi32>
        %lt3A_559 = arith.cmpi slt, %sub3A_7, %lt3A_558 : vector<16xi32>
        %add3A_560 = arith.constant 16 : i32
        %add3A_561 = vector.broadcast %add3A_560 : i32 to vector<16xi32>
        %add3A_562 = arith.addi %sub3A_7, %add3A_561 : vector<16xi32>
        %select_n3A_563 = arith.select %lt3A_559, %add3A_562, %sub3A_7 : vector<16xi1>, vector<16xi32>
        %broadcast_in_dim3A_564 = vector.shape_cast %select_n3A_563 : vector<16xi32> to vector<16x1xi32>
        %gather3A_565 = vector.shape_cast %broadcast_in_dim3A_564 : vector<16x1xi32> to vector<16xi32>
        %gather3A_566 = tpu.dynamic_gather %sort3A_540[%gather3A_565] in [0] : vector<16xf32>, vector<16xi32> -> vector<16xf32>
        %min3A_567 = arith.minimumf %sort3A_530, %gather3A_556 : vector<16xf32>
        %max3A_568 = arith.maximumf %sort3A_530, %gather3A_556 : vector<16xf32>
        %min3A_569 = arith.minimumf %sort3A_535, %gather3A_566 : vector<16xf32>
        %max3A_570 = arith.maximumf %sort3A_535, %gather3A_566 : vector<16xf32>
        %min3A_571 = arith.minimumf %min3A_567, %min3A_569 : vector<16xf32>
        %sort3A_572 = arith.constant dense<true> : vector<16xi1>
        %sort3A_573, %sort3A_574, %sort3A_575 = tpu.sort %min3A_571, %min3A_571 masked %sort3A_572 : (vector<16xf32>, vector<16xf32>, vector<16xi1>) -> (vector<16xi1>, vector<16xf32>, vector<16xf32>)
        %max3A_576 = arith.maximumf %min3A_567, %min3A_569 : vector<16xf32>
        %sort3A_577 = arith.constant dense<true> : vector<16xi1>
        %sort3A_578, %sort3A_579, %sort3A_580 = tpu.sort %max3A_576, %max3A_576 masked %sort3A_577 : (vector<16xf32>, vector<16xf32>, vector<16xi1>) -> (vector<16xi1>, vector<16xf32>, vector<16xf32>)
        %min3A_581 = arith.minimumf %max3A_568, %max3A_570 : vector<16xf32>
        %sort3A_582 = arith.constant dense<true> : vector<16xi1>
        %sort3A_583, %sort3A_584, %sort3A_585 = tpu.sort %min3A_581, %min3A_581 masked %sort3A_582 : (vector<16xf32>, vector<16xf32>, vector<16xi1>) -> (vector<16xi1>, vector<16xf32>, vector<16xf32>)
        %max3A_586 = arith.maximumf %max3A_568, %max3A_570 : vector<16xf32>
        %sort3A_587 = arith.constant dense<true> : vector<16xi1>
        %sort3A_588, %sort3A_589, %sort3A_590 = tpu.sort %max3A_586, %max3A_586 masked %sort3A_587 : (vector<16xf32>, vector<16xf32>, vector<16xi1>) -> (vector<16xi1>, vector<16xf32>, vector<16xf32>)
        %lt3A_591 = arith.constant 0 : i32
        %lt3A_592 = vector.broadcast %lt3A_591 : i32 to vector<16xi32>
        %lt3A_593 = arith.cmpi slt, %select_n3A, %lt3A_592 : vector<16xi32>
        %add3A_594 = arith.constant 16 : i32
        %add3A_595 = vector.broadcast %add3A_594 : i32 to vector<16xi32>
        %add3A_596 = arith.addi %select_n3A, %add3A_595 : vector<16xi32>
        %select_n3A_597 = arith.select %lt3A_593, %add3A_596, %select_n3A : vector<16xi1>, vector<16xi32>
        %broadcast_in_dim3A_598 = vector.shape_cast %select_n3A_597 : vector<16xi32> to vector<16x1xi32>
        %gather3A_599 = vector.shape_cast %broadcast_in_dim3A_598 : vector<16x1xi32> to vector<16xi32>
        %gather3A_600 = tpu.dynamic_gather %sort3A_574[%gather3A_599] in [0] : vector<16xf32>, vector<16xi32> -> vector<16xf32>
        %lt3A_601 = arith.constant 0 : i32
        %lt3A_602 = vector.broadcast %lt3A_601 : i32 to vector<16xi32>
        %lt3A_603 = arith.cmpi slt, %broadcast_in_dim3A_9, %lt3A_602 : vector<16xi32>
        %add3A_604 = arith.constant 16 : i32
        %add3A_605 = vector.broadcast %add3A_604 : i32 to vector<16xi32>
        %add3A_606 = arith.addi %broadcast_in_dim3A_9, %add3A_605 : vector<16xi32>
        %select_n3A_607 = arith.select %lt3A_603, %add3A_606, %broadcast_in_dim3A_9 : vector<16xi1>, vector<16xi32>
        %broadcast_in_dim3A_608 = vector.shape_cast %select_n3A_607 : vector<16xi32> to vector<16x1xi32>
        %gather3A_609 = vector.shape_cast %broadcast_in_dim3A_608 : vector<16x1xi32> to vector<16xi32>
        %gather3A_610 = tpu.dynamic_gather %sort3A_579[%gather3A_609] in [0] : vector<16xf32>, vector<16xi32> -> vector<16xf32>
        %select_n3A_611 = arith.select %eq3A_12, %gather3A_610, %gather3A_600 : vector<16xi1>, vector<16xf32>
        %lt3A_612 = arith.constant 0 : i32
        %lt3A_613 = vector.broadcast %lt3A_612 : i32 to vector<16xi32>
        %lt3A_614 = arith.cmpi slt, %select_n3A, %lt3A_613 : vector<16xi32>
        %add3A_615 = arith.constant 16 : i32
        %add3A_616 = vector.broadcast %add3A_615 : i32 to vector<16xi32>
        %add3A_617 = arith.addi %select_n3A, %add3A_616 : vector<16xi32>
        %select_n3A_618 = arith.select %lt3A_614, %add3A_617, %select_n3A : vector<16xi1>, vector<16xi32>
        %broadcast_in_dim3A_619 = vector.shape_cast %select_n3A_618 : vector<16xi32> to vector<16x1xi32>
        %gather3A_620 = vector.shape_cast %broadcast_in_dim3A_619 : vector<16x1xi32> to vector<16xi32>
        %gather3A_621 = tpu.dynamic_gather %sort3A_579[%gather3A_620] in [0] : vector<16xf32>, vector<16xi32> -> vector<16xf32>
        %lt3A_622 = arith.constant 0 : i32
        %lt3A_623 = vector.broadcast %lt3A_622 : i32 to vector<16xi32>
        %lt3A_624 = arith.cmpi slt, %broadcast_in_dim3A_9, %lt3A_623 : vector<16xi32>
        %add3A_625 = arith.constant 16 : i32
        %add3A_626 = vector.broadcast %add3A_625 : i32 to vector<16xi32>
        %add3A_627 = arith.addi %broadcast_in_dim3A_9, %add3A_626 : vector<16xi32>
        %select_n3A_628 = arith.select %lt3A_624, %add3A_627, %broadcast_in_dim3A_9 : vector<16xi1>, vector<16xi32>
        %broadcast_in_dim3A_629 = vector.shape_cast %select_n3A_628 : vector<16xi32> to vector<16x1xi32>
        %gather3A_630 = vector.shape_cast %broadcast_in_dim3A_629 : vector<16x1xi32> to vector<16xi32>
        %gather3A_631 = tpu.dynamic_gather %sort3A_584[%gather3A_630] in [0] : vector<16xf32>, vector<16xi32> -> vector<16xf32>
        %select_n3A_632 = arith.select %eq3A_12, %gather3A_631, %gather3A_621 : vector<16xi1>, vector<16xf32>
        %lt3A_633 = arith.constant 0 : i32
        %lt3A_634 = vector.broadcast %lt3A_633 : i32 to vector<16xi32>
        %lt3A_635 = arith.cmpi slt, %select_n3A, %lt3A_634 : vector<16xi32>
        %add3A_636 = arith.constant 16 : i32
        %add3A_637 = vector.broadcast %add3A_636 : i32 to vector<16xi32>
        %add3A_638 = arith.addi %select_n3A, %add3A_637 : vector<16xi32>
        %select_n3A_639 = arith.select %lt3A_635, %add3A_638, %select_n3A : vector<16xi1>, vector<16xi32>
        %broadcast_in_dim3A_640 = vector.shape_cast %select_n3A_639 : vector<16xi32> to vector<16x1xi32>
        %gather3A_641 = vector.shape_cast %broadcast_in_dim3A_640 : vector<16x1xi32> to vector<16xi32>
        %gather3A_642 = tpu.dynamic_gather %sort3A_584[%gather3A_641] in [0] : vector<16xf32>, vector<16xi32> -> vector<16xf32>
        %lt3A_643 = arith.constant 0 : i32
        %lt3A_644 = vector.broadcast %lt3A_643 : i32 to vector<16xi32>
        %lt3A_645 = arith.cmpi slt, %broadcast_in_dim3A_9, %lt3A_644 : vector<16xi32>
        %add3A_646 = arith.constant 16 : i32
        %add3A_647 = vector.broadcast %add3A_646 : i32 to vector<16xi32>
        %add3A_648 = arith.addi %broadcast_in_dim3A_9, %add3A_647 : vector<16xi32>
        %select_n3A_649 = arith.select %lt3A_645, %add3A_648, %broadcast_in_dim3A_9 : vector<16xi1>, vector<16xi32>
        %broadcast_in_dim3A_650 = vector.shape_cast %select_n3A_649 : vector<16xi32> to vector<16x1xi32>
        %gather3A_651 = vector.shape_cast %broadcast_in_dim3A_650 : vector<16x1xi32> to vector<16xi32>
        %gather3A_652 = tpu.dynamic_gather %sort3A_589[%gather3A_651] in [0] : vector<16xf32>, vector<16xi32> -> vector<16xf32>
        %select_n3A_653 = arith.select %eq3A_12, %gather3A_652, %gather3A_642 : vector<16xi1>, vector<16xf32>
        %lt3A_654 = arith.constant 0 : i32
        %lt3A_655 = vector.broadcast %lt3A_654 : i32 to vector<16xi32>
        %lt3A_656 = arith.cmpi slt, %select_n3A, %lt3A_655 : vector<16xi32>
        %add3A_657 = arith.constant 16 : i32
        %add3A_658 = vector.broadcast %add3A_657 : i32 to vector<16xi32>
        %add3A_659 = arith.addi %select_n3A, %add3A_658 : vector<16xi32>
        %select_n3A_660 = arith.select %lt3A_656, %add3A_659, %select_n3A : vector<16xi1>, vector<16xi32>
        %broadcast_in_dim3A_661 = vector.shape_cast %select_n3A_660 : vector<16xi32> to vector<16x1xi32>
        %gather3A_662 = vector.shape_cast %broadcast_in_dim3A_661 : vector<16x1xi32> to vector<16xi32>
        %gather3A_663 = tpu.dynamic_gather %sort3A_589[%gather3A_662] in [0] : vector<16xf32>, vector<16xi32> -> vector<16xf32>
        %lt3A_664 = arith.constant 0 : i32
        %lt3A_665 = vector.broadcast %lt3A_664 : i32 to vector<16xi32>
        %lt3A_666 = arith.cmpi slt, %broadcast_in_dim3A_9, %lt3A_665 : vector<16xi32>
        %add3A_667 = arith.constant 16 : i32
        %add3A_668 = vector.broadcast %add3A_667 : i32 to vector<16xi32>
        %add3A_669 = arith.addi %broadcast_in_dim3A_9, %add3A_668 : vector<16xi32>
        %select_n3A_670 = arith.select %lt3A_666, %add3A_669, %broadcast_in_dim3A_9 : vector<16xi1>, vector<16xi32>
        %broadcast_in_dim3A_671 = vector.shape_cast %select_n3A_670 : vector<16xi32> to vector<16x1xi32>
        %gather3A_672 = vector.shape_cast %broadcast_in_dim3A_671 : vector<16x1xi32> to vector<16xi32>
        %gather3A_673 = tpu.dynamic_gather %sort3A_574[%gather3A_672] in [0] : vector<16xf32>, vector<16xi32> -> vector<16xf32>
        %select_n3A_674 = arith.select %eq3A_12, %gather3A_673, %gather3A_663 : vector<16xi1>, vector<16xf32>
        %sub3A_675 = arith.subf %select_n3A_611, %sort3A_574 : vector<16xf32>
        %abs3A_676 = math.absf %sub3A_675 : vector<16xf32>
        %sub3A_677 = arith.constant 6.28318548 : f32
        %sub3A_678 = vector.broadcast %sub3A_677 : f32 to vector<16xf32>
        %sub3A_679 = arith.subf %sub3A_678, %abs3A_676 : vector<16xf32>
        %min3A_680 = arith.minimumf %abs3A_676, %sub3A_679 : vector<16xf32>
        %eq3A_681 = arith.cmpf oeq, %sort3A_574, %select_n3A_58 : vector<16xf32>
        %eq3A_682 = arith.cmpf oeq, %select_n3A_611, %select_n3A_58 : vector<16xf32>
        %or3A = arith.ori %eq3A_681, %eq3A_682 : vector<16xi1>
        %jit3A_683 = arith.constant 1.57079637 : f32
        %broadcast_in_dim3A_684 = vector.broadcast %jit3A_683 : f32 to vector<16xf32>
        %select_n3A_685 = arith.select %or3A, %broadcast_in_dim3A_684, %min3A_680 : vector<16xi1>, vector<16xf32>
        %sub3A_686 = arith.constant 0.0981747731 : f32
        %sub3A_687 = vector.broadcast %sub3A_686 : f32 to vector<16xf32>
        %sub3A_688 = arith.subf %sub3A_687, %select_n3A_685 : vector<16xf32>
        %abs3A_689 = math.absf %sub3A_688 : vector<16xf32>
        %ne3A = arith.cmpf one, %sort3A_574, %select_n3A_611 : vector<16xf32>
        %jit3A_690 = arith.constant 0.000000e+00 : f32
        %broadcast_in_dim3A_691 = vector.broadcast %jit3A_690 : f32 to vector<16xf32>
        %select_n3A_692 = arith.select %ne3A, %abs3A_689, %broadcast_in_dim3A_691 : vector<16xi1>, vector<16xf32>
        %add3A_693 = arith.addf %scan3A_124, %select_n3A_692 : vector<16xf32>
        %sub3A_694 = arith.subf %select_n3A_632, %sort3A_579 : vector<16xf32>
        %abs3A_695 = math.absf %sub3A_694 : vector<16xf32>
        %sub3A_696 = arith.constant 6.28318548 : f32
        %sub3A_697 = vector.broadcast %sub3A_696 : f32 to vector<16xf32>
        %sub3A_698 = arith.subf %sub3A_697, %abs3A_695 : vector<16xf32>
        %min3A_699 = arith.minimumf %abs3A_695, %sub3A_698 : vector<16xf32>
        %eq3A_700 = arith.cmpf oeq, %sort3A_579, %select_n3A_58 : vector<16xf32>
        %eq3A_701 = arith.cmpf oeq, %select_n3A_632, %select_n3A_58 : vector<16xf32>
        %or3A_702 = arith.ori %eq3A_700, %eq3A_701 : vector<16xi1>
        %jit3A_703 = arith.constant 1.57079637 : f32
        %broadcast_in_dim3A_704 = vector.broadcast %jit3A_703 : f32 to vector<16xf32>
        %select_n3A_705 = arith.select %or3A_702, %broadcast_in_dim3A_704, %min3A_699 : vector<16xi1>, vector<16xf32>
        %sub3A_706 = arith.constant 0.0981747731 : f32
        %sub3A_707 = vector.broadcast %sub3A_706 : f32 to vector<16xf32>
        %sub3A_708 = arith.subf %sub3A_707, %select_n3A_705 : vector<16xf32>
        %abs3A_709 = math.absf %sub3A_708 : vector<16xf32>
        %ne3A_710 = arith.cmpf one, %sort3A_579, %select_n3A_632 : vector<16xf32>
        %jit3A_711 = arith.constant 0.000000e+00 : f32
        %broadcast_in_dim3A_712 = vector.broadcast %jit3A_711 : f32 to vector<16xf32>
        %select_n3A_713 = arith.select %ne3A_710, %abs3A_709, %broadcast_in_dim3A_712 : vector<16xi1>, vector<16xf32>
        %add3A_714 = arith.addf %add3A_693, %select_n3A_713 : vector<16xf32>
        %sub3A_715 = arith.subf %select_n3A_653, %sort3A_584 : vector<16xf32>
        %abs3A_716 = math.absf %sub3A_715 : vector<16xf32>
        %sub3A_717 = arith.constant 6.28318548 : f32
        %sub3A_718 = vector.broadcast %sub3A_717 : f32 to vector<16xf32>
        %sub3A_719 = arith.subf %sub3A_718, %abs3A_716 : vector<16xf32>
        %min3A_720 = arith.minimumf %abs3A_716, %sub3A_719 : vector<16xf32>
        %eq3A_721 = arith.cmpf oeq, %sort3A_584, %select_n3A_58 : vector<16xf32>
        %eq3A_722 = arith.cmpf oeq, %select_n3A_653, %select_n3A_58 : vector<16xf32>
        %or3A_723 = arith.ori %eq3A_721, %eq3A_722 : vector<16xi1>
        %jit3A_724 = arith.constant 1.57079637 : f32
        %broadcast_in_dim3A_725 = vector.broadcast %jit3A_724 : f32 to vector<16xf32>
        %select_n3A_726 = arith.select %or3A_723, %broadcast_in_dim3A_725, %min3A_720 : vector<16xi1>, vector<16xf32>
        %sub3A_727 = arith.constant 0.0981747731 : f32
        %sub3A_728 = vector.broadcast %sub3A_727 : f32 to vector<16xf32>
        %sub3A_729 = arith.subf %sub3A_728, %select_n3A_726 : vector<16xf32>
        %abs3A_730 = math.absf %sub3A_729 : vector<16xf32>
        %ne3A_731 = arith.cmpf one, %sort3A_584, %select_n3A_653 : vector<16xf32>
        %jit3A_732 = arith.constant 0.000000e+00 : f32
        %broadcast_in_dim3A_733 = vector.broadcast %jit3A_732 : f32 to vector<16xf32>
        %select_n3A_734 = arith.select %ne3A_731, %abs3A_730, %broadcast_in_dim3A_733 : vector<16xi1>, vector<16xf32>
        %add3A_735 = arith.addf %add3A_714, %select_n3A_734 : vector<16xf32>
        %sub3A_736 = arith.subf %select_n3A_674, %sort3A_589 : vector<16xf32>
        %abs3A_737 = math.absf %sub3A_736 : vector<16xf32>
        %sub3A_738 = arith.constant 6.28318548 : f32
        %sub3A_739 = vector.broadcast %sub3A_738 : f32 to vector<16xf32>
        %sub3A_740 = arith.subf %sub3A_739, %abs3A_737 : vector<16xf32>
        %min3A_741 = arith.minimumf %abs3A_737, %sub3A_740 : vector<16xf32>
        %eq3A_742 = arith.cmpf oeq, %sort3A_589, %select_n3A_58 : vector<16xf32>
        %eq3A_743 = arith.cmpf oeq, %select_n3A_674, %select_n3A_58 : vector<16xf32>
        %or3A_744 = arith.ori %eq3A_742, %eq3A_743 : vector<16xi1>
        %jit3A_745 = arith.constant 1.57079637 : f32
        %broadcast_in_dim3A_746 = vector.broadcast %jit3A_745 : f32 to vector<16xf32>
        %select_n3A_747 = arith.select %or3A_744, %broadcast_in_dim3A_746, %min3A_741 : vector<16xi1>, vector<16xf32>
        %sub3A_748 = arith.constant 0.0981747731 : f32
        %sub3A_749 = vector.broadcast %sub3A_748 : f32 to vector<16xf32>
        %sub3A_750 = arith.subf %sub3A_749, %select_n3A_747 : vector<16xf32>
        %abs3A_751 = math.absf %sub3A_750 : vector<16xf32>
        %ne3A_752 = arith.cmpf one, %sort3A_589, %select_n3A_674 : vector<16xf32>
        %jit3A_753 = arith.constant 0.000000e+00 : f32
        %broadcast_in_dim3A_754 = vector.broadcast %jit3A_753 : f32 to vector<16xf32>
        %select_n3A_755 = arith.select %ne3A_752, %abs3A_751, %broadcast_in_dim3A_754 : vector<16xi1>, vector<16xf32>
        %add3A_756 = arith.addf %add3A_735, %select_n3A_755 : vector<16xf32>
        scf.yield %add3A_756 : vector<16xf32>
      }
      %scan3A_122 = arith.constant 80 : i32
      scf.yield %scan3A_121 : vector<16xf32>
    }
    %scan3A_70 = arith.constant 10 : i32
    %swap3A = arith.constant 0 : index
    %swap3A_71 = tpu.vector_load %arg10[%swap3A] {strides = array<i32>} : memref<16xf32, #tpu.memory_space<vmem>>, vector<16xf32>,
    tpu.vector_store %arg10[%swap3A], %scan3A_69 {strides = array<i32>} : memref<16xf32, #tpu.memory_space<vmem>>, vector<16xf32>,
    "tpu.region"() ({
      %run_scoped3A = tpu.sem_alloc : memref<!tpu.dma_semaphore, #tpu.memory_space<semaphore_mem>>
      %dma_start3A_72 = arith.constant 0 : i32
      %dma_start3A_73 = tpu.memref_slice %arg5[%add3A, %dma_start3A_72] : memref<32x16xf32, #tpu.memory_space<hbm>> -> memref<1x16xf32, #tpu.memory_space<hbm>>
      %dma_start3A_74 = tpu.memref_squeeze %dma_start3A_73 : memref<1x16xf32, #tpu.memory_space<hbm>> -> memref<16xf32, #tpu.memory_space<hbm>>
      %dma_start3A_75 = arith.constant 0 : i32
      %dma_start3A_76 = tpu.memref_slice %arg5[%add3A, %dma_start3A_75] : memref<32x16xf32, #tpu.memory_space<hbm>> -> memref<1x16xf32, #tpu.memory_space<hbm>>
      %dma_start3A_77 = tpu.memref_squeeze %dma_start3A_76 : memref<1x16xf32, #tpu.memory_space<hbm>> -> memref<16xf32, #tpu.memory_space<hbm>>
      tpu.enqueue_dma source(%arg10 : memref<16xf32, #tpu.memory_space<vmem>>) target(%dma_start3A_77 : memref<16xf32, #tpu.memory_space<hbm>>) target_semaphore(%run_scoped3A : memref<!tpu.dma_semaphore, #tpu.memory_space<semaphore_mem>>)
      %dma_wait3A = arith.constant 0 : i32
      %dma_wait3A_78 = tpu.memref_slice %arg5[%add3A, %dma_wait3A] : memref<32x16xf32, #tpu.memory_space<hbm>> -> memref<1x16xf32, #tpu.memory_space<hbm>>
      %dma_wait3A_79 = tpu.memref_squeeze %dma_wait3A_78 : memref<1x16xf32, #tpu.memory_space<hbm>> -> memref<16xf32, #tpu.memory_space<hbm>>
      %dma_wait3A_80 = arith.constant 0 : i32
      %dma_wait3A_81 = tpu.memref_slice %arg5[%add3A, %dma_wait3A_80] : memref<32x16xf32, #tpu.memory_space<hbm>> -> memref<1x16xf32, #tpu.memory_space<hbm>>
      %dma_wait3A_82 = tpu.memref_squeeze %dma_wait3A_81 : memref<1x16xf32, #tpu.memory_space<hbm>> -> memref<16xf32, #tpu.memory_space<hbm>>
      tpu.wait_dma2 semaphore(%run_scoped3A : memref<!tpu.dma_semaphore, #tpu.memory_space<semaphore_mem>>) src(%arg10 : memref<16xf32, #tpu.memory_space<vmem>>) dst(%dma_wait3A_82 : memref<16xf32, #tpu.memory_space<hbm>>)
      tpu.yield
    }) : () -> ()
    return
  }
}

</mosaic_0001>

<sc_bundles>
// kernel: kernel.3.cloned.1.call-start
scs
__scs_entry_jumppad:
0x0: {  	(pc) =	sbr.rel $0x88, $3  }
0x1: {  	(tag) =	ssettag $0x0;
	lr =	simm.s32 $0x1  }
0x2: {  	[smem:$0x3F9F] =	sst lr;
	_ =	strace $0xD0000000  }
0x3: {  	_ = 	snop  }
0x4: {  	_ = 	snop  }
0x5: {  	_ = 	snop  }
0x6: {  	_ = 	snop  }
0x7: {  	_ = 	snop  }
__scs_overlays_trampoline_lowered:
0x8: {  	[smem:$0x3FAE] =	sst s0  }
0x9: {  	[smem:$0x3FAF] =	sst s1  }
0xa: {  	[smem:$0x3FB0] =	sst s2  }
0xb: {  	[smem:$0x3FB1] =	sst s3  }
0xc: {  	[smem:$0x3FB2] =	sst s4  }
0xd: {  	[smem:$0x3FB3] =	sst s5  }
0xe: {  	[smem:$0x3FB4] =	sst s6  }
0xf: {  	[smem:$0x3FB5] =	sst s7  }
0x10: {  	[smem:$0x3FB6] =	sst s8  }
0x11: {  	[smem:$0x3FB7] =	sst s9;
	s0 =	simm.s32 @!p0 $0x0  }
0x12: {  	s1 =	sld [smem:$0x3F9D];
	s0 =	simm.s32 @p0 $0x1  }
0x13: {  	[smem:$0x3FB8] =	sst s0;
	s0 =	simm.s32 @!p1 $0x0  }
0x14: {  	s2 =	sld [smem:$0x3F9C];
	s0 =	simm.s32 @p1 $0x1  }
0x15: {  	[smem:$0x3FB9] =	sst s0;
	s0 =	simm.s32 @!p2 $0x0  }
0x16: {  	s3 =	sld [smem:$0x3FDB];
	s0 =	simm.s32 @p2 $0x1  }
0x17: {  	s4 =	simm.s32 $0x1BF5;
	[smem:$0x3FBB] =	sst s0  }
0x18: {  	s0 =	sld [smem:$0x3F9E];
	_ =	swait.ge [sflag:s4], $0x0  }
0x19: {  	s7 =	sld [smem:$0x3F9F]  }
0x1a: {  	s8 =	sadd.s32 $0xFFFFE003, lr  }
0x1b: {  	s9 =	sadd.s32 $0xFFFFFEF7, lr;
	s5 =	simm.s32 $0xFFFFFFFF;
	p2 =	slt.u32 s8, $0xFFFFF086  }
0x1c: {  	p1 =	slt.u32 s9, $0xF7A;
	s5 =	simm.s32 @!p2 $0x0  }
0x1d: {  	s5 =	simm.s32 @p1 $0x1;
	p0 =	seq.s32 s7, s2  }
0x1e: {  	s7 =	smul.u32 @!p0 $0xF7A, s2;
	p2 =	seq.s32 @!p0 s5, $0x0  }
0x1f: {  	s9 =	smul.u32 $0xF7A, s1;
	s8 =	simm.s32 @!p0 $0x1BF5;
	p2 =	por !p2, p0  }
0x20: {  	[sflag:s8] =	ssyncset.s32 @!p0 $0xFFFFF086;
	s6 =	sadd.s32 @!p0 s3, s7;
	s7 =	simm.s32 @!p0 $0x108  }
0x21: {  	s3 =	sadd.s32 s3, s9;
	s6 =	sadd.s32 @!p0 $0x88, s6;
	s7 =	simm.s32 @p2 $0x1082  }
0x22: {  	[simem:s7], [sflag:s8] =	dma.local @!p0 [hbm:s6], $0xF7A  }
0x23: {  	s9 =	sor.u32 $0xD0000000, s2;
	s6 =	simm.s32 $0x108;
	_ =	swait.ge @!p0 [sflag:s8], $0x0  }
0x24: {  	s3 =	sadd.s32 $0x88, s3;
	s6 =	simm.s32 @!p1 $0x1082;
	[sflag:s4] =	ssyncset.s32 $0xFFFFF086  }
0x25: {  	[simem:s6], [sflag:s4] =	dma.local [hbm:s3], $0xF7A  }
0x26: {  	[smem:$0x3F9F] =	sst s1;
	(tag) =	ssettag s2;
	_ =	strace s9  }
0x27: {  	s1 =	sld [smem:$0x3FAF]  }
0x28: {  	s2 =	sld [smem:$0x3FB0]  }
0x29: {  	s4 =	sld [smem:$0x3FB2]  }
0x2a: {  	p0 =	seq.s32 s5, $0x0;
	s5 =	sld [smem:$0x3FB3]  }
0x2b: {  	s6 =	sld [smem:$0x3FB4]  }
0x2c: {  	s7 =	sld [smem:$0x3FB5]  }
0x2d: {  	s3 =	simm.s32 $0x108;
	s8 =	sld [smem:$0x3FB6]  }
0x2e: {  	s3 =	simm.s32 @!p0 $0x1082;
	s9 =	sld [smem:$0x3FB7]  }
0x2f: {  	lr =	sadd.s32 s0, s3;
	s0 =	sld [smem:$0x3FAE]  }
0x30: {  	s3 =	sld [smem:$0x3FB1]  }
0x31: {  	[smem:$0x3FBA] =	sst s10  }
0x32: {  	s10 =	sld [smem:$0x3FB8];
	_ =	sdelay $0x3  }
0x33: {  	p0 =	seq.s32 s10, $0x1;
	s10 =	sld [smem:$0x3FBA];
	_ =	sdelay $0x3  }
0x34: {  	[smem:$0x3FBA] =	sst s10  }
0x35: {  	s10 =	sld [smem:$0x3FB9];
	_ =	sdelay $0x3  }
0x36: {  	p1 =	seq.s32 s10, $0x1;
	s10 =	sld [smem:$0x3FBA];
	_ =	sdelay $0x3  }
0x37: {  	[smem:$0x3FBA] =	sst s10  }
0x38: {  	s10 =	sld [smem:$0x3FBB]  }
0x39: {  	_ = 	snop;
	(pc) =	sbr.ind lr, $3  }
0x3a: {  	_ = 	snop  }
0x3b: {  	_ = 	snop  }
0x3c: {  	p2 =	seq.s32 s10, $0x1;
	s10 =	sld [smem:$0x3FBA]  }
0x3d: {  	_ =	shalt  }
0x3e: {  	_ =	shalt  }
0x3f: {  	_ =	shalt  }
0x40: {  	_ =	shalt  }
0x41: {  	_ =	shalt  }
0x42: {  	_ =	shalt  }
0x43: {  	_ =	shalt  }
0x44: {  	_ =	shalt  }
0x45: {  	_ =	shalt  }
0x46: {  	_ =	shalt  }
0x47: {  	_ =	shalt  }
0x48: {  	_ =	shalt  }
0x49: {  	_ =	shalt  }
0x4a: {  	_ =	shalt  }
0x4b: {  	_ =	shalt  }
0x4c: {  	_ =	shalt  }
0x4d: {  	_ =	shalt  }
0x4e: {  	_ =	shalt  }
0x4f: {  	_ =	shalt  }
0x50: {  	_ =	shalt  }
0x51: {  	_ =	shalt  }
0x52: {  	_ =	shalt  }
0x53: {  	_ =	shalt  }
0x54: {  	_ =	shalt  }
0x55: {  	_ =	shalt  }
0x56: {  	_ =	shalt  }
0x57: {  	_ =	shalt  }
0x58: {  	_ =	shalt  }
0x59: {  	_ =	shalt  }
0x5a: {  	_ =	shalt  }
0x5b: {  	_ =	shalt  }
0x5c: {  	_ =	shalt  }
0x5d: {  	_ =	shalt  }
0x5e: {  	_ =	shalt  }
0x5f: {  	_ =	shalt  }
0x60: {  	_ =	shalt  }
0x61: {  	_ =	shalt  }
0x62: {  	_ =	shalt  }
0x63: {  	_ =	shalt  }
0x64: {  	_ =	shalt  }
0x65: {  	_ =	shalt  }
0x66: {  	_ =	shalt  }
0x67: {  	_ =	shalt  }
0x68: {  	_ =	shalt  }
0x69: {  	_ =	shalt  }
0x6a: {  	_ =	shalt  }
0x6b: {  	_ =	shalt  }
0x6c: {  	_ =	shalt  }
0x6d: {  	_ =	shalt  }
0x6e: {  	_ =	shalt  }
0x6f: {  	_ =	shalt  }
0x70: {  	_ =	shalt  }
0x71: {  	_ =	shalt  }
0x72: {  	_ =	shalt  }
0x73: {  	_ =	shalt  }
0x74: {  	_ =	shalt  }
0x75: {  	_ =	shalt  }
0x76: {  	_ =	shalt  }
0x77: {  	_ =	shalt  }
0x78: {  	_ =	shalt  }
0x79: {  	_ =	shalt  }
0x7a: {  	_ =	shalt  }
0x7b: {  	_ =	shalt  }
0x7c: {  	_ =	shalt  }
0x7d: {  	_ =	shalt  }
0x7e: {  	_ =	shalt  }
0x7f: {  	_ =	shalt  }
0x80: {  	_ =	shalt  }
0x81: {  	_ =	shalt  }
0x82: {  	_ =	shalt  }
0x83: {  	_ =	shalt  }
0x84: {  	_ =	shalt  }
0x85: {  	_ =	shalt  }
0x86: {  	_ =	shalt  }
0x87: {  	_ =	shalt  }
.Lfunc_end0:
.L_simem_size_0:
called_computation_lowered:
.L_overlay_start_0:
0x88: {  	s2 =	sld [smem:$0x3FD9]  }
0x89: {  	s3 =	sld [smem:$0x3FFE];
	_ =	sdelay $0x1  }
0x8a: {  	s1 =	srdreg.scid  }
0x8b: {  	s0 =	sand.u32 $0x1, s1  }
0x8c: {  	s16 =	sshll.u32 s0, $0xA;
	s2 =	sadd.s32 s3, s2  }
0x8d: {  	s2 =	sadd.s32 s2, s16  }
0x8e: {  	[smem:$0x3FC6] =	sst s2  }
0x8f: {  	_ = 	snop  }
0x90: {  	(tm) =	ssettm $0x1  }
0x91: {  	s17 =	sld [smem:$0x3FFB];
	_ =	sdelay $0x3  }
0x92: {  	_ =	strace s17  }
0x93: {  	s2 =	sld [smem:$0x3FFC];
	_ =	sdelay $0x3  }
0x94: {  	_ =	strace s2  }
0x95: {  	s2 =	sld [smem:$0x3FFD];
	_ =	sdelay $0x3  }
0x96: {  	_ =	strace s2  }
0x97: {  	_ =	strace $0x8FFFFFFF  }
0x98: {  	s18 =	sld [smem:$0x3FDB];
	_ =	sdelay $0x1  }
0x99: {  	s19 =	simm.s32 $_scs_section_size  }
0x9a: {  	s4 =	simm.s32 $_size__tile_overlayer_lowered;
	s5 =	simm.s32 $_tile_overlayer_lowered  }
0x9b: {  	s22 =	simm.s32 $0x1BFF;
	s21 =	sshll.u32 s5, $0x1;
	s2 =	sadd.s32 s19, s18  }
0x9c: {  	s6 =	simm.s32 $0x0;
	s20 =	sshll.u32 s4, $0x1;
	s4 =	sadd.s32 s21, s2  }
0x9d: {  	[timem:s6], [sflag:s22] =	dma.local [hbm:s4], s20  }
0x9e: {  	_ =	swait.ge [sflag:s22], s20  }
0x9f: {  	s3 =	ssub.s32 $0x0, s20;
	[sflag:s22] =	ssyncset.done $0x0  }
0xa0: {  	[sflag:s22] =	ssyncadd.s32 s3;
	_ =	sdelay $0x1  }
0xa1: {  	s23 =	simm.s32 $0x1B8B  }
0xa2: {  	_ =	swait.ge [sflag:s23], $0x1  }
0xa3: {  	[sflag:s23] =	ssyncset.done $0x0  }
0xa4: {  	s25 =	simm.s32 $0x1B8E;
	s24 =	sld [smem:$0x3FFE];
	[sflag:s23] =	ssyncadd.s32 $0xFFFFFFFF  }
0xa5: {  	s26 =	simm.s32 $execute0_lowered;
	[smem:$0x3FD2] =	sst s25  }
0xa6: {  	s4 =	sshll.u32 s26, $0x1;
	_ =	strace $0x80000046;
	[dreg:$0x1] =	wrdreg $0xFFFFFFFF  }
0xa7: {  	s28 =	simm.s32 $_size_execute0_lowered;
	s2 =	sadd.s32 s2, s4;
	[dreg:$0x0] =	wrdreg $0x0  }
0xa8: {  	s4 =	sshll.u32 s28, $0x1;
	[dreg:$0x2] =	wrdreg s2  }
0xa9: {  	[dreg:$0x3] =	wrdreg s4  }
0xaa: {  	[dreg:$0x4] =	wrdreg $0xC0  }
0xab: {  	_ =	task [dreg:s6], $0x5FFFF  }
0xac: {  	[dreg:$0x1] =	wrdreg $0xFFFFFFFF  }
0xad: {  	[dreg:$0x0] =	wrdreg $0x60  }
0xae: {  	[dreg:$0x2] =	wrdreg s24  }
0xaf: {  	[dreg:$0x3] =	wrdreg $0x9  }
0xb0: {  	_ =	task.clear_ibuf [dreg:s6], $0x4FFFF;
	_ =	strace $0x90000046  }
0xb1: {  	s29 =	simm.s32 $0x9;
	_ =	strace $0x80000048  }
0xb2: {  	_ =	swait.ge [sflag:s29], $0x1  }
0xb3: {  	[sflag:s29] =	ssyncadd.s32 $0xFFFFFFFF  }
0xb4: {  	_ =	strace $0x90000048  }
0xb5: {  	_ =	sfence  }
0xb6: {  	s30 =	sld [smem:$0x0];
	_ =	sdelay $0x2  }
0xb7: {  	s31 =	sshll.u32 s1, $0xD;
	s1 =	sshrl.u32 s1, $0x2  }
0xb8: {  	s3 =	sand.u32 $0x4000, s31;
	s1 =	sadd.s32 s1, s30  }
0xb9: {  	s0 =	sor.u32 s3, s0;
	s1 =	sshll.u32 s1, $0x11  }
0xba: {  	s0 =	sor.u32 s1, s0  }
0xbb: {  	s0 =	sadd.s32 $0x8F2B, s0  }
0xbc: {  	[sflag:s0] =	ssyncadd.remote.s32 $0x1  }
0xbd: {  	_ =	sfence.sel $0xFFFF  }
0xbe: {  	[dreg:$0x0] =	wrdreg $0xFFFFFFFF;
	(pc) =	sbr.abs _section_cstart, $3  }
0xbf: {  	[dreg:$0x1] =	wrdreg $0xFFFFFFFF  }
0xc0: {  	_ =	task.clear_ibuf [dreg:s6], $0x2FFFF;
	_ =	strace $0x9FFFFFFF  }
0xc1: {  	(tm) =	ssettm $0x7FFFFFFF  }
tec
execute0_lowered:
.L_overlay_start_1:
0x0: {  	(tag) =	ssettag $0x1  }
0x1: {  	s2 =	rddreg [dreg:$0x0]  }
0x2: {  	s0 =	rddreg [dreg:$0x1];
	s4 =	srdreg.scid  }
0x3: {  	s1 =	stileid.u32;
	s3 =	simm.s32 $0x0;
	s15 =	simm.s32 $0x18700  }
0x4: {  	s16 =	simm.s32 $0x19B00;
	s17 =	simm.s32 $0x1;
	s18 =	simm.s32 $0x2  }
0x5: {  	s19 =	simm.s32 $0x1AF00;
	s20 =	simm.s32 $0x0;
	s6 =	sand.u32 $0x1, s4  }
0x6: {  	v0 =	vimm.s32 $0xFEDCBA9;
	v1 =	vimm.s32 $0x87654321;
	s31 =	sshll.u32 s1, $0x1;
	[smem:$0x7FF] =	sst s3;
	s4 =	sadd.s32 $0x1A00, s2  }
0x7: {  	s5 =	sadd.s32 $0x3400, s2;
	s12 =	smul.u32 $0xC80, s1;
	v0 =	vunpack.c.l.s4.s8 v0;
	v1 =	vunpack.c.l.s4.s8 v1;
	s7 =	sor.u32 s6, s31  }
0x8: {  	_ =	strace $0x80000047;
	s9 =	ssub.s32 $0x2, s6;
	s8 =	smul.u32 $0x640, s7  }
0x9: {  	s10 =	smul.u32 $0x3200, s7;
	s7 =	sshll.u32 s7, $0x4;
	s11 =	sshrl.u32 s9, $0x1;
	v0 =	vunpack.c.0.s8.s32 v0;
	v1 =	vunpack.c.0.s8.s32 v1  }
0xa: {  	v2 =	vlaneseq.u32;
	vm7 =	vmmov $0x7fff;
	s14 =	smul.u32 $0x640, s6;
	s13 =	sadd.s32 s7, s2;
	s11 =	ssub.s32 s9, s11  }
0xb: {  	v3 =	vimm.s32 $0x0;
	v2 =	vmul.u32 $0xFFFFFFFF, v2;
	s6 =	sadd.s32 s5, s10;
	s7 =	sadd.s32 $0x50, s8;
	s8 =	sadd.s32 $0xA0, s8;
	v1 =	vcombine.low v1, v0  }
0xc: {  	v3 =	vsel vm7, $0xFFFFFFFF, v3;
	s9 =	sadd.s32 $0x67400, s13;
	s10 =	smax.u32 s11, $0x1;
	s11 =	sadd.s32 s14, s12  }
0xd: {  	[tilespmem:$0x1FFF0] =	vst v3;
	s13 =	simm.s32 $0x3;
	s14 =	simm.s32 $0xC380;
	v0 =	vadd.s32 $0xF, v2;
	v2 =	vimm.s32 $0x0;
	s12 =	sadd.s32 $0x50, s11;
	v1 =	vand.u32 $0xF, v1  }
.LBB2_1:
0xe: {  	[tilespmem:s3], [sflag:$0x3] =	stream.linear.gather [hbm4b:s4+s3], $0xC380, $0x38;
	[tilespmem:$0x1AF80] =	vst v63  }
0xf: {  	_ =	swait.ge [sflag:s13], $0xC380  }
0x10: {  	[sflag:s13] =	ssyncset.done $0x0  }
0x11: {  	[sflag:s13] =	ssyncadd.s32 $0xFFFF3C80  }
0x12: {  	[tilespmem:s14], [sflag:$0x3] =	stream.linear.gather [hbm4b:s2+s3], $0xC380, $0x38;
	[tilespmem:$0x1AF80] =	vst v63  }
0x13: {  	_ =	swait.ge [sflag:s13], $0xC380  }
0x14: {  	s21 =	smov.u32 s12;
	[sflag:s13] =	ssyncset.done $0x0  }
0x15: {  	s22 =	smov.u32 s11;
	s23 =	simm.s32 $0x0;
	[sflag:s13] =	ssyncadd.s32 $0xFFFF3C80  }
0x16: {  	v3 =	vimm.f32 $0.0e+00;
	[tilespmem:s15], [sflag:$0x1] =	stream.linear.gather [hbm4b:s6+s3], $0x1400, $0x38;
	[tilespmem:$0x1AF80] =	vst v63  }
.LBB2_2:
0x17: {  	s24 =	smul.u32 $0xA0, s23;
	_ =	sdelay $0x1  }
0x18: {  	s25 =	sadd.s32 s24, s7  }
0x19: {  	s25 =	sshll.u32 s25, $0x3  }
0x1a: {  	s25 =	sand.u32 $0x1FFFFF80, s25  }
0x1b: {  	s26 =	simm.s32 $0x0;
	s25 =	sadd.s32 s5, s25  }
0x1c: {  	[tilespmem:s16], [sflag:$0x2] =	stream.linear.gather [hbm4b:s25+s26], $0x1400, $0x38;
	[tilespmem:$0x1AF80] =	vst v63  }
0x1d: {  	_ =	swait.ge [sflag:s17], $0x1400  }
0x1e: {  	s25 =	sadd.s32 $0x0, s22;
	[sflag:s17] =	ssyncset.done $0x0  }
0x1f: {  	s31 =	simm.s32 $0x18720;
	p0 =	slt.s32 s25, $0xC34F;
	[sflag:s17] =	ssyncadd.s32 $0xFFFFEC00  }
0x20: {  	s25 =	simm.s32 @!p0 $0xC34F;
	v4 =	vld [tilespmem:s31+$0xFFFFFFE0]  }
0x21: {  	v5 =	vmov s25  }
0x22: {  	v6 =	vld [tilespmem:s31+$0xFFFFFFF0];
	_ =	sdelay $0x1  }
0x23: {  	v7 =	vld [tilespmem:s31+$0x0]  }
0x24: {  	v8 =	vld [tilespmem:s31+$0x10]  }
0x25: {  	v9 =	vld.idx.msk [tilespmem:v5+s3+$0x0], $0xffff  }
0x26: {  	v10 =	vld.idx.msk [tilespmem:v5+s14+$0x0], $0xffff  }
0x27: {  	v5 =	vld.idx.msk [tilespmem:v4+s3+$0x0], $0xffff  }
0x28: {  	v4 =	vld.idx.msk [tilespmem:v4+s14+$0x0], $0xffff  }
0x29: {  	v11 =	vld.idx.msk [tilespmem:v6+s3+$0x0], $0xffff  }
0x2a: {  	v6 =	vld.idx.msk [tilespmem:v6+s14+$0x0], $0xffff  }
0x2b: {  	v12 =	vld.idx.msk [tilespmem:v7+s3+$0x0], $0xffff  }
0x2c: {  	v7 =	vld.idx.msk [tilespmem:v7+s14+$0x0], $0xffff  }
0x2d: {  	v13 =	vld.idx.msk [tilespmem:v8+s3+$0x0], $0xffff  }
0x2e: {  	v8 =	vld.idx.msk [tilespmem:v8+s14+$0x0], $0xffff  }
0x2f: {  	v14 =	vsub.f32 v5, v9;
	v5 =	vsub.f32 v4, v10  }
0x30: {  	v11 =	vsub.f32 v11, v9;
	v15 =	vsub.f32 v6, v10  }
0x31: {  	v12 =	vsub.f32 v12, v9;
	v4 =	vsub.f32 v7, v10  }
0x32: {  	v9 =	vsub.f32 v13, v9;
	v7 =	vmul.f32 v14, v14;
	v16 =	vmul.f32 v5, v5  }
0x33: {  	v6 =	vsub.f32 v8, v10;
	v13 =	vmul.f32 v11, v11;
	v17 =	vmul.f32 v15, v15  }
0x34: {  	v8 =	vmul.f32 v12, v12;
	v10 =	vmul.f32 v4, v4  }
0x35: {  	v18 =	vmul.f32 v6, v6;
	v7 =	vadd.f32 v16, v7;
	v16 =	vmul.f32 v9, v9  }
0x36: {  	v13 =	vadd.f32 v17, v13  }
0x37: {  	v8 =	vadd.f32 v10, v8;
	v17 =	vshra.s32 v7, $0x1;
	v10 =	vadd.f32 v18, v16  }
0x38: {  	v7 =	vmul.f32 $5.000000000e-01, v7;
	v16 =	vshra.s32 v13, $0x1;
	v13 =	vmul.f32 $5.000000000e-01, v13  }
0x39: {  	v18 =	vshra.s32 v8, $0x1;
	v8 =	vmul.f32 $5.000000000e-01, v8;
	v17 =	vsub.s32 $0x5F3759DF, v17  }
0x3a: {  	v16 =	vsub.s32 $0x5F3759DF, v16;
	v18 =	vsub.s32 $0x5F3759DF, v18;
	v20 =	vmul.f32 v17, v7  }
0x3b: {  	v19 =	vshra.s32 v10, $0x1;
	v10 =	vmul.f32 $5.000000000e-01, v10;
	v21 =	vmul.f32 v16, v13  }
0x3c: {  	v22 =	vmul.f32 v18, v8;
	v19 =	vsub.s32 $0x5F3759DF, v19;
	v20 =	vmul.f32 v17, v20  }
0x3d: {  	v23 =	vmul.f32 v19, v10;
	v21 =	vmul.f32 v16, v21  }
0x3e: {  	v22 =	vmul.f32 v18, v22;
	v20 =	vsub.f32 $1.500000000e+00, v20  }
0x3f: {  	v23 =	vmul.f32 v19, v23;
	v21 =	vsub.f32 $1.500000000e+00, v21  }
0x40: {  	v22 =	vsub.f32 $1.500000000e+00, v22;
	v17 =	vmul.f32 v17, v20  }
0x41: {  	v20 =	vsub.f32 $1.500000000e+00, v23;
	v16 =	vmul.f32 v16, v21  }
0x42: {  	v18 =	vmul.f32 v18, v22;
	v7 =	vmul.f32 v17, v7  }
0x43: {  	v19 =	vmul.f32 v19, v20;
	v13 =	vmul.f32 v16, v13  }
0x44: {  	v8 =	vmul.f32 v18, v8;
	v7 =	vmul.f32 v7, v17  }
0x45: {  	v10 =	vmul.f32 v19, v10;
	v13 =	vmul.f32 v13, v16  }
0x46: {  	v8 =	vmul.f32 v8, v18;
	v7 =	vsub.f32 $1.500000000e+00, v7  }
0x47: {  	v10 =	vmul.f32 v10, v19;
	v13 =	vsub.f32 $1.500000000e+00, v13  }
0x48: {  	v8 =	vsub.f32 $1.500000000e+00, v8;
	v7 =	vmul.f32 v7, v17  }
0x49: {  	s25 =	sadd.s32 $0x1, s22;
	v10 =	vsub.f32 $1.500000000e+00, v10;
	v13 =	vmul.f32 v13, v16  }
0x4a: {  	p0 =	slt.s32 s25, $0xC34F;
	v8 =	vmul.f32 v8, v18;
	v7 =	vmul.f32 v7, v14  }
0x4b: {  	s25 =	simm.s32 @!p0 $0xC34F;
	v10 =	vmul.f32 v10, v19;
	v11 =	vmul.f32 v13, v11  }
0x4c: {  	v24 =	vmov s25;
	vm1 =	vlt.f32 v15, $0.0e+00;
	v8 =	vmul.f32 v8, v12  }
0x4d: {  	v13 =	vand.u32 $0x7FFFFFFF, v7;
	v9 =	vmul.f32 v10, v9;
	v10 =	vand.u32 $0x7FFFFFFF, v11  }
0x4e: {  	v14 =	vand.u32 $0x7FFFFFFF, v8;
	v12 =	vmul.f32 $1.872929930e-02, v13;
	v17 =	vmul.f32 $1.872929930e-02, v10  }
0x4f: {  	v18 =	vsub.f32 $1.000000000e+00, v13;
	v20 =	vsub.f32 $1.000000000e+00, v10;
	v16 =	vand.u32 $0x7FFFFFFF, v9  }
0x50: {  	v19 =	vmul.f32 $1.872929930e-02, v14;
	v22 =	vsub.f32 $1.000000000e+00, v14;
	v23 =	vsub.f32 $1.000000000e+00, v16  }
0x51: {  	v21 =	vmul.f32 $1.872929930e-02, v16;
	v12 =	vsub.f32 $7.426100220e-02, v12;
	v17 =	vsub.f32 $7.426100220e-02, v17  }
0x52: {  	v18 =	vmax.f32 v18, $0.0e+00;
	v19 =	vsub.f32 $7.426100220e-02, v19;
	v20 =	vmax.f32 v20, $0.0e+00  }
0x53: {  	v22 =	vmax.f32 v22, $0.0e+00;
	v25 =	vshra.s32 v18, $0x1;
	v26 =	vmul.f32 $5.000000000e-01, v18  }
0x54: {  	v27 =	vshra.s32 v20, $0x1;
	v28 =	vmul.f32 $5.000000000e-01, v20;
	v29 =	vshra.s32 v22, $0x1  }
0x55: {  	v30 =	vmul.f32 $5.000000000e-01, v22;
	v21 =	vsub.f32 $7.426100220e-02, v21;
	v23 =	vmax.f32 v23, $0.0e+00  }
0x56: {  	v12 =	vmul.f32 v12, v13;
	v25 =	vsub.s32 $0x5F3759DF, v25;
	v17 =	vmul.f32 v17, v10  }
0x57: {  	v19 =	vmul.f32 v19, v14;
	v31 =	vshra.s32 v23, $0x1;
	v32 =	vmul.f32 $5.000000000e-01, v23  }
0x58: {  	v27 =	vsub.s32 $0x5F3759DF, v27;
	v26 =	vmul.f32 v25, v26;
	v31 =	vsub.s32 $0x5F3759DF, v31  }
0x59: {  	v29 =	vsub.s32 $0x5F3759DF, v29;
	v28 =	vmul.f32 v27, v28;
	v32 =	vmul.f32 v31, v32  }
0x5a: {  	v30 =	vmul.f32 v29, v30;
	v21 =	vmul.f32 v21, v16;
	v12 =	vadd.f32 $-2.121143940e-01, v12  }
0x5b: {  	s25 =	simm.s32 $0x18760;
	vm2 =	vlt.f32 v6, $0.0e+00;
	v26 =	vmul.f32 v25, v26;
	v32 =	vmul.f32 v31, v32  }
0x5c: {  	v17 =	vadd.f32 $-2.121143940e-01, v17;
	v28 =	vmul.f32 v27, v28;
	v12 =	vmul.f32 v12, v13;
	v13 =	vld [tilespmem:s25+$0xFFFFFFE0]  }
0x5d: {  	v15 =	vmul.f32 v29, v30;
	v21 =	vadd.f32 $-2.121143940e-01, v21;
	v56 =	vsub.f32 $1.500000000e+00, v32  }
0x5e: {  	v10 =	vmul.f32 v17, v10;
	v17 =	vadd.f32 $-2.121143940e-01, v19;
	v28 =	vsub.f32 $1.500000000e+00, v28  }
0x5f: {  	v15 =	vsub.f32 $1.500000000e+00, v15;
	v16 =	vmul.f32 v21, v16;
	v21 =	vmul.f32 v31, v56  }
0x60: {  	v19 =	vld [tilespmem:s25+$0xFFFFFFF0];
	v26 =	vsub.f32 $1.500000000e+00, v26;
	v14 =	vmul.f32 v17, v14;
	v27 =	vmul.f32 v27, v28  }
0x61: {  	v15 =	vmul.f32 v29, v15;
	v16 =	vadd.f32 $1.570728780e+00, v16;
	v21 =	vmul.f32 v21, v23  }
0x62: {  	v57 =	vld [tilespmem:s25+$0x0];
	v10 =	vadd.f32 $1.570728780e+00, v10;
	v25 =	vmul.f32 v25, v26;
	v20 =	vmul.f32 v27, v20  }
0x63: {  	v17 =	vld [tilespmem:s25+$0x10];
	v14 =	vadd.f32 $1.570728780e+00, v14;
	v15 =	vmul.f32 v15, v22;
	v16 =	vmul.f32 v21, v16  }
0x64: {  	vm14 =	vlt.f32 v4, $0.0e+00;
	v12 =	vadd.f32 $1.570728780e+00, v12;
	v10 =	vmul.f32 v20, v10;
	v6 =	vld.idx.msk [tilespmem:v13+s14+$0x0], $0xffff  }
0x65: {  	v14 =	vmul.f32 v15, v14;
	v21 =	vld.idx.msk [tilespmem:v13+s3+$0x0], $0xffff;
	v13 =	vmul.f32 v25, v18;
	v15 =	vsub.f32 $3.141592740e+00, v16  }
0x66: {  	vm3 =	vlt.f32 v11, $0.0e+00;
	vm4 =	vlt.f32 v9, $0.0e+00;
	v23 =	vld.idx.msk [tilespmem:v24+s3+$0x0], $0xffff;
	v11 =	vsub.f32 $3.141592740e+00, v10  }
0x67: {  	v24 =	vld.idx.msk [tilespmem:v24+s14+$0x0], $0xffff;
	v12 =	vmul.f32 v13, v12;
	v13 =	vsub.f32 $3.141592740e+00, v14;
	v15 =	vsel vm4, v15, v16  }
0x68: {  	vm12 =	vlt.f32 v8, $0.0e+00;
	v9 =	vld.idx.msk [tilespmem:v19+s14+$0x0], $0xffff;
	v10 =	vsel vm3, v11, v10;
	v8 =	vsub.f32 $6.283185480e+00, v15  }
0x69: {  	v18 =	vld.idx.msk [tilespmem:v19+s3+$0x0], $0xffff;
	v20 =	vsub.f32 $6.283185480e+00, v10;
	v19 =	vsub.f32 $3.141592740e+00, v12;
	v13 =	vsel vm12, v13, v14  }
0x6a: {  	vm13 =	vlt.f32 v7, $0.0e+00;
	v11 =	vld.idx.msk [tilespmem:v57+s14+$0x0], $0xffff;
	v7 =	vsub.f32 $6.283185480e+00, v13;
	v8 =	vsel vm2, v8, v15  }
0x6b: {  	v16 =	vld.idx.msk [tilespmem:v57+s3+$0x0], $0xffff;
	v10 =	vsel vm1, v20, v10;
	v12 =	vsel vm13, v19, v12;
	(xrf1) =	vsort.ascd.msk.f32 $0xffff, v8, v8  }
0x6c: {  	v14 =	vld.idx.msk [tilespmem:v17+s3+$0x0], $0xffff;
	v15 =	vsub.f32 $6.283185480e+00, v12;
	v7 =	vsel vm14, v7, v13;
	(xrf1) =	vsort.ascd.msk.f32 $0xffff, v10, v10  }
0x6d: {  	vm15 =	vlt.f32 v5, $0.0e+00;
	v4 =	vsub.f32 v6, v24;
	v8 =	vld.idx.msk [tilespmem:v17+s14+$0x0], $0xffff;
	(xrf1) =	vsort.ascd.msk.f32 $0xffff, v7, v7  }
0x6e: {  	v9 =	vsub.f32 v9, v24;
	v10 =	vsub.f32 v21, v23;
	v6 =	vsel vm15, v15, v12  }
0x6f: {  	v13 =	vsub.f32 v18, v23;
	v5 =	vsub.f32 v11, v24;
	(xrf1) =	vsort.ascd.msk.f32 $0xffff, v6, v6  }
0x70: {  	v11 =	vmul.f32 v4, v4;
	v12 =	vsub.f32 v16, v23;
	v7 =	vmul.f32 v10, v10  }
0x71: {  	v14 =	vsub.f32 v14, v23;
	v15 =	vmul.f32 v13, v13;
	v16 =	vmul.f32 v9, v9  }
0x72: {  	v6 =	vsub.f32 v8, v24;
	v7 =	vadd.f32 v11, v7  }
0x73: {  	v17 =	vmul.f32 v5, v5;
	v15 =	vadd.f32 v16, v15;
	v8 =	vmul.f32 v12, v12  }
0x74: {  	v11 =	vmul.f32 v14, v14;
	v18 =	vmul.f32 v6, v6;
	v16 =	vshra.s32 v7, $0x1  }
0x75: {  	v8 =	vadd.f32 v17, v8;
	v7 =	vmul.f32 $5.000000000e-01, v7;
	v17 =	vshra.s32 v15, $0x1  }
0x76: {  	v15 =	vmul.f32 $5.000000000e-01, v15;
	v16 =	vsub.s32 $0x5F3759DF, v16;
	v17 =	vsub.s32 $0x5F3759DF, v17  }
0x77: {  	v11 =	vadd.f32 v18, v11;
	v18 =	vshra.s32 v8, $0x1;
	v8 =	vmul.f32 $5.000000000e-01, v8  }
0x78: {  	v20 =	vmul.f32 v16, v7;
	v21 =	vmul.f32 v17, v15;
	v18 =	vsub.s32 $0x5F3759DF, v18  }
0x79: {  	v19 =	vshra.s32 v11, $0x1;
	v11 =	vmul.f32 $5.000000000e-01, v11;
	v23 =	vmul.f32 v18, v8;
	v22, _, _ =	vpop (xrf1)  }
0x7a: {  	v20 =	vmul.f32 v16, v20;
	v19 =	vsub.s32 $0x5F3759DF, v19;
	v22 =	vperm.xlane v22, v0;
	v58, _, _ =	vpop (xrf1)  }
0x7b: {  	v21 =	vmul.f32 v17, v21;
	v59 =	vmul.f32 v19, v11;
	v60, _, _ =	vpop (xrf1)  }
0x7c: {  	v23 =	vmul.f32 v18, v23;
	v24 =	vperm.xlane v58, v0;
	v61 =	vmin.f32 v60, v22  }
0x7d: {  	v20 =	vsub.f32 $1.500000000e+00, v20;
	v21 =	vsub.f32 $1.500000000e+00, v21;
	v22 =	vmax.f32 v60, v22;
	v62, _, _ =	vpop (xrf1);
	(xrf1) =	vsort.ascd.msk.f32 $0xffff, v61, v61  }
0x7e: {  	v25 =	vmul.f32 v19, v59;
	v63 =	vmin.f32 v62, v24;
	(xrf1) =	vsort.ascd.msk.f32 $0xffff, v22, v22  }
0x7f: {  	v16 =	vmul.f32 v16, v20;
	v17 =	vmul.f32 v17, v21;
	(xrf1) =	vsort.ascd.msk.f32 $0xffff, v63, v63  }
0x80: {  	v20 =	vsub.f32 $1.500000000e+00, v25;
	v22 =	vsub.f32 $1.500000000e+00, v23  }
0x81: {  	v7 =	vmul.f32 v16, v7;
	v15 =	vmul.f32 v17, v15  }
0x82: {  	v19 =	vmul.f32 v19, v20;
	v18 =	vmul.f32 v18, v22  }
0x83: {  	v7 =	vmul.f32 v7, v16;
	v15 =	vmul.f32 v15, v17  }
0x84: {  	v11 =	vmul.f32 v19, v11;
	v8 =	vmul.f32 v18, v8  }
0x85: {  	v7 =	vsub.f32 $1.500000000e+00, v7;
	v15 =	vsub.f32 $1.500000000e+00, v15  }
0x86: {  	v11 =	vmul.f32 v11, v19;
	v8 =	vmul.f32 v8, v18  }
0x87: {  	v7 =	vmul.f32 v7, v16;
	v15 =	vmul.f32 v15, v17  }
0x88: {  	v11 =	vsub.f32 $1.500000000e+00, v11;
	v8 =	vsub.f32 $1.500000000e+00, v8  }
0x89: {  	v7 =	vmul.f32 v7, v10  }
0x8a: {  	v16 =	vmax.f32 v62, v24;
	v11 =	vmul.f32 v11, v19;
	v8 =	vmul.f32 v8, v18  }
0x8b: {  	v10 =	vmul.f32 v15, v13;
	v15, _, _ =	vpop (xrf1)  }
0x8c: {  	v19 =	vand.u32 $0x7FFFFFFF, v7;
	v11 =	vmul.f32 v11, v14;
	v8 =	vmul.f32 v8, v12;
	v12, _, _ =	vpop (xrf1)  }
0x8d: {  	s26 =	simm.s32 $0x2;
	v20 =	vand.u32 $0x7FFFFFFF, v10;
	(xrf1) =	vsort.ascd.msk.f32 $0xffff, v16, v16;
	v15 =	vperm.xlane v15, v0;
	v13 =	vperm.xlane v12, v0;
	v16, _, _ =	vpop (xrf1)  }
.LBB2_3:
0x8e: {  	_ =	sdelay $0x8  }
0x8f: {  	v17 =	vmul.f32 $1.872929930e-02, v19;
	v21 =	vmul.f32 $1.872929930e-02, v20  }
0x90: {  	vm0 =	vlt.f32 v9, $0.0e+00;
	v9 =	vimm.s32 $0x0;
	v12 =	vand.u32 $0x7FFFFFFF, v8  }
0x91: {  	v14 =	vand.u32 $0x7FFFFFFF, v11;
	v22 =	vmax.f32 v16, v13;
	v24 =	vmul.f32 $1.872929930e-02, v12  }
0x92: {  	v13 =	vmin.f32 v16, v13;
	v26 =	vmul.f32 $1.872929930e-02, v14;
	v27 =	vsub.f32 $7.426100220e-02, v21  }
0x93: {  	v9 =	vsel vm0, $0xFFFFFFFF, v9;
	v55 =	vsub.f32 $1.000000000e+00, v14;
	v24 =	vsub.f32 $7.426100220e-02, v24;
	v18, _, _ =	vpop (xrf1)  }
0x94: {  	v26 =	vsub.f32 $7.426100220e-02, v26;
	v27 =	vmul.f32 v27, v20;
	v23 =	vmax.f32 v18, v15  }
0x95: {  	v24 =	vmul.f32 v24, v12;
	v15 =	vmin.f32 v18, v15;
	v16 =	vmax.f32 v22, v23  }
0x96: {  	v26 =	vmul.f32 v26, v14;
	v25 =	vmin.f32 v13, v15;
	(xrf1) =	vsort.ascd.msk.f32 $0xffff, v16, v16;
	v16 =	vsub.f32 $1.000000000e+00, v20  }
0x97: {  	v18 =	vsub.f32 $1.000000000e+00, v19;
	v22 =	vmin.f32 v22, v23;
	v23 =	vsub.f32 $1.000000000e+00, v12;
	(xrf1) =	vsort.ascd.msk.f32 $0xffff, v25, v25  }
0x98: {  	v13 =	vmax.f32 v13, v15;
	(xrf1) =	vsort.ascd.msk.f32 $0xffff, v22, v22;
	v22 =	vsub.f32 $7.426100220e-02, v17;
	v17 =	vmax.f32 v16, $0.0e+00  }
0x99: {  	v16 =	vmax.f32 v23, $0.0e+00;
	(xrf1) =	vsort.ascd.msk.f32 $0xffff, v13, v13;
	v13 =	vmax.f32 v18, $0.0e+00;
	v18 =	vmax.f32 v55, $0.0e+00  }
0x9a: {  	v23 =	vshra.s32 v17, $0x1;
	v28 =	vmul.f32 $5.000000000e-01, v17;
	v29 =	vshra.s32 v16, $0x1  }
0x9b: {  	v30 =	vmul.f32 $5.000000000e-01, v16;
	v21 =	vshra.s32 v13, $0x1;
	v56 =	vmul.f32 $5.000000000e-01, v13  }
0x9c: {  	v31 =	vmul.f32 v22, v19;
	v32 =	vshra.s32 v18, $0x1;
	v33 =	vmul.f32 $5.000000000e-01, v18  }
0x9d: {  	v23 =	vsub.s32 $0x5F3759DF, v23;
	v22 =	vsub.s32 $0x5F3759DF, v29;
	v21 =	vsub.s32 $0x5F3759DF, v21  }
0x9e: {  	v28 =	vmul.f32 v23, v28;
	v57 =	vsub.s32 $0x5F3759DF, v32;
	v30 =	vmul.f32 v22, v30  }
0x9f: {  	v27 =	vadd.f32 $-2.121143940e-01, v27;
	v25 =	vmul.f32 v21, v56;
	v32 =	vmul.f32 v57, v33  }
0xa0: {  	v31 =	vadd.f32 $-2.121143940e-01, v31;
	v28 =	vmul.f32 v23, v28;
	v30 =	vmul.f32 v22, v30  }
0xa1: {  	v26 =	vadd.f32 $-2.121143940e-01, v26;
	v25 =	vmul.f32 v21, v25;
	v32 =	vmul.f32 v57, v32  }
0xa2: {  	[tilespmem:$0x1FFE0] =	vst v9;
	v9 =	vmul.f32 v31, v19;
	v19 =	vmul.f32 v27, v20;
	v20 =	vadd.f32 $-2.121143940e-01, v24  }
0xa3: {  	v14 =	vmul.f32 v26, v14;
	v54 =	vsub.f32 $1.500000000e+00, v28;
	v56 =	vsub.f32 $1.500000000e+00, v30  }
0xa4: {  	v32 =	vsub.f32 $1.500000000e+00, v32;
	v25 =	vsub.f32 $1.500000000e+00, v25;
	v12 =	vmul.f32 v20, v12  }
0xa5: {  	v23 =	vmul.f32 v23, v54;
	v22 =	vmul.f32 v22, v56  }
0xa6: {  	v29 =	vmul.f32 v57, v32;
	v21 =	vmul.f32 v21, v25  }
0xa7: {  	v19 =	vadd.f32 $1.570728780e+00, v19;
	v17 =	vmul.f32 v23, v17;
	v16 =	vmul.f32 v22, v16  }
0xa8: {  	s28 =	sadd.s32 s26, s22;
	v12 =	vadd.f32 $1.570728780e+00, v12;
	v58, _, _ =	vpop (xrf1);
	v18 =	vmul.f32 v29, v18;
	v13 =	vmul.f32 v21, v13  }
0xa9: {  	p1 =	slt.s32 s28, $0xC34F;
	v14 =	vadd.f32 $1.570728780e+00, v14;
	v60 =	vperm.xlane v58, v1;
	v36 =	vperm.xlane v58, v2  }
0xaa: {  	s28 =	simm.s32 @!p1 $0xC34F;
	v9 =	vadd.f32 $1.570728780e+00, v9;
	v59, _, _ =	vpop (xrf1);
	v17 =	vmul.f32 v17, v19;
	v12 =	vmul.f32 v16, v12  }
0xab: {  	v15 =	vmov s28;
	v61 =	vperm.xlane v59, v2;
	v40 =	vperm.xlane v59, v1  }
0xac: {  	vm2 =	veq.f32 v58, $1.568069820e+00;
	v34, _, _ =	vpop (xrf1);
	v14 =	vmul.f32 v18, v14;
	v9 =	vmul.f32 v13, v9  }
0xad: {  	vm8 =	veq.f32 v59, $1.568069820e+00;
	v35 =	vperm.xlane v34, v1;
	v37, _, _ =	vpop (xrf1);
	v39 =	vperm.xlane v34, v2  }
0xae: {  	vm9 =	veq.f32 v34, $1.568069820e+00;
	v38 =	vperm.xlane v37, v1;
	v41 =	vperm.xlane v37, v2  }
0xaf: {  	v27 =	vsel vm7, v60, v61;
	vm10 =	veq.f32 v37, $1.568069820e+00;
	v16 =	vsub.f32 $3.141592740e+00, v14  }
0xb0: {  	v21 =	vsub.f32 $3.141592740e+00, v9;
	v35 =	vsel vm7, v35, v36;
	vm5 =	veq.f32 v27, $1.568069820e+00  }
0xb1: {  	vm3 =	vlt.f32 v58, v27;
	vm4 =	vgt.f32 v58, v27;
	v27 =	vsub.f32 v27, v58  }
0xb2: {  	v62 =	vsel vm7, v40, v41;
	v38 =	vsel vm7, v38, v39;
	vm11 =	veq.f32 v35, $1.568069820e+00  }
0xb3: {  	vm6 =	vlt.f32 v34, v35;
	vm7 =	vgt.f32 v34, v35;
	v43 =	vsub.f32 v35, v34  }
0xb4: {  	v63 =	vsub.f32 v62, v59;
	vm12 =	vlt.f32 v37, v38;
	vm13 =	vgt.f32 v37, v38  }
0xb5: {  	vm14 =	vlt.f32 v59, v62;
	vm15 =	vgt.f32 v59, v62;
	vm1 =	veq.f32 v38, $1.568069820e+00  }
0xb6: {  	v41 =	vsub.f32 v38, v37;
	vm0 =	veq.f32 v62, $1.568069820e+00;
	vm9 =	vmor vm11, vm9  }
0xb7: {  	v27 =	vand.u32 $0x7FFFFFFF, v27;
	vm11 =	vlt.f32 v8, $0.0e+00;
	v40 =	vand.u32 $0x7FFFFFFF, v63  }
0xb8: {  	vm12 =	vmor vm13, vm12;
	vm1 =	vmor vm1, vm10;
	v42 =	vsub.f32 $6.283185480e+00, v40  }
0xb9: {  	vm15 =	vmor vm15, vm14;
	v31 =	vand.u32 $0x7FFFFFFF, v43;
	v44 =	vand.u32 $0x7FFFFFFF, v41  }
0xba: {  	v46 =	vsub.f32 $6.283185480e+00, v31;
	v45 =	vsub.f32 $6.283185480e+00, v44;
	v24 =	vmin.f32 v40, v42  }
0xbb: {  	s25 =	sadd.s32 $0x40, s25;
	vm0 =	vmor vm0, vm8;
	vm10 =	vlt.f32 v11, $0.0e+00;
	v24 =	vsub.f32 $9.817477310e-02, v24  }
0xbc: {  	v49 =	vld [tilespmem:s25+$0xFFFFFFE0];
	v14 =	vsel vm10, v16, v14;
	v31 =	vmin.f32 v31, v46;
	v33 =	vmin.f32 v44, v45  }
0xbd: {  	v52 =	vld [tilespmem:s25+$0xFFFFFFF0];
	v31 =	vsub.f32 $9.817477310e-02, v31;
	v33 =	vsub.f32 $9.817477310e-02, v33;
	v24 =	vand.u32 $0x7FFFFFFF, v24  }
0xbe: {  	v47 =	vsub.f32 $6.283185480e+00, v27;
	v8 =	vsub.f32 $6.283185480e+00, v14;
	v24 =	vsel vm0, $0x3FBC7EDD, v24  }
0xbf: {  	v55 =	vld [tilespmem:s25+$0x0];
	v31 =	vand.u32 $0x7FFFFFFF, v31;
	v33 =	vand.u32 $0x7FFFFFFF, v33;
	v24 =	vnsel vm15, $0x0, v24  }
0xc0: {  	v20 =	vld.idx.msk [tilespmem:v15+s3+$0x0], $0xffff;
	v50 =	vsel vm9, $0x3FBC7EDD, v31;
	v48 =	vsel vm1, $0x3FBC7EDD, v33;
	v3 =	vadd.f32 v24, v3  }
0xc1: {  	v15 =	vld.idx.msk [tilespmem:v15+s14+$0x0], $0xffff;
	vm15 =	vlt.f32 v6, $0.0e+00;
	v24 =	vnsel vm12, $0x0, v48;
	vm12 =	vmor vm7, vm6  }
0xc2: {  	v57 =	vld [tilespmem:s25+$0x10];
	v3 =	vadd.f32 v3, v24;
	v24 =	vnsel vm12, $0x0, v50;
	vm12 =	vlt.f32 v7, $0.0e+00  }
0xc3: {  	v27 =	vmin.f32 v27, v47;
	v8 =	vsel vm15, v8, v14;
	v14 =	vsel vm12, v21, v9;
	v9 =	vld [tilespmem:$0x1FFE0]  }
0xc4: {  	v23 =	vld.idx.msk [tilespmem:v49+s3+$0x0], $0xffff;
	v27 =	vsub.f32 $9.817477310e-02, v27;
	vm9 =	vlt.f32 v10, $0.0e+00;
	v10 =	vsub.f32 $3.141592740e+00, v17  }
0xc5: {  	v19 =	vld.idx.msk [tilespmem:v52+s14+$0x0], $0xffff;
	v13 =	vsub.f32 $3.141592740e+00, v12;
	vm13 =	vmor vm5, vm2  }
0xc6: {  	v18 =	vld.idx.msk [tilespmem:v49+s14+$0x0], $0xffff;
	vm14 =	vmor vm4, vm3;
	v27 =	vand.u32 $0x7FFFFFFF, v27;
	v10 =	vsel vm9, v10, v17  }
0xc7: {  	v12 =	vsel vm11, v13, v12;
	v53 =	vsel vm13, $0x3FBC7EDD, v27;
	v6 =	vld.idx.msk [tilespmem:v52+s3+$0x0], $0xffff;
	v22 =	vsub.f32 $6.283185480e+00, v10;
	(xrf1) =	vsort.ascd.msk.f32 $0xffff, v8, v8  }
0xc8: {  	v11 =	vld.idx.msk [tilespmem:v55+s3+$0x0], $0xffff;
	v7 =	vsub.f32 $6.283185480e+00, v12;
	v3 =	vadd.f32 v3, v24;
	vm13 =	vnez.u8 v9  }
0xc9: {  	v16 =	vld.idx.msk [tilespmem:v55+s14+$0x0], $0xffff;
	v24 =	vnsel vm14, $0x0, v53;
	vm14 =	vlt.f32 v5, $0.0e+00;
	v9 =	vsel vm13, v22, v10  }
0xca: {  	v17 =	vld.idx.msk [tilespmem:v57+s3+$0x0], $0xffff;
	v5 =	vsub.f32 $6.283185480e+00, v14;
	v7 =	vsel vm14, v7, v12;
	(xrf1) =	vsort.ascd.msk.f32 $0xffff, v9, v9  }
0xcb: {  	v13 =	vld.idx.msk [tilespmem:v57+s14+$0x0], $0xffff;
	vm15 =	vlt.f32 v4, $0.0e+00;
	(xrf1) =	vsort.ascd.msk.f32 $0xffff, v7, v7  }
0xcc: {  	v4 =	vsub.f32 v18, v15;
	v10 =	vsub.f32 v6, v20;
	v6 =	vsel vm15, v5, v14  }
0xcd: {  	v8 =	vsub.f32 v23, v20;
	(xrf1) =	vsort.ascd.msk.f32 $0xffff, v6, v6  }
0xce: {  	v11 =	vsub.f32 v11, v20;
	v12 =	vmul.f32 v4, v4;
	v9 =	vsub.f32 v19, v15  }
0xcf: {  	v5 =	vsub.f32 v16, v15;
	v14 =	vsub.f32 v17, v20;
	v7 =	vmul.f32 v8, v8  }
0xd0: {  	v16 =	vmul.f32 v10, v10;
	v17 =	vmul.f32 v9, v9;
	v6 =	vsub.f32 v13, v15  }
0xd1: {  	v13 =	vmul.f32 v11, v11;
	v15 =	vmul.f32 v5, v5;
	v7 =	vadd.f32 v12, v7  }
0xd2: {  	v12 =	vmul.f32 v14, v14;
	v18 =	vmul.f32 v6, v6;
	v16 =	vadd.f32 v17, v16  }
0xd3: {  	v13 =	vadd.f32 v15, v13;
	v17 =	vshra.s32 v7, $0x1;
	v7 =	vmul.f32 $5.000000000e-01, v7  }
0xd4: {  	v12 =	vadd.f32 v18, v12;
	v15 =	vshra.s32 v16, $0x1;
	v16 =	vmul.f32 $5.000000000e-01, v16  }
0xd5: {  	v22, _, _ =	vpop (xrf1);
	v18 =	vshra.s32 v13, $0x1;
	v13 =	vmul.f32 $5.000000000e-01, v13;
	v17 =	vsub.s32 $0x5F3759DF, v17  }
0xd6: {  	v22 =	vperm.xlane v22, v0;
	v15 =	vsub.s32 $0x5F3759DF, v15;
	v20 =	vmul.f32 v17, v7  }
0xd7: {  	v18 =	vsub.s32 $0x5F3759DF, v18;
	v19 =	vshra.s32 v12, $0x1;
	v12 =	vmul.f32 $5.000000000e-01, v12  }
0xd8: {  	v21 =	vmul.f32 v15, v16;
	v23 =	vmul.f32 v18, v13;
	v19 =	vsub.s32 $0x5F3759DF, v19;
	v58, _, _ =	vpop (xrf1)  }
0xd9: {  	v3 =	vadd.f32 v3, v24;
	v20 =	vmul.f32 v17, v20;
	v59 =	vmul.f32 v19, v12;
	v60, _, _ =	vpop (xrf1)  }
0xda: {  	v21 =	vmul.f32 v15, v21;
	v24 =	vperm.xlane v58, v0;
	v61 =	vmin.f32 v60, v22  }
0xdb: {  	v23 =	vmul.f32 v18, v23;
	v20 =	vsub.f32 $1.500000000e+00, v20;
	v22 =	vmax.f32 v60, v22;
	v62, _, _ =	vpop (xrf1);
	(xrf1) =	vsort.ascd.msk.f32 $0xffff, v61, v61  }
0xdc: {  	v25 =	vmul.f32 v19, v59;
	v63 =	vmin.f32 v62, v24;
	(xrf1) =	vsort.ascd.msk.f32 $0xffff, v22, v22  }
0xdd: {  	v21 =	vsub.f32 $1.500000000e+00, v21;
	v17 =	vmul.f32 v17, v20;
	(xrf1) =	vsort.ascd.msk.f32 $0xffff, v63, v63  }
0xde: {  	v20 =	vsub.f32 $1.500000000e+00, v25;
	v22 =	vsub.f32 $1.500000000e+00, v23  }
0xdf: {  	v15 =	vmul.f32 v15, v21;
	v7 =	vmul.f32 v17, v7  }
0xe0: {  	v19 =	vmul.f32 v19, v20;
	v18 =	vmul.f32 v18, v22  }
0xe1: {  	v16 =	vmul.f32 v15, v16;
	v7 =	vmul.f32 v7, v17  }
0xe2: {  	v12 =	vmul.f32 v19, v12;
	v13 =	vmul.f32 v18, v13  }
0xe3: {  	v16 =	vmul.f32 v16, v15;
	v7 =	vsub.f32 $1.500000000e+00, v7  }
0xe4: {  	v51 =	vld [tilespmem:$0x1FFF0];
	v12 =	vmul.f32 v12, v19;
	v13 =	vmul.f32 v13, v18  }
0xe5: {  	v16 =	vsub.f32 $1.500000000e+00, v16;
	v7 =	vmul.f32 v7, v17  }
0xe6: {  	p0 =	sne.s32 s26, $0x4F;
	v12 =	vsub.f32 $1.500000000e+00, v12;
	v13 =	vsub.f32 $1.500000000e+00, v13  }
.Ltmp0:
0xe7: {  	v16 =	vmul.f32 v16, v15;
	v7 =	vmul.f32 v7, v8;
	(pc) =	sbr.rel @p0 .LBB2_3-.Ltmp0, $4  }
0xe8: {  	v17 =	vmul.f32 v12, v19;
	v13 =	vmul.f32 v13, v18  }
0xe9: {  	vm7 =	vnez.u8 v51;
	v23 =	vmax.f32 v62, v24;
	v10 =	vmul.f32 v16, v10;
	v15, _, _ =	vpop (xrf1)  }
0xea: {  	v19 =	vand.u32 $0x7FFFFFFF, v7;
	v8 =	vmul.f32 v13, v11;
	v11 =	vmul.f32 v17, v14;
	v12, _, _ =	vpop (xrf1)  }
0xeb: {  	s26 =	sadd.s32 $0x1, s26;
	(xrf1) =	vsort.ascd.msk.f32 $0xffff, v23, v23;
	v20 =	vand.u32 $0x7FFFFFFF, v10;
	v15 =	vperm.xlane v15, v0;
	v13 =	vperm.xlane v12, v0;
	v16, _, _ =	vpop (xrf1)  }
0xec: {  	_ =	sdelay $0x3  }
0xed: {  	v17 =	vand.u32 $0x7FFFFFFF, v11  }
0xee: {  	v12 =	vmul.f32 $1.872929930e-02, v19;
	v26 =	vsub.f32 $1.000000000e+00, v20;
	v28 =	vsub.f32 $1.000000000e+00, v17  }
0xef: {  	v14 =	vand.u32 $0x7FFFFFFF, v8;
	v21 =	vmul.f32 $1.872929930e-02, v20  }
0xf0: {  	v12 =	vsub.f32 $7.426100220e-02, v12;
	v26 =	vmax.f32 v26, $0.0e+00;
	v61 =	vmax.f32 v28, $0.0e+00  }
0xf1: {  	v30 =	vshra.s32 v26, $0x1;
	v34 =	vshra.s32 v61, $0x1;
	v35 =	vmul.f32 $5.000000000e-01, v61  }
0xf2: {  	v31 =	vmul.f32 $5.000000000e-01, v26;
	v12 =	vmul.f32 v12, v19;
	v34 =	vsub.s32 $0x5F3759DF, v34  }
0xf3: {  	v22 =	vmax.f32 v16, v13;
	v30 =	vsub.s32 $0x5F3759DF, v30;
	v35 =	vmul.f32 v34, v35  }
0xf4: {  	v27 =	vmul.f32 $1.872929930e-02, v17;
	v31 =	vmul.f32 v30, v31;
	v12 =	vadd.f32 $-2.121143940e-01, v12  }
0xf5: {  	v13 =	vmin.f32 v16, v13;
	v24 =	vmul.f32 $1.872929930e-02, v14;
	v35 =	vmul.f32 v34, v35  }
0xf6: {  	v60 =	vsub.f32 $7.426100220e-02, v27;
	v31 =	vmul.f32 v30, v31;
	v12 =	vmul.f32 v12, v19;
	v18, _, _ =	vpop (xrf1)  }
0xf7: {  	v63 =	vsub.f32 $1.500000000e+00, v35;
	v23 =	vmax.f32 v18, v15;
	v15 =	vmin.f32 v18, v15  }
0xf8: {  	v18 =	vsub.f32 $1.000000000e+00, v19;
	v16 =	vmax.f32 v22, v23;
	v25 =	vmin.f32 v13, v15  }
0xf9: {  	v22 =	vmin.f32 v22, v23;
	v23 =	vsub.f32 $1.000000000e+00, v14;
	v13 =	vmax.f32 v13, v15  }
0xfa: {  	v15 =	vsub.f32 $7.426100220e-02, v21;
	v21 =	vsub.f32 $7.426100220e-02, v24;
	v18 =	vmax.f32 v18, $0.0e+00  }
0xfb: {  	v24 =	vmul.f32 v60, v17;
	v23 =	vmax.f32 v23, $0.0e+00;
	v62 =	vshra.s32 v18, $0x1  }
0xfc: {  	v29 =	vmul.f32 $5.000000000e-01, v18;
	v32 =	vshra.s32 v23, $0x1;
	v33 =	vmul.f32 $5.000000000e-01, v23  }
0xfd: {  	v15 =	vmul.f32 v15, v20;
	v19 =	vadd.f32 $-2.121143940e-01, v24;
	v32 =	vsub.s32 $0x5F3759DF, v32  }
0xfe: {  	v21 =	vmul.f32 v21, v14;
	v28 =	vsub.s32 $0x5F3759DF, v62;
	v33 =	vmul.f32 v32, v33  }
0xff: {  	v29 =	vmul.f32 v28, v29;
	v15 =	vadd.f32 $-2.121143940e-01, v15;
	v17 =	vmul.f32 v19, v17  }
0x100: {  	vm1 =	vlt.f32 v9, $0.0e+00;
	v19 =	vmul.f32 v34, v63;
	v9 =	vmul.f32 v32, v33  }
0x101: {  	v15 =	vmul.f32 v15, v20;
	v20 =	vadd.f32 $-2.121143940e-01, v21;
	v21 =	vsub.f32 $1.500000000e+00, v31  }
0x102: {  	v29 =	vmul.f32 v28, v29;
	v9 =	vsub.f32 $1.500000000e+00, v9  }
0x103: {  	v17 =	vadd.f32 $1.570728780e+00, v17;
	v19 =	vmul.f32 v19, v61;
	v21 =	vmul.f32 v30, v21  }
0x104: {  	v29 =	vsub.f32 $1.500000000e+00, v29;
	v14 =	vmul.f32 v20, v14;
	v9 =	vmul.f32 v32, v9  }
0x105: {  	v15 =	vadd.f32 $1.570728780e+00, v15;
	v17 =	vmul.f32 v19, v17;
	v21 =	vmul.f32 v21, v26  }
0x106: {  	v20 =	vmul.f32 v28, v29;
	v14 =	vadd.f32 $1.570728780e+00, v14;
	v9 =	vmul.f32 v9, v23  }
0x107: {  	vm0 =	vlt.f32 v6, $0.0e+00;
	v12 =	vadd.f32 $1.570728780e+00, v12;
	v15 =	vmul.f32 v21, v15  }
0x108: {  	v6 =	vmul.f32 v20, v18;
	v9 =	vmul.f32 v9, v14;
	v14 =	vsub.f32 $3.141592740e+00, v17  }
0x109: {  	vm2 =	vlt.f32 v10, $0.0e+00;
	vm3 =	vlt.f32 v11, $0.0e+00;
	v10 =	vsub.f32 $3.141592740e+00, v15  }
0x10a: {  	(xrf1) =	vsort.ascd.msk.f32 $0xffff, v16, v16;
	v6 =	vmul.f32 v6, v12;
	v11 =	vsub.f32 $3.141592740e+00, v9;
	v12 =	vsel vm3, v14, v17  }
0x10b: {  	vm14 =	vlt.f32 v8, $0.0e+00;
	(xrf1) =	vsort.ascd.msk.f32 $0xffff, v25, v25;
	v10 =	vsel vm2, v10, v15;
	v8 =	vsub.f32 $6.283185480e+00, v12  }
0x10c: {  	(xrf1) =	vsort.ascd.msk.f32 $0xffff, v22, v22;
	v14 =	vsub.f32 $3.141592740e+00, v6;
	v15 =	vsub.f32 $6.283185480e+00, v10;
	v9 =	vsel vm14, v11, v9  }
0x10d: {  	vm15 =	vlt.f32 v7, $0.0e+00;
	(xrf1) =	vsort.ascd.msk.f32 $0xffff, v13, v13;
	v7 =	vsub.f32 $6.283185480e+00, v9;
	v8 =	vsel vm0, v8, v12  }
0x10e: {  	vm9 =	vlt.f32 v5, $0.0e+00;
	v6 =	vsel vm15, v14, v6;
	v10 =	vsel vm1, v15, v10;
	(xrf1) =	vsort.ascd.msk.f32 $0xffff, v8, v8  }
0x10f: {  	v5 =	vsub.f32 $6.283185480e+00, v6;
	v7 =	vsel vm9, v7, v9;
	(xrf1) =	vsort.ascd.msk.f32 $0xffff, v10, v10  }
0x110: {  	vm10 =	vlt.f32 v4, $0.0e+00;
	(xrf1) =	vsort.ascd.msk.f32 $0xffff, v7, v7  }
0x111: {  	v4 =	vsel vm10, v5, v6  }
0x112: {  	(xrf1) =	vsort.ascd.msk.f32 $0xffff, v4, v4;
	_ =	sdelay $0x5  }
0x113: {  	v6, _, _ =	vpop (xrf1)  }
0x114: {  	v4, _, _ =	vpop (xrf1)  }
0x115: {  	v7, _, _ =	vpop (xrf1)  }
0x116: {  	v5, _, _ =	vpop (xrf1)  }
0x117: {  	v8, _, _ =	vpop (xrf1)  }
0x118: {  	v8 =	vperm.xlane v8, v0;
	v9, _, _ =	vpop (xrf1)  }
0x119: {  	v10, _, _ =	vpop (xrf1)  }
0x11a: {  	v9 =	vperm.xlane v9, v0;
	v11 =	vmin.f32 v10, v8  }
0x11b: {  	v8 =	vmax.f32 v10, v8;
	v10, _, _ =	vpop (xrf1);
	(xrf1) =	vsort.ascd.msk.f32 $0xffff, v11, v11  }
0x11c: {  	v11 =	vmin.f32 v10, v9;
	(xrf1) =	vsort.ascd.msk.f32 $0xffff, v8, v8  }
0x11d: {  	v8 =	vmax.f32 v10, v9;
	(xrf1) =	vsort.ascd.msk.f32 $0xffff, v11, v11  }
0x11e: {  	(xrf1) =	vsort.ascd.msk.f32 $0xffff, v8, v8;
	_ =	sdelay $0xa  }
0x11f: {  	v8, _, _ =	vpop (xrf1)  }
0x120: {  	v9, _, _ =	vpop (xrf1)  }
0x121: {  	v8 =	vperm.xlane v8, v0;
	v9 =	vperm.xlane v9, v0;
	v10, _, _ =	vpop (xrf1)  }
0x122: {  	v11, _, _ =	vpop (xrf1)  }
0x123: {  	v12 =	vmax.f32 v10, v9;
	v13 =	vmax.f32 v11, v8  }
0x124: {  	v9 =	vmin.f32 v10, v9;
	v8 =	vmin.f32 v11, v8;
	v10 =	vmax.f32 v12, v13  }
0x125: {  	v15 =	vperm.xlane v4, v2;
	v14 =	vmin.f32 v9, v8;
	(xrf1) =	vsort.ascd.msk.f32 $0xffff, v10, v10  }
0x126: {  	v12 =	vmin.f32 v12, v13;
	v13 =	vperm.xlane v6, v2;
	(xrf1) =	vsort.ascd.msk.f32 $0xffff, v14, v14  }
0x127: {  	v8 =	vmax.f32 v9, v8;
	v10 =	vperm.xlane v7, v1;
	(xrf1) =	vsort.ascd.msk.f32 $0xffff, v12, v12  }
0x128: {  	vm12 =	veq.f32 v4, $1.568069820e+00;
	v14 =	vperm.xlane v5, v2;
	(xrf1) =	vsort.ascd.msk.f32 $0xffff, v8, v8;
	v8 =	vperm.xlane v4, v1  }
0x129: {  	vm11 =	veq.f32 v7, $1.568069820e+00;
	v9 =	vperm.xlane v5, v1;
	v12 =	vperm.xlane v7, v2  }
0x12a: {  	vm4 =	veq.f32 v5, $1.568069820e+00;
	v10 =	vsel vm7, v10, v13;
	v8 =	vsel vm7, v8, v14  }
0x12b: {  	vm5 =	veq.f32 v10, $1.568069820e+00;
	v9 =	vsel vm7, v9, v12;
	v12 =	vsub.f32 v8, v4  }
0x12c: {  	v11 =	vperm.xlane v6, v1;
	vm15 =	vmor vm5, vm11;
	vm13 =	vlt.f32 v5, v9  }
0x12d: {  	p0 =	seq.s32 s23, $0x9;
	vm14 =	vgt.f32 v5, v9;
	v5 =	vsub.f32 v9, v5;
	v12 =	vand.u32 $0x7FFFFFFF, v12  }
0x12e: {  	s24 =	sadd.s32 @!p0 s24, s8;
	vm9 =	veq.f32 v9, $1.568069820e+00;
	vm6 =	vlt.f32 v4, v8;
	v9 =	vsub.f32 $6.283185480e+00, v12  }
0x12f: {  	s24 =	sshll.u32 @!p0 s24, $0x3;
	vm10 =	vgt.f32 v4, v8;
	v4 =	vsub.f32 v10, v7;
	v13 =	vand.u32 $0x7FFFFFFF, v5  }
0x130: {  	s24 =	sand.u32 @!p0 $0x1FFFFF00, s24;
	vm5 =	veq.f32 v8, $1.568069820e+00;
	v8 =	vsub.f32 $6.283185480e+00, v13;
	v5 =	vmin.f32 v12, v9  }
0x131: {  	s25 =	simm.s32 @!p0 $0x0;
	s26 =	simm.s32 @!p0 $0x18700;
	s24 =	sadd.s32 @!p0 s5, s24;
	v11 =	vsel vm7, v11, v15  }
0x132: {  	[tilespmem:s26], [sflag:$0x1] =	stream.linear.gather @!p0 [hbm4b:s24+s25], $0x1400, $0x38;
	v15 =	vsub.f32 v11, v6;
	v12 =	vand.u32 $0x7FFFFFFF, v4;
	v4 =	vmin.f32 v13, v8;
	[tilespmem:$0x1AF80] =	vst v63  }
0x133: {  	s24 =	sadd.s32 $0x0, s21;
	vm11 =	veq.f32 v6, $1.568069820e+00;
	vm2 =	vmor vm14, vm13;
	v9 =	vsub.f32 $9.817477310e-02, v5;
	v5, _, _ =	vpop (xrf1)  }
0x134: {  	p0 =	slt.s32 s24, $0xC34F;
	vm4 =	vmor vm9, vm4;
	vm13 =	vgt.f32 v7, v10;
	vm14 =	vgt.f32 v6, v11;
	v14, _, _ =	vpop (xrf1)  }
0x135: {  	s24 =	simm.s32 @!p0 $0xC34F;
	vm0 =	vmor vm10, vm6;
	v8 =	vsub.f32 $6.283185480e+00, v12;
	v13 =	vsub.f32 $9.817477310e-02, v4;
	v4, _, _ =	vpop (xrf1)  }
0x136: {  	vm5 =	vmor vm5, vm12;
	vm12 =	vlt.f32 v7, v10;
	v10 =	vmov s24;
	s24 =	sadd.s32 $0x1, s21;
	v16, _, _ =	vpop (xrf1)  }
0x137: {  	vm6 =	veq.f32 v11, $1.568069820e+00;
	p0 =	slt.s32 s24, $0xC34F;
	v9 =	vand.u32 $0x7FFFFFFF, v9;
	v8 =	vmin.f32 v12, v8;
	_ =	swait.ge [sflag:s18], $0x1400  }
0x138: {  	s24 =	simm.s32 @!p0 $0xC34F;
	v12 =	vand.u32 $0x7FFFFFFF, v13;
	v13 =	vand.u32 $0x7FFFFFFF, v15;
	v8 =	vsub.f32 $9.817477310e-02, v8;
	[sflag:s18] =	ssyncset.done $0x0  }
0x139: {  	s31 =	simm.s32 $0x19B20;
	v56 =	vmov s24;
	v9 =	vsel vm5, $0x3FBC7EDD, v9;
	v15 =	vsub.f32 $6.283185480e+00, v13;
	[sflag:s18] =	ssyncadd.s32 $0xFFFFEC00  }
0x13a: {  	vm5 =	vlt.f32 v6, v11;
	v9 =	vnsel vm0, $0x0, v9;
	v7 =	vand.u32 $0x7FFFFFFF, v8;
	v8 =	vld [tilespmem:s31+$0xFFFFFFE0]  }
0x13b: {  	v12 =	vsel vm4, $0x3FBC7EDD, v12;
	v3 =	vadd.f32 v9, v3;
	v9 =	vmin.f32 v13, v15  }
0x13c: {  	v17 =	vperm.xlane v5, v2;
	v12 =	vnsel vm2, $0x0, v12;
	v6 =	vsub.f32 $9.817477310e-02, v9;
	v9 =	vld [tilespmem:s31+$0xFFFFFFF0]  }
0x13d: {  	vm0 =	vmor vm13, vm12;
	v11 =	vperm.xlane v14, v1;
	vm9 =	vmor vm14, vm5  }
0x13e: {  	v7 =	vsel vm15, $0x3FBC7EDD, v7;
	v3 =	vadd.f32 v3, v12;
	v12 =	vperm.xlane v16, v2;
	v13 =	vld [tilespmem:s31+$0x0]  }
0x13f: {  	v19 =	vperm.xlane v4, v2;
	vm15 =	vmor vm6, vm11;
	v7 =	vnsel vm0, $0x0, v7;
	v15 =	vld [tilespmem:s31+$0x10]  }
0x140: {  	v6 =	vand.u32 $0x7FFFFFFF, v6;
	v3 =	vadd.f32 v3, v7;
	v11 =	vsel vm7, v11, v12;
	v18 =	vld.idx.msk [tilespmem:v10+s3+$0x0], $0xffff  }
0x141: {  	v6 =	vsel vm15, $0x3FBC7EDD, v6;
	v7 =	vperm.xlane v4, v1;
	v10 =	vld.idx.msk [tilespmem:v10+s14+$0x0], $0xffff;
	v20 =	vsub.f32 v11, v14  }
0x142: {  	vm10 =	veq.f32 v4, $1.568069820e+00;
	v12 =	vperm.xlane v16, v1;
	v21 =	vnsel vm9, $0x0, v6;
	v22 =	vld.idx.msk [tilespmem:v8+s3+$0x0], $0xffff  }
0x143: {  	vm5 =	vlt.f32 v14, v11;
	v6 =	vsel vm7, v7, v17;
	v7 =	vand.u32 $0x7FFFFFFF, v20;
	v8 =	vld.idx.msk [tilespmem:v8+s14+$0x0], $0xffff  }
0x144: {  	vm15 =	vgt.f32 v14, v11;
	v19 =	vsel vm7, v12, v19;
	v12 =	vsub.f32 $6.283185480e+00, v7;
	v17 =	vld.idx.msk [tilespmem:v9+s3+$0x0], $0xffff  }
0x145: {  	vm11 =	veq.f32 v16, $1.568069820e+00;
	vm0 =	vmor vm15, vm5;
	vm5 =	veq.f32 v11, $1.568069820e+00;
	v20 =	vld.idx.msk [tilespmem:v9+s14+$0x0], $0xffff  }
0x146: {  	vm12 =	vlt.f32 v16, v19;
	vm13 =	vgt.f32 v16, v19;
	v7 =	vmin.f32 v7, v12;
	v23 =	vld.idx.msk [tilespmem:v13+s3+$0x0], $0xffff  }
0x147: {  	vm4 =	veq.f32 v6, $1.568069820e+00;
	v16 =	vsub.f32 v19, v16;
	v9 =	vsub.f32 $9.817477310e-02, v7;
	v13 =	vld.idx.msk [tilespmem:v13+s14+$0x0], $0xffff  }
0x148: {  	v44 =	vsub.f32 v6, v4;
	vm14 =	vmor vm4, vm10;
	vm4 =	veq.f32 v14, $1.568069820e+00;
	v11 =	vld.idx.msk [tilespmem:v15+s3+$0x0], $0xffff  }
0x149: {  	vm4 =	vmor vm5, vm4;
	v7 =	vadd.f32 v3, v21;
	v15 =	vld.idx.msk [tilespmem:v15+s14+$0x0], $0xffff;
	v3 =	vand.u32 $0x7FFFFFFF, v9  }
0x14a: {  	v9 =	vsel vm4, $0x3FBC7EDD, v3;
	v21 =	vsub.f32 v22, v18;
	v3 =	vsub.f32 v8, v10  }
0x14b: {  	vm6 =	veq.f32 v19, $1.568069820e+00;
	v17 =	vsub.f32 v17, v18;
	v12 =	vsub.f32 v20, v10  }
0x14c: {  	v14 =	vperm.xlane v14, v2;
	v22 =	vsub.f32 v23, v18;
	v8 =	vsub.f32 v13, v10  }
0x14d: {  	v18 =	vsub.f32 v11, v18;
	v23 =	vmul.f32 v21, v21;
	v31 =	vmul.f32 v3, v3  }
0x14e: {  	v13 =	vsub.f32 v15, v10;
	v11 =	vmul.f32 v17, v17;
	v32 =	vmul.f32 v12, v12  }
0x14f: {  	vm3 =	vmor vm13, vm12;
	v10 =	vmul.f32 v22, v22;
	v15 =	vmul.f32 v8, v8  }
0x150: {  	vm1 =	vmor vm6, vm11;
	v33 =	vmul.f32 v18, v18;
	v34 =	vmul.f32 v13, v13  }
0x151: {  	v16 =	vand.u32 $0x7FFFFFFF, v16;
	v23 =	vadd.f32 v31, v23;
	v11 =	vadd.f32 v32, v11  }
0x152: {  	v20 =	vperm.xlane v5, v1;
	v10 =	vadd.f32 v15, v10;
	v15 =	vadd.f32 v34, v33  }
0x153: {  	v35 =	vshra.s32 v23, $0x1;
	v23 =	vmul.f32 $5.000000000e-01, v23;
	v36 =	vshra.s32 v11, $0x1  }
0x154: {  	v11 =	vmul.f32 $5.000000000e-01, v11;
	v37 =	vshra.s32 v10, $0x1;
	v38 =	vmul.f32 $5.000000000e-01, v10  }
0x155: {  	v10 =	vshra.s32 v15, $0x1;
	v15 =	vmul.f32 $5.000000000e-01, v15;
	v25 =	vsub.s32 $0x5F3759DF, v35  }
0x156: {  	v24 =	vsub.s32 $0x5F3759DF, v36;
	v26 =	vsub.s32 $0x5F3759DF, v37;
	v39 =	vmul.f32 v25, v23  }
0x157: {  	v42 =	vsub.s32 $0x5F3759DF, v10;
	v40 =	vmul.f32 v24, v11;
	v41 =	vmul.f32 v26, v38  }
0x158: {  	v10 =	vsel vm7, v20, v14;
	v20 =	vmul.f32 v42, v15;
	v14 =	vmul.f32 v25, v39  }
0x159: {  	v45 =	vsub.f32 $6.283185480e+00, v16;
	v19 =	vmul.f32 v24, v40;
	v43 =	vmul.f32 v26, v41  }
0x15a: {  	v46 =	vand.u32 $0x7FFFFFFF, v44;
	v20 =	vmul.f32 v42, v20;
	v14 =	vsub.f32 $1.500000000e+00, v14  }
0x15b: {  	v16 =	vmin.f32 v16, v45;
	v19 =	vsub.f32 $1.500000000e+00, v19;
	v28 =	vsub.f32 $1.500000000e+00, v43  }
0x15c: {  	v16 =	vsub.f32 $9.817477310e-02, v16;
	v20 =	vsub.f32 $1.500000000e+00, v20;
	v14 =	vmul.f32 v25, v14  }
0x15d: {  	v48 =	vsub.f32 $6.283185480e+00, v46;
	v19 =	vmul.f32 v24, v19;
	v47 =	vmul.f32 v26, v28  }
0x15e: {  	v16 =	vand.u32 $0x7FFFFFFF, v16;
	v20 =	vmul.f32 v42, v20;
	v23 =	vmul.f32 v14, v23  }
0x15f: {  	v9 =	vnsel vm0, $0x0, v9;
	v11 =	vmul.f32 v19, v11;
	v26 =	vmul.f32 v47, v38  }
0x160: {  	v16 =	vsel vm1, $0x3FBC7EDD, v16;
	v15 =	vmul.f32 v20, v15;
	v23 =	vmul.f32 v23, v14  }
0x161: {  	vm1 =	vlt.f32 v4, v6;
	v11 =	vmul.f32 v11, v19;
	v26 =	vmul.f32 v26, v47  }
0x162: {  	v7 =	vadd.f32 v9, v7;
	v15 =	vmul.f32 v15, v20;
	v23 =	vsub.f32 $1.500000000e+00, v23  }
0x163: {  	vm9 =	vlt.f32 v13, $0.0e+00;
	v11 =	vsub.f32 $1.500000000e+00, v11;
	v26 =	vsub.f32 $1.500000000e+00, v26  }
0x164: {  	v25 =	vmin.f32 v46, v48;
	v15 =	vsub.f32 $1.500000000e+00, v15;
	v14 =	vmul.f32 v23, v14  }
0x165: {  	v23 =	vsub.f32 $9.817477310e-02, v25;
	v19 =	vmul.f32 v11, v19;
	v24 =	vmul.f32 v26, v47  }
0x166: {  	v44 =	vld.idx.msk [tilespmem:v56+s14+$0x0], $0xffff;
	v11 =	vnsel vm3, $0x0, v16;
	v15 =	vmul.f32 v15, v20;
	v16 =	vmul.f32 v14, v21  }
0x167: {  	v43 =	vld.idx.msk [tilespmem:v56+s3+$0x0], $0xffff;
	v56 =	vsub.f32 v10, v5;
	v17 =	vmul.f32 v19, v17;
	v19 =	vmul.f32 v24, v22  }
0x168: {  	v7 =	vadd.f32 v7, v11;
	v14 =	vand.u32 $0x7FFFFFFF, v23;
	v15 =	vmul.f32 v15, v18  }
0x169: {  	v20 =	vand.u32 $0x7FFFFFFF, v16;
	v18 =	vand.u32 $0x7FFFFFFF, v17;
	v22 =	vand.u32 $0x7FFFFFFF, v19  }
0x16a: {  	v23 =	vand.u32 $0x7FFFFFFF, v15;
	v21 =	vmul.f32 $1.872929930e-02, v20;
	v49 =	vmul.f32 $1.872929930e-02, v18  }
0x16b: {  	v50 =	vsub.f32 $1.000000000e+00, v20;
	v51 =	vmul.f32 $1.872929930e-02, v22;
	v52 =	vsub.f32 $1.000000000e+00, v18  }
0x16c: {  	v53 =	vmul.f32 $1.872929930e-02, v23;
	v54 =	vsub.f32 $1.000000000e+00, v22;
	v55 =	vsub.f32 $1.000000000e+00, v23  }
0x16d: {  	vm15 =	vlt.f32 v8, $0.0e+00;
	v21 =	vsub.f32 $7.426100220e-02, v21;
	v24 =	vsub.f32 $7.426100220e-02, v49  }
0x16e: {  	v25 =	vmax.f32 v50, $0.0e+00;
	v26 =	vsub.f32 $7.426100220e-02, v51;
	v28 =	vsub.f32 $7.426100220e-02, v53  }
0x16f: {  	v27 =	vmax.f32 v52, $0.0e+00;
	v29 =	vmax.f32 v54, $0.0e+00;
	v30 =	vmax.f32 v55, $0.0e+00  }
0x170: {  	v57 =	vshra.s32 v25, $0x1;
	v58 =	vmul.f32 $5.000000000e-01, v25;
	v59 =	vshra.s32 v27, $0x1  }
0x171: {  	v60 =	vmul.f32 $5.000000000e-01, v27;
	v36 =	vshra.s32 v29, $0x1;
	v37 =	vmul.f32 $5.000000000e-01, v29  }
0x172: {  	v38 =	vshra.s32 v30, $0x1;
	v39 =	vmul.f32 $5.000000000e-01, v30;
	v21 =	vmul.f32 v21, v20  }
0x173: {  	v32 =	vsub.s32 $0x5F3759DF, v57;
	v24 =	vmul.f32 v24, v18;
	v26 =	vmul.f32 v26, v22  }
0x174: {  	v38 =	vsub.s32 $0x5F3759DF, v38;
	v34 =	vsub.s32 $0x5F3759DF, v59;
	v28 =	vmul.f32 v28, v23  }
0x175: {  	v36 =	vsub.s32 $0x5F3759DF, v36;
	v39 =	vmul.f32 v38, v39;
	v33 =	vmul.f32 v32, v58  }
0x176: {  	v14 =	vsel vm14, $0x3FBC7EDD, v14;
	v35 =	vmul.f32 v34, v60;
	v37 =	vmul.f32 v36, v37  }
0x177: {  	v21 =	vadd.f32 $-2.121143940e-01, v21;
	v24 =	vadd.f32 $-2.121143940e-01, v24;
	v39 =	vmul.f32 v38, v39  }
0x178: {  	v28 =	vadd.f32 $-2.121143940e-01, v28;
	v61 =	vadd.f32 $-2.121143940e-01, v26;
	v35 =	vmul.f32 v34, v35  }
0x179: {  	s24 =	simm.s32 $0x19B60;
	v33 =	vmul.f32 v32, v33;
	v37 =	vmul.f32 v36, v37;
	v39 =	vsub.f32 $1.500000000e+00, v39  }
0x17a: {  	v40 =	vld [tilespmem:s24+$0xFFFFFFE0];
	v20 =	vmul.f32 v21, v20;
	v18 =	vmul.f32 v24, v18;
	v21 =	vsub.f32 $1.500000000e+00, v35  }
0x17b: {  	v41 =	vld [tilespmem:s24+$0x10];
	v23 =	vmul.f32 v28, v23;
	v37 =	vsub.f32 $1.500000000e+00, v37;
	v63 =	vmul.f32 v38, v39  }
0x17c: {  	v62 =	vld [tilespmem:s24+$0xFFFFFFF0];
	v22 =	vmul.f32 v61, v22;
	v33 =	vsub.f32 $1.500000000e+00, v33;
	v21 =	vmul.f32 v34, v21  }
0x17d: {  	v23 =	vadd.f32 $1.570728780e+00, v23;
	v42 =	vmul.f32 v36, v37;
	v39 =	vmul.f32 v63, v30  }
0x17e: {  	v18 =	vadd.f32 $1.570728780e+00, v18;
	v32 =	vmul.f32 v32, v33;
	v21 =	vmul.f32 v21, v27  }
0x17f: {  	v22 =	vadd.f32 $1.570728780e+00, v22;
	v38 =	vld [tilespmem:s24+$0x0];
	v29 =	vmul.f32 v42, v29;
	v23 =	vmul.f32 v39, v23  }
0x180: {  	vm14 =	vlt.f32 v12, $0.0e+00;
	v20 =	vadd.f32 $1.570728780e+00, v20;
	v18 =	vmul.f32 v21, v18  }
0x181: {  	v13 =	vmul.f32 v32, v25;
	v22 =	vmul.f32 v29, v22;
	v45 =	vsub.f32 $3.141592740e+00, v23  }
0x182: {  	v46 =	vld.idx.msk [tilespmem:v40+s14+$0x0], $0xffff;
	vm10 =	vlt.f32 v15, $0.0e+00;
	vm11 =	vlt.f32 v17, $0.0e+00;
	v47 =	vsub.f32 $3.141592740e+00, v18  }
0x183: {  	v12 =	vld.idx.msk [tilespmem:v41+s3+$0x0], $0xffff;
	v13 =	vmul.f32 v13, v20;
	v20 =	vsub.f32 $3.141592740e+00, v22;
	v23 =	vsel vm10, v45, v23  }
0x184: {  	v15 =	vld.idx.msk [tilespmem:v62+s3+$0x0], $0xffff;
	vm12 =	vlt.f32 v19, $0.0e+00;
	v18 =	vsel vm11, v47, v18;
	v25 =	vsub.f32 $6.283185480e+00, v23  }
0x185: {  	v17 =	vld.idx.msk [tilespmem:v62+s14+$0x0], $0xffff;
	v19 =	vsub.f32 $3.141592740e+00, v13;
	v20 =	vsel vm12, v20, v22;
	v29 =	vsub.f32 $6.283185480e+00, v18  }
0x186: {  	vm13 =	vlt.f32 v16, $0.0e+00;
	v21 =	vld.idx.msk [tilespmem:v40+s3+$0x0], $0xffff;
	v22 =	vsub.f32 $6.283185480e+00, v20;
	v16 =	vsel vm9, v25, v23  }
0x187: {  	v48 =	vld.idx.msk [tilespmem:v38+s3+$0x0], $0xffff;
	v13 =	vsel vm13, v19, v13;
	v18 =	vsel vm14, v29, v18;
	(xrf1) =	vsort.ascd.msk.f32 $0xffff, v16, v16  }
0x188: {  	v49 =	vld.idx.msk [tilespmem:v38+s14+$0x0], $0xffff;
	v8 =	vsub.f32 $6.283185480e+00, v13;
	v16 =	vsel vm15, v22, v20;
	(xrf1) =	vsort.ascd.msk.f32 $0xffff, v18, v18  }
0x189: {  	v62 =	vand.u32 $0x7FFFFFFF, v56;
	v12 =	vsub.f32 v12, v43;
	v19 =	vld.idx.msk [tilespmem:v41+s14+$0x0], $0xffff;
	vm9 =	vlt.f32 v3, $0.0e+00;
	(xrf1) =	vsort.ascd.msk.f32 $0xffff, v16, v16  }
0x18a: {  	v15 =	vsub.f32 v15, v43;
	v30 =	vsub.f32 $6.283185480e+00, v62;
	v13 =	vsel vm9, v8, v13  }
0x18b: {  	vm10 =	veq.f32 v5, $1.568069820e+00;
	vm11 =	vgt.f32 v4, v6;
	v8 =	vsub.f32 v17, v44;
	(xrf1) =	vsort.ascd.msk.f32 $0xffff, v13, v13  }
0x18c: {  	v3 =	vsub.f32 v46, v44;
	v20 =	vmul.f32 v15, v15;
	v18 =	vsub.f32 v21, v43  }
0x18d: {  	v4 =	vsub.f32 v49, v44;
	v16 =	vsub.f32 v48, v43;
	v21 =	vmul.f32 v8, v8  }
0x18e: {  	v17 =	vmul.f32 v3, v3;
	v6 =	vsub.f32 v19, v44;
	v13 =	vmul.f32 v18, v18  }
0x18f: {  	v22 =	vmul.f32 v4, v4;
	v19 =	vmul.f32 v16, v16;
	v20 =	vadd.f32 v21, v20  }
0x190: {  	v23 =	vmul.f32 v6, v6;
	v13 =	vadd.f32 v17, v13;
	v17 =	vmul.f32 v12, v12  }
0x191: {  	v19 =	vadd.f32 v22, v19;
	v22 =	vshra.s32 v20, $0x1;
	v20 =	vmul.f32 $5.000000000e-01, v20  }
0x192: {  	v21 =	vshra.s32 v13, $0x1;
	v17 =	vadd.f32 v23, v17;
	v13 =	vmul.f32 $5.000000000e-01, v13  }
0x193: {  	v22 =	vsub.s32 $0x5F3759DF, v22;
	v23 =	vshra.s32 v19, $0x1;
	v19 =	vmul.f32 $5.000000000e-01, v19  }
0x194: {  	v21 =	vsub.s32 $0x5F3759DF, v21;
	v52 =	vmul.f32 v22, v20;
	v50 =	vshra.s32 v17, $0x1  }
0x195: {  	v17 =	vmul.f32 $5.000000000e-01, v17;
	v51 =	vmul.f32 v21, v13;
	v23 =	vsub.s32 $0x5F3759DF, v23;
	v53, _, _ =	vpop (xrf1)  }
0x196: {  	vm12 =	veq.f32 v10, $1.568069820e+00;
	v54 =	vmul.f32 v23, v19;
	v27 =	vperm.xlane v53, v0;
	v55, _, _ =	vpop (xrf1)  }
0x197: {  	v24 =	vsub.s32 $0x5F3759DF, v50;
	v26 =	vmul.f32 v22, v52;
	v25 =	vmul.f32 v21, v51;
	v58, _, _ =	vpop (xrf1)  }
0x198: {  	v57 =	vmul.f32 v24, v17;
	v29 =	vperm.xlane v55, v0;
	v59 =	vmin.f32 v58, v27  }
0x199: {  	v28 =	vmul.f32 v23, v54;
	v26 =	vsub.f32 $1.500000000e+00, v26;
	v27 =	vmax.f32 v58, v27;
	v60, _, _ =	vpop (xrf1);
	(xrf1) =	vsort.ascd.msk.f32 $0xffff, v59, v59  }
0x19a: {  	v25 =	vsub.f32 $1.500000000e+00, v25;
	v31 =	vmul.f32 v24, v57;
	v61 =	vmin.f32 v60, v29;
	(xrf1) =	vsort.ascd.msk.f32 $0xffff, v27, v27  }
0x19b: {  	vm13 =	vlt.f32 v5, v10;
	v28 =	vsub.f32 $1.500000000e+00, v28;
	v9 =	vmul.f32 v22, v26;
	(xrf1) =	vsort.ascd.msk.f32 $0xffff, v61, v61  }
0x19c: {  	vm0 =	vmor vm11, vm1;
	v21 =	vmul.f32 v21, v25;
	v63 =	vsub.f32 $1.500000000e+00, v31  }
0x19d: {  	v14 =	vnsel vm0, $0x0, v14;
	v22 =	vmul.f32 v23, v28;
	v20 =	vmul.f32 v9, v20  }
0x19e: {  	vm14 =	vmor vm12, vm10;
	v13 =	vmul.f32 v21, v13;
	v24 =	vmul.f32 v24, v63  }
0x19f: {  	v14 =	vadd.f32 v7, v14;
	v19 =	vmul.f32 v22, v19;
	v20 =	vmul.f32 v20, v9  }
0x1a0: {  	vm15 =	vgt.f32 v5, v10;
	v11 =	vmul.f32 v13, v21;
	v13 =	vmul.f32 v24, v17  }
0x1a1: {  	v23 =	vmin.f32 v62, v30;
	v19 =	vmul.f32 v19, v22;
	v5 =	vsub.f32 $1.500000000e+00, v20  }
0x1a2: {  	v23 =	vsub.f32 $9.817477310e-02, v23;
	v11 =	vsub.f32 $1.500000000e+00, v11;
	v13 =	vmul.f32 v13, v24  }
0x1a3: {  	vm0 =	vmor vm15, vm13;
	v10 =	vsub.f32 $1.500000000e+00, v19;
	v9 =	vmul.f32 v5, v9  }
0x1a4: {  	v17 =	vand.u32 $0x7FFFFFFF, v23;
	v11 =	vmul.f32 v11, v21;
	v13 =	vsub.f32 $1.500000000e+00, v13  }
0x1a5: {  	v17 =	vsel vm14, $0x3FBC7EDD, v17;
	v20 =	vmul.f32 v10, v22;
	v10 =	vmul.f32 v9, v15  }
0x1a6: {  	v5 =	vnsel vm0, $0x0, v17;
	v7 =	vmul.f32 v11, v18;
	v11 =	vmul.f32 v13, v24  }
0x1a7: {  	v5 =	vadd.f32 v14, v5;
	v13 =	vmax.f32 v60, v29;
	v14, _, _ =	vpop (xrf1)  }
0x1a8: {  	v9 =	vmul.f32 v20, v16;
	v20 =	vand.u32 $0x7FFFFFFF, v10;
	v11 =	vmul.f32 v11, v12;
	v12, _, _ =	vpop (xrf1)  }
0x1a9: {  	s25 =	simm.s32 $0x2;
	v19 =	vand.u32 $0x7FFFFFFF, v7;
	(xrf1) =	vsort.ascd.msk.f32 $0xffff, v13, v13;
	v15 =	vperm.xlane v14, v0;
	v13 =	vperm.xlane v12, v0;
	v16, _, _ =	vpop (xrf1)  }
.LBB2_5:
0x1aa: {  	_ =	sdelay $0x8  }
0x1ab: {  	v17 =	vmul.f32 $1.872929930e-02, v19;
	v21 =	vmul.f32 $1.872929930e-02, v20  }
0x1ac: {  	vm0 =	vlt.f32 v8, $0.0e+00;
	v8 =	vimm.s32 $0x0;
	v12 =	vand.u32 $0x7FFFFFFF, v9  }
0x1ad: {  	v14 =	vand.u32 $0x7FFFFFFF, v11;
	v22 =	vmax.f32 v16, v13;
	v24 =	vmul.f32 $1.872929930e-02, v12  }
0x1ae: {  	v13 =	vmin.f32 v16, v13;
	v26 =	vmul.f32 $1.872929930e-02, v14;
	v27 =	vsub.f32 $7.426100220e-02, v21  }
0x1af: {  	v8 =	vsel vm0, $0xFFFFFFFF, v8;
	v55 =	vsub.f32 $1.000000000e+00, v14;
	v24 =	vsub.f32 $7.426100220e-02, v24;
	v18, _, _ =	vpop (xrf1)  }
0x1b0: {  	v26 =	vsub.f32 $7.426100220e-02, v26;
	v27 =	vmul.f32 v27, v20;
	v23 =	vmax.f32 v18, v15  }
0x1b1: {  	v24 =	vmul.f32 v24, v12;
	v15 =	vmin.f32 v18, v15;
	v16 =	vmax.f32 v22, v23  }
0x1b2: {  	v26 =	vmul.f32 v26, v14;
	v25 =	vmin.f32 v13, v15;
	(xrf1) =	vsort.ascd.msk.f32 $0xffff, v16, v16;
	v16 =	vsub.f32 $1.000000000e+00, v20  }
0x1b3: {  	v18 =	vsub.f32 $1.000000000e+00, v19;
	v22 =	vmin.f32 v22, v23;
	v23 =	vsub.f32 $1.000000000e+00, v12;
	(xrf1) =	vsort.ascd.msk.f32 $0xffff, v25, v25  }
0x1b4: {  	v13 =	vmax.f32 v13, v15;
	(xrf1) =	vsort.ascd.msk.f32 $0xffff, v22, v22;
	v22 =	vsub.f32 $7.426100220e-02, v17;
	v17 =	vmax.f32 v16, $0.0e+00  }
0x1b5: {  	v16 =	vmax.f32 v23, $0.0e+00;
	(xrf1) =	vsort.ascd.msk.f32 $0xffff, v13, v13;
	v13 =	vmax.f32 v18, $0.0e+00;
	v18 =	vmax.f32 v55, $0.0e+00  }
0x1b6: {  	v23 =	vshra.s32 v17, $0x1;
	v28 =	vmul.f32 $5.000000000e-01, v17;
	v29 =	vshra.s32 v16, $0x1  }
0x1b7: {  	v30 =	vmul.f32 $5.000000000e-01, v16;
	v21 =	vshra.s32 v13, $0x1;
	v56 =	vmul.f32 $5.000000000e-01, v13  }
0x1b8: {  	v31 =	vmul.f32 v22, v19;
	v32 =	vshra.s32 v18, $0x1;
	v33 =	vmul.f32 $5.000000000e-01, v18  }
0x1b9: {  	v23 =	vsub.s32 $0x5F3759DF, v23;
	v22 =	vsub.s32 $0x5F3759DF, v29;
	v21 =	vsub.s32 $0x5F3759DF, v21  }
0x1ba: {  	v28 =	vmul.f32 v23, v28;
	v57 =	vsub.s32 $0x5F3759DF, v32;
	v30 =	vmul.f32 v22, v30  }
0x1bb: {  	v27 =	vadd.f32 $-2.121143940e-01, v27;
	v25 =	vmul.f32 v21, v56;
	v32 =	vmul.f32 v57, v33  }
0x1bc: {  	v31 =	vadd.f32 $-2.121143940e-01, v31;
	v28 =	vmul.f32 v23, v28;
	v30 =	vmul.f32 v22, v30  }
0x1bd: {  	v26 =	vadd.f32 $-2.121143940e-01, v26;
	v25 =	vmul.f32 v21, v25;
	v32 =	vmul.f32 v57, v32  }
0x1be: {  	[tilespmem:$0x1FFD0] =	vst v8;
	v8 =	vmul.f32 v31, v19;
	v19 =	vmul.f32 v27, v20;
	v20 =	vadd.f32 $-2.121143940e-01, v24  }
0x1bf: {  	v14 =	vmul.f32 v26, v14;
	v54 =	vsub.f32 $1.500000000e+00, v28;
	v56 =	vsub.f32 $1.500000000e+00, v30  }
0x1c0: {  	v32 =	vsub.f32 $1.500000000e+00, v32;
	v25 =	vsub.f32 $1.500000000e+00, v25;
	v12 =	vmul.f32 v20, v12  }
0x1c1: {  	v23 =	vmul.f32 v23, v54;
	v22 =	vmul.f32 v22, v56  }
0x1c2: {  	v29 =	vmul.f32 v57, v32;
	v21 =	vmul.f32 v21, v25  }
0x1c3: {  	v19 =	vadd.f32 $1.570728780e+00, v19;
	v17 =	vmul.f32 v23, v17;
	v16 =	vmul.f32 v22, v16  }
0x1c4: {  	s26 =	sadd.s32 s25, s21;
	v12 =	vadd.f32 $1.570728780e+00, v12;
	v58, _, _ =	vpop (xrf1);
	v18 =	vmul.f32 v29, v18;
	v13 =	vmul.f32 v21, v13  }
0x1c5: {  	p1 =	slt.s32 s26, $0xC34F;
	v14 =	vadd.f32 $1.570728780e+00, v14;
	v60 =	vperm.xlane v58, v1;
	v36 =	vperm.xlane v58, v2  }
0x1c6: {  	s26 =	simm.s32 @!p1 $0xC34F;
	v8 =	vadd.f32 $1.570728780e+00, v8;
	v59, _, _ =	vpop (xrf1);
	v17 =	vmul.f32 v17, v19;
	v12 =	vmul.f32 v16, v12  }
0x1c7: {  	v15 =	vmov s26;
	v61 =	vperm.xlane v59, v2;
	v40 =	vperm.xlane v59, v1  }
0x1c8: {  	vm2 =	veq.f32 v58, $1.568069820e+00;
	v34, _, _ =	vpop (xrf1);
	v14 =	vmul.f32 v18, v14;
	v8 =	vmul.f32 v13, v8  }
0x1c9: {  	vm8 =	veq.f32 v59, $1.568069820e+00;
	v35 =	vperm.xlane v34, v1;
	v37, _, _ =	vpop (xrf1);
	v39 =	vperm.xlane v34, v2  }
0x1ca: {  	vm9 =	veq.f32 v34, $1.568069820e+00;
	v38 =	vperm.xlane v37, v1;
	v41 =	vperm.xlane v37, v2  }
0x1cb: {  	v27 =	vsel vm7, v60, v61;
	vm10 =	veq.f32 v37, $1.568069820e+00;
	v16 =	vsub.f32 $3.141592740e+00, v14  }
0x1cc: {  	v21 =	vsub.f32 $3.141592740e+00, v8;
	v35 =	vsel vm7, v35, v36;
	vm5 =	veq.f32 v27, $1.568069820e+00  }
0x1cd: {  	vm3 =	vlt.f32 v58, v27;
	vm4 =	vgt.f32 v58, v27;
	v27 =	vsub.f32 v27, v58  }
0x1ce: {  	v62 =	vsel vm7, v40, v41;
	v38 =	vsel vm7, v38, v39;
	vm1 =	veq.f32 v35, $1.568069820e+00  }
0x1cf: {  	vm6 =	vlt.f32 v34, v35;
	vm7 =	vgt.f32 v34, v35;
	v43 =	vsub.f32 v35, v34  }
0x1d0: {  	v63 =	vsub.f32 v62, v59;
	vm11 =	vlt.f32 v37, v38;
	vm12 =	vgt.f32 v37, v38  }
0x1d1: {  	vm13 =	vlt.f32 v59, v62;
	vm14 =	vgt.f32 v59, v62;
	vm15 =	veq.f32 v38, $1.568069820e+00  }
0x1d2: {  	v41 =	vsub.f32 v38, v37;
	vm0 =	veq.f32 v62, $1.568069820e+00;
	vm9 =	vmor vm1, vm9  }
0x1d3: {  	v27 =	vand.u32 $0x7FFFFFFF, v27;
	vm11 =	vmor vm12, vm11;
	v40 =	vand.u32 $0x7FFFFFFF, v63  }
0x1d4: {  	v31 =	vand.u32 $0x7FFFFFFF, v43;
	v44 =	vand.u32 $0x7FFFFFFF, v41;
	v42 =	vsub.f32 $6.283185480e+00, v40  }
0x1d5: {  	vm12 =	vmor vm15, vm10;
	v46 =	vsub.f32 $6.283185480e+00, v31;
	v45 =	vsub.f32 $6.283185480e+00, v44  }
0x1d6: {  	vm15 =	vmor vm14, vm13;
	vm0 =	vmor vm0, vm8;
	v24 =	vmin.f32 v40, v42  }
0x1d7: {  	s24 =	sadd.s32 $0x40, s24;
	v31 =	vmin.f32 v31, v46;
	v33 =	vmin.f32 v44, v45;
	v24 =	vsub.f32 $9.817477310e-02, v24  }
0x1d8: {  	v49 =	vld [tilespmem:s24+$0xFFFFFFE0];
	vm10 =	vlt.f32 v11, $0.0e+00;
	v31 =	vsub.f32 $9.817477310e-02, v31;
	v33 =	vsub.f32 $9.817477310e-02, v33  }
0x1d9: {  	v52 =	vld [tilespmem:s24+$0xFFFFFFF0];
	v47 =	vsub.f32 $6.283185480e+00, v27;
	v14 =	vsel vm10, v16, v14;
	v24 =	vand.u32 $0x7FFFFFFF, v24  }
0x1da: {  	v31 =	vand.u32 $0x7FFFFFFF, v31;
	v33 =	vand.u32 $0x7FFFFFFF, v33;
	v24 =	vsel vm0, $0x3FBC7EDD, v24  }
0x1db: {  	v55 =	vld [tilespmem:s24+$0x0];
	v50 =	vsel vm9, $0x3FBC7EDD, v31;
	v48 =	vsel vm12, $0x3FBC7EDD, v33;
	v24 =	vnsel vm15, $0x0, v24  }
0x1dc: {  	v20 =	vld.idx.msk [tilespmem:v15+s3+$0x0], $0xffff;
	vm12 =	vmor vm7, vm6;
	vm15 =	vlt.f32 v6, $0.0e+00;
	v5 =	vadd.f32 v24, v5  }
0x1dd: {  	v15 =	vld.idx.msk [tilespmem:v15+s14+$0x0], $0xffff;
	v24 =	vnsel vm11, $0x0, v48;
	vm11 =	vlt.f32 v9, $0.0e+00;
	v9 =	vsub.f32 $6.283185480e+00, v14  }
0x1de: {  	v57 =	vld [tilespmem:s24+$0x10];
	v5 =	vadd.f32 v5, v24;
	v24 =	vnsel vm12, $0x0, v50;
	vm12 =	vlt.f32 v7, $0.0e+00  }
0x1df: {  	v27 =	vmin.f32 v27, v47;
	v9 =	vsel vm15, v9, v14;
	v14 =	vsel vm12, v21, v8;
	v8 =	vld [tilespmem:$0x1FFD0]  }
0x1e0: {  	v23 =	vld.idx.msk [tilespmem:v49+s3+$0x0], $0xffff;
	v27 =	vsub.f32 $9.817477310e-02, v27;
	vm9 =	vlt.f32 v10, $0.0e+00;
	v10 =	vsub.f32 $3.141592740e+00, v17  }
0x1e1: {  	v19 =	vld.idx.msk [tilespmem:v52+s14+$0x0], $0xffff;
	v13 =	vsub.f32 $3.141592740e+00, v12;
	vm13 =	vmor vm5, vm2  }
0x1e2: {  	v18 =	vld.idx.msk [tilespmem:v49+s14+$0x0], $0xffff;
	vm14 =	vmor vm4, vm3;
	v27 =	vand.u32 $0x7FFFFFFF, v27;
	v10 =	vsel vm9, v10, v17  }
0x1e3: {  	v53 =	vsel vm13, $0x3FBC7EDD, v27;
	v6 =	vld.idx.msk [tilespmem:v52+s3+$0x0], $0xffff;
	v22 =	vsub.f32 $6.283185480e+00, v10;
	v12 =	vsel vm11, v13, v12  }
0x1e4: {  	v11 =	vld.idx.msk [tilespmem:v55+s3+$0x0], $0xffff;
	v7 =	vsub.f32 $6.283185480e+00, v12;
	v5 =	vadd.f32 v5, v24;
	vm13 =	vnez.u8 v8  }
0x1e5: {  	v16 =	vld.idx.msk [tilespmem:v55+s14+$0x0], $0xffff;
	(xrf1) =	vsort.ascd.msk.f32 $0xffff, v9, v9;
	v24 =	vnsel vm14, $0x0, v53;
	vm14 =	vlt.f32 v4, $0.0e+00;
	v8 =	vsel vm13, v22, v10  }
0x1e6: {  	v17 =	vld.idx.msk [tilespmem:v57+s3+$0x0], $0xffff;
	v4 =	vsub.f32 $6.283185480e+00, v14;
	v7 =	vsel vm14, v7, v12;
	(xrf1) =	vsort.ascd.msk.f32 $0xffff, v8, v8  }
0x1e7: {  	v13 =	vld.idx.msk [tilespmem:v57+s14+$0x0], $0xffff;
	vm15 =	vlt.f32 v3, $0.0e+00;
	(xrf1) =	vsort.ascd.msk.f32 $0xffff, v7, v7  }
0x1e8: {  	v3 =	vsub.f32 v18, v15;
	v10 =	vsub.f32 v6, v20;
	v6 =	vsel vm15, v4, v14  }
0x1e9: {  	v9 =	vsub.f32 v23, v20;
	(xrf1) =	vsort.ascd.msk.f32 $0xffff, v6, v6  }
0x1ea: {  	v11 =	vsub.f32 v11, v20;
	v12 =	vmul.f32 v3, v3;
	v8 =	vsub.f32 v19, v15  }
0x1eb: {  	v4 =	vsub.f32 v16, v15;
	v14 =	vsub.f32 v17, v20;
	v7 =	vmul.f32 v9, v9  }
0x1ec: {  	v16 =	vmul.f32 v10, v10;
	v17 =	vmul.f32 v8, v8;
	v6 =	vsub.f32 v13, v15  }
0x1ed: {  	v13 =	vmul.f32 v11, v11;
	v15 =	vmul.f32 v4, v4;
	v7 =	vadd.f32 v12, v7  }
0x1ee: {  	v12 =	vmul.f32 v14, v14;
	v18 =	vmul.f32 v6, v6;
	v16 =	vadd.f32 v17, v16  }
0x1ef: {  	v13 =	vadd.f32 v15, v13;
	v17 =	vshra.s32 v7, $0x1;
	v7 =	vmul.f32 $5.000000000e-01, v7  }
0x1f0: {  	v12 =	vadd.f32 v18, v12;
	v15 =	vshra.s32 v16, $0x1;
	v16 =	vmul.f32 $5.000000000e-01, v16  }
0x1f1: {  	v18 =	vshra.s32 v13, $0x1;
	v13 =	vmul.f32 $5.000000000e-01, v13;
	v17 =	vsub.s32 $0x5F3759DF, v17  }
0x1f2: {  	v15 =	vsub.s32 $0x5F3759DF, v15;
	v20 =	vmul.f32 v17, v7;
	v18 =	vsub.s32 $0x5F3759DF, v18  }
0x1f3: {  	v22, _, _ =	vpop (xrf1);
	v19 =	vshra.s32 v12, $0x1;
	v12 =	vmul.f32 $5.000000000e-01, v12;
	v21 =	vmul.f32 v15, v16  }
0x1f4: {  	v23 =	vmul.f32 v18, v13;
	v22 =	vperm.xlane v22, v0;
	v19 =	vsub.s32 $0x5F3759DF, v19;
	v58, _, _ =	vpop (xrf1)  }
0x1f5: {  	v5 =	vadd.f32 v5, v24;
	v20 =	vmul.f32 v17, v20;
	v59 =	vmul.f32 v19, v12;
	v60, _, _ =	vpop (xrf1)  }
0x1f6: {  	v21 =	vmul.f32 v15, v21;
	v24 =	vperm.xlane v58, v0;
	v61 =	vmin.f32 v60, v22  }
0x1f7: {  	v23 =	vmul.f32 v18, v23;
	v20 =	vsub.f32 $1.500000000e+00, v20;
	v22 =	vmax.f32 v60, v22;
	v62, _, _ =	vpop (xrf1);
	(xrf1) =	vsort.ascd.msk.f32 $0xffff, v61, v61  }
0x1f8: {  	v25 =	vmul.f32 v19, v59;
	v63 =	vmin.f32 v62, v24;
	(xrf1) =	vsort.ascd.msk.f32 $0xffff, v22, v22  }
0x1f9: {  	v21 =	vsub.f32 $1.500000000e+00, v21;
	v17 =	vmul.f32 v17, v20;
	(xrf1) =	vsort.ascd.msk.f32 $0xffff, v63, v63  }
0x1fa: {  	v20 =	vsub.f32 $1.500000000e+00, v25;
	v22 =	vsub.f32 $1.500000000e+00, v23  }
0x1fb: {  	v15 =	vmul.f32 v15, v21;
	v7 =	vmul.f32 v17, v7  }
0x1fc: {  	v19 =	vmul.f32 v19, v20;
	v18 =	vmul.f32 v18, v22  }
0x1fd: {  	v16 =	vmul.f32 v15, v16;
	v7 =	vmul.f32 v7, v17  }
0x1fe: {  	v12 =	vmul.f32 v19, v12;
	v13 =	vmul.f32 v18, v13  }
0x1ff: {  	v16 =	vmul.f32 v16, v15;
	v7 =	vsub.f32 $1.500000000e+00, v7  }
0x200: {  	v51 =	vld [tilespmem:$0x1FFF0];
	v12 =	vmul.f32 v12, v19;
	v13 =	vmul.f32 v13, v18  }
0x201: {  	v16 =	vsub.f32 $1.500000000e+00, v16;
	v7 =	vmul.f32 v7, v17  }
0x202: {  	p0 =	sne.s32 s25, $0x4F;
	v12 =	vsub.f32 $1.500000000e+00, v12;
	v13 =	vsub.f32 $1.500000000e+00, v13  }
.Ltmp1:
0x203: {  	v16 =	vmul.f32 v16, v15;
	v7 =	vmul.f32 v7, v9;
	(pc) =	sbr.rel @p0 .LBB2_5-.Ltmp1, $4  }
0x204: {  	v17 =	vmul.f32 v12, v19;
	v13 =	vmul.f32 v13, v18  }
0x205: {  	vm7 =	vnez.u8 v51;
	v23 =	vmax.f32 v62, v24;
	v10 =	vmul.f32 v16, v10;
	v15, _, _ =	vpop (xrf1)  }
0x206: {  	v19 =	vand.u32 $0x7FFFFFFF, v7;
	v9 =	vmul.f32 v13, v11;
	v11 =	vmul.f32 v17, v14;
	v12, _, _ =	vpop (xrf1)  }
0x207: {  	s25 =	sadd.s32 $0x1, s25;
	(xrf1) =	vsort.ascd.msk.f32 $0xffff, v23, v23;
	v20 =	vand.u32 $0x7FFFFFFF, v10;
	v15 =	vperm.xlane v15, v0;
	v13 =	vperm.xlane v12, v0;
	v16, _, _ =	vpop (xrf1)  }
0x208: {  	_ =	sdelay $0x1  }
0x209: {  	v12 =	vmul.f32 $1.872929930e-02, v19;
	v14 =	vand.u32 $0x7FFFFFFF, v9  }
0x20a: {  	v17 =	vand.u32 $0x7FFFFFFF, v11;
	v21 =	vmul.f32 $1.872929930e-02, v20;
	v39 =	vsub.f32 $1.000000000e+00, v19  }
0x20b: {  	v26 =	vsub.f32 $1.000000000e+00, v20;
	vm1 =	vlt.f32 v8, $0.0e+00;
	vm0 =	vlt.f32 v6, $0.0e+00  }
0x20c: {  	vm2 =	vlt.f32 v10, $0.0e+00;
	vm3 =	vlt.f32 v11, $0.0e+00;
	v22 =	vmax.f32 v16, v13  }
0x20d: {  	v24 =	vmul.f32 $1.872929930e-02, v14;
	v27 =	vmul.f32 $1.872929930e-02, v17;
	v28 =	vsub.f32 $1.000000000e+00, v17  }
0x20e: {  	v40 =	vsub.f32 $1.000000000e+00, v14;
	v12 =	vsub.f32 $7.426100220e-02, v12;
	v26 =	vmax.f32 v26, $0.0e+00  }
0x20f: {  	v42 =	vsub.f32 $7.426100220e-02, v24;
	v43 =	vsub.f32 $7.426100220e-02, v27;
	v44 =	vmax.f32 v28, $0.0e+00  }
0x210: {  	v30 =	vshra.s32 v26, $0x1;
	v31 =	vmul.f32 $5.000000000e-01, v26;
	v12 =	vmul.f32 v12, v19  }
0x211: {  	v34 =	vshra.s32 v44, $0x1;
	v35 =	vmul.f32 $5.000000000e-01, v44;
	v30 =	vsub.s32 $0x5F3759DF, v30  }
0x212: {  	v24 =	vmul.f32 v43, v17;
	v34 =	vsub.s32 $0x5F3759DF, v34;
	v31 =	vmul.f32 v30, v31  }
0x213: {  	v41 =	vsub.f32 $7.426100220e-02, v21;
	v21 =	vmul.f32 v42, v14;
	v35 =	vmul.f32 v34, v35  }
0x214: {  	v12 =	vadd.f32 $-2.121143940e-01, v12;
	v31 =	vmul.f32 v30, v31;
	v47 =	vadd.f32 $-2.121143940e-01, v24;
	v18, _, _ =	vpop (xrf1)  }
0x215: {  	v49 =	vadd.f32 $-2.121143940e-01, v21;
	v35 =	vmul.f32 v34, v35;
	v23 =	vmax.f32 v18, v15  }
0x216: {  	v38 =	vmax.f32 v22, v23;
	v22 =	vmin.f32 v22, v23;
	v23 =	vmax.f32 v40, $0.0e+00  }
0x217: {  	v12 =	vmul.f32 v12, v19;
	v32 =	vshra.s32 v23, $0x1;
	v33 =	vmul.f32 $5.000000000e-01, v23  }
0x218: {  	v37 =	vmin.f32 v18, v15;
	v18 =	vmax.f32 v39, $0.0e+00;
	v32 =	vsub.s32 $0x5F3759DF, v32  }
0x219: {  	v45 =	vshra.s32 v18, $0x1;
	v29 =	vmul.f32 $5.000000000e-01, v18;
	v33 =	vmul.f32 v32, v33  }
0x21a: {  	v48 =	vsub.f32 $1.500000000e+00, v35;
	v15 =	vmul.f32 v41, v20;
	v28 =	vsub.s32 $0x5F3759DF, v45  }
0x21b: {  	v50 =	vsub.f32 $1.500000000e+00, v31;
	v29 =	vmul.f32 v28, v29;
	v46 =	vmul.f32 v32, v33  }
0x21c: {  	v17 =	vmul.f32 v47, v17;
	v51 =	vmul.f32 v34, v48;
	v15 =	vadd.f32 $-2.121143940e-01, v15  }
0x21d: {  	v21 =	vmul.f32 v30, v50;
	v29 =	vmul.f32 v28, v29;
	v8 =	vsub.f32 $1.500000000e+00, v46  }
0x21e: {  	v17 =	vadd.f32 $1.570728780e+00, v17;
	v19 =	vmul.f32 v51, v44;
	v15 =	vmul.f32 v15, v20  }
0x21f: {  	v14 =	vmul.f32 v49, v14;
	v52 =	vsub.f32 $1.500000000e+00, v29;
	v8 =	vmul.f32 v32, v8  }
0x220: {  	v21 =	vmul.f32 v21, v26;
	v17 =	vmul.f32 v19, v17;
	v15 =	vadd.f32 $1.570728780e+00, v15  }
0x221: {  	v14 =	vadd.f32 $1.570728780e+00, v14;
	v53 =	vmul.f32 v28, v52;
	v8 =	vmul.f32 v8, v23  }
0x222: {  	v36 =	vmin.f32 v16, v13;
	v12 =	vadd.f32 $1.570728780e+00, v12;
	v15 =	vmul.f32 v21, v15  }
0x223: {  	v55 =	vsub.f32 $3.141592740e+00, v17;
	v54 =	vmul.f32 v53, v18;
	v8 =	vmul.f32 v8, v14  }
0x224: {  	vm15 =	vlt.f32 v9, $0.0e+00;
	v25 =	vmin.f32 v36, v37;
	v56 =	vsub.f32 $3.141592740e+00, v15  }
0x225: {  	(xrf1) =	vsort.ascd.msk.f32 $0xffff, v38, v38;
	v58 =	vsel vm3, v55, v17;
	v6 =	vmul.f32 v54, v12;
	v57 =	vsub.f32 $3.141592740e+00, v8  }
0x226: {  	v13 =	vmax.f32 v36, v37;
	(xrf1) =	vsort.ascd.msk.f32 $0xffff, v25, v25;
	v59 =	vsub.f32 $6.283185480e+00, v58;
	v10 =	vsel vm2, v56, v15  }
0x227: {  	(xrf1) =	vsort.ascd.msk.f32 $0xffff, v22, v22;
	v15 =	vsub.f32 $6.283185480e+00, v10;
	v60 =	vsub.f32 $3.141592740e+00, v6;
	v8 =	vsel vm15, v57, v8  }
0x228: {  	vm9 =	vlt.f32 v7, $0.0e+00;
	(xrf1) =	vsort.ascd.msk.f32 $0xffff, v13, v13;
	v9 =	vsel vm0, v59, v58;
	v61 =	vsub.f32 $6.283185480e+00, v8  }
0x229: {  	vm10 =	vlt.f32 v4, $0.0e+00;
	(xrf1) =	vsort.ascd.msk.f32 $0xffff, v9, v9;
	v10 =	vsel vm1, v15, v10;
	v6 =	vsel vm9, v60, v6  }
0x22a: {  	(xrf1) =	vsort.ascd.msk.f32 $0xffff, v10, v10;
	v4 =	vsub.f32 $6.283185480e+00, v6;
	v7 =	vsel vm10, v61, v8  }
0x22b: {  	vm11 =	vlt.f32 v3, $0.0e+00;
	(xrf1) =	vsort.ascd.msk.f32 $0xffff, v7, v7  }
0x22c: {  	v3 =	vsel vm11, v4, v6  }
0x22d: {  	(xrf1) =	vsort.ascd.msk.f32 $0xffff, v3, v3;
	_ =	sdelay $0x5  }
0x22e: {  	v3, _, _ =	vpop (xrf1)  }
0x22f: {  	v4, _, _ =	vpop (xrf1)  }
0x230: {  	v62, _, _ =	vpop (xrf1)  }
0x231: {  	v63, _, _ =	vpop (xrf1)  }
0x232: {  	v14, _, _ =	vpop (xrf1)  }
0x233: {  	v8 =	vperm.xlane v14, v0;
	v15, _, _ =	vpop (xrf1)  }
0x234: {  	v16, _, _ =	vpop (xrf1)  }
0x235: {  	v9 =	vperm.xlane v15, v0;
	v17 =	vmin.f32 v16, v8  }
0x236: {  	v8 =	vmax.f32 v16, v8;
	v18, _, _ =	vpop (xrf1);
	(xrf1) =	vsort.ascd.msk.f32 $0xffff, v17, v17  }
0x237: {  	v19 =	vmin.f32 v18, v9;
	(xrf1) =	vsort.ascd.msk.f32 $0xffff, v8, v8  }
0x238: {  	v20 =	vmax.f32 v18, v9;
	(xrf1) =	vsort.ascd.msk.f32 $0xffff, v19, v19  }
0x239: {  	(xrf1) =	vsort.ascd.msk.f32 $0xffff, v20, v20;
	_ =	sdelay $0x4  }
0x23a: {  	v21 =	vperm.xlane v3, v1;
	v24 =	vperm.xlane v3, v2  }
0x23b: {  	vm11 =	veq.f32 v3, $1.568069820e+00;
	v22 =	vperm.xlane v4, v2;
	v27 =	vperm.xlane v4, v1  }
0x23c: {  	vm10 =	veq.f32 v4, $1.568069820e+00;
	v23 =	vperm.xlane v62, v1;
	v28 =	vperm.xlane v63, v2  }
0x23d: {  	v26 =	vperm.xlane v62, v2;
	vm12 =	veq.f32 v62, $1.568069820e+00;
	v25 =	vperm.xlane v63, v1  }
0x23e: {  	vm13 =	veq.f32 v63, $1.568069820e+00;
	v10 =	vsel vm7, v23, v24;
	v14 =	vsel vm7, v27, v28  }
0x23f: {  	v12 =	vsel vm7, v25, v26;
	vm14 =	veq.f32 v10, $1.568069820e+00;
	v38 =	vsub.f32 v10, v62  }
0x240: {  	vm15 =	vlt.f32 v63, v12;
	vm4 =	vgt.f32 v63, v12;
	vm5 =	vlt.f32 v4, v14;
	v29, _, _ =	vpop (xrf1)  }
0x241: {  	vm2 =	vmor vm14, vm12;
	vm9 =	veq.f32 v12, $1.568069820e+00;
	vm12 =	vlt.f32 v62, v10;
	v30, _, _ =	vpop (xrf1)  }
0x242: {  	v15 =	vsub.f32 v14, v4;
	v11 =	vperm.xlane v29, v0;
	v13 =	vperm.xlane v30, v0;
	v31, _, _ =	vpop (xrf1)  }
0x243: {  	vm1 =	vmor vm4, vm15;
	vm4 =	vgt.f32 v4, v14;
	vm0 =	vmor vm9, vm13;
	v32, _, _ =	vpop (xrf1)  }
0x244: {  	v4 =	vsub.f32 v12, v63;
	v33 =	vmax.f32 v31, v13;
	v34 =	vmax.f32 v32, v11  }
0x245: {  	v13 =	vmin.f32 v31, v13;
	v11 =	vmin.f32 v32, v11;
	v35 =	vmax.f32 v33, v34  }
0x246: {  	v7 =	vand.u32 $0x7FFFFFFF, v38;
	vm4 =	vmor vm4, vm5;
	v17 =	vmin.f32 v13, v11;
	(xrf1) =	vsort.ascd.msk.f32 $0xffff, v35, v35  }
0x247: {  	v42 =	vsub.f32 $6.283185480e+00, v7;
	v15 =	vand.u32 $0x7FFFFFFF, v15;
	v36 =	vmin.f32 v33, v34;
	(xrf1) =	vsort.ascd.msk.f32 $0xffff, v17, v17  }
0x248: {  	v4 =	vand.u32 $0x7FFFFFFF, v4;
	v37 =	vsub.f32 $6.283185480e+00, v15;
	v11 =	vmax.f32 v13, v11;
	(xrf1) =	vsort.ascd.msk.f32 $0xffff, v36, v36  }
0x249: {  	vm5 =	veq.f32 v14, $1.568069820e+00;
	v40 =	vsub.f32 $6.283185480e+00, v4;
	v7 =	vmin.f32 v7, v42;
	(xrf1) =	vsort.ascd.msk.f32 $0xffff, v11, v11  }
0x24a: {  	v7 =	vsub.f32 $9.817477310e-02, v7;
	v39 =	vmin.f32 v15, v37;
	v8 =	vsel vm7, v21, v22  }
0x24b: {  	v4 =	vmin.f32 v4, v40;
	v41 =	vsub.f32 v8, v3;
	v11 =	vsub.f32 $9.817477310e-02, v39  }
0x24c: {  	vm13 =	vgt.f32 v62, v10;
	vm5 =	vmor vm5, vm10;
	v4 =	vsub.f32 $9.817477310e-02, v4  }
0x24d: {  	v7 =	vand.u32 $0x7FFFFFFF, v7;
	v12 =	vand.u32 $0x7FFFFFFF, v41;
	v11 =	vand.u32 $0x7FFFFFFF, v11  }
0x24e: {  	v4 =	vand.u32 $0x7FFFFFFF, v4;
	v43 =	vsub.f32 $6.283185480e+00, v12;
	v11 =	vsel vm5, $0x3FBC7EDD, v11  }
0x24f: {  	v7 =	vsel vm2, $0x3FBC7EDD, v7;
	v4 =	vsel vm0, $0x3FBC7EDD, v4;
	v11 =	vnsel vm4, $0x0, v11  }
0x250: {  	vm14 =	vgt.f32 v3, v8;
	v9 =	vmin.f32 v12, v43;
	v5 =	vadd.f32 v11, v5  }
0x251: {  	vm0 =	vmor vm13, vm12;
	v4 =	vnsel vm1, $0x0, v4;
	v44 =	vsub.f32 $9.817477310e-02, v9  }
0x252: {  	vm5 =	veq.f32 v8, $1.568069820e+00;
	vm4 =	vlt.f32 v3, v8;
	v3 =	vadd.f32 v5, v4  }
0x253: {  	v6 =	vand.u32 $0x7FFFFFFF, v44;
	vm15 =	vmor vm5, vm11;
	v5 =	vnsel vm0, $0x0, v7  }
0x254: {  	v6 =	vsel vm15, $0x3FBC7EDD, v6;
	vm9 =	vmor vm14, vm4;
	v3 =	vadd.f32 v3, v5;
	v45, _, _ =	vpop (xrf1)  }
0x255: {  	v6 =	vnsel vm9, $0x0, v6;
	v4, _, _ =	vpop (xrf1)  }
0x256: {  	v3 =	vadd.f32 v3, v6;
	v48 =	vperm.xlane v45, v2;
	v46, _, _ =	vpop (xrf1)  }
0x257: {  	v59 =	vperm.xlane v45, v1;
	vm9 =	veq.f32 v45, $1.568069820e+00;
	v52 =	vperm.xlane v4, v1;
	v49, _, _ =	vpop (xrf1)  }
0x258: {  	vm15 =	veq.f32 v4, $1.568069820e+00;
	v47 =	vperm.xlane v46, v1;
	v53 =	vperm.xlane v49, v2  }
0x259: {  	v51 =	vperm.xlane v46, v2;
	vm10 =	veq.f32 v46, $1.568069820e+00;
	v50 =	vperm.xlane v49, v1  }
0x25a: {  	vm11 =	veq.f32 v49, $1.568069820e+00;
	v8 =	vsel vm7, v47, v48;
	v54 =	vsel vm7, v52, v53  }
0x25b: {  	v12 =	vsel vm7, v50, v51;
	vm12 =	veq.f32 v8, $1.568069820e+00;
	v57 =	vsub.f32 v8, v46  }
0x25c: {  	v55 =	vsub.f32 v54, v4;
	vm13 =	vlt.f32 v49, v12;
	vm4 =	vgt.f32 v49, v12  }
0x25d: {  	vm5 =	vlt.f32 v4, v54;
	vm2 =	vmor vm12, vm10;
	vm14 =	veq.f32 v12, $1.568069820e+00  }
0x25e: {  	v11 =	vsub.f32 v12, v49;
	vm10 =	vlt.f32 v46, v8;
	vm1 =	vmor vm4, vm13  }
0x25f: {  	vm4 =	vgt.f32 v4, v54;
	vm0 =	vmor vm14, vm11;
	v4 =	vperm.xlane v4, v2  }
0x260: {  	v10 =	vand.u32 $0x7FFFFFFF, v57;
	vm11 =	vgt.f32 v46, v8;
	v13 =	vand.u32 $0x7FFFFFFF, v55  }
0x261: {  	vm4 =	vmor vm4, vm5;
	vm5 =	veq.f32 v54, $1.568069820e+00;
	v56 =	vsub.f32 $6.283185480e+00, v13  }
0x262: {  	v11 =	vand.u32 $0x7FFFFFFF, v11;
	v60 =	vsub.f32 $6.283185480e+00, v10;
	vm3 =	vmor vm5, vm15  }
0x263: {  	v58 =	vsub.f32 $6.283185480e+00, v11;
	v4 =	vsel vm7, v59, v4;
	v12 =	vmin.f32 v13, v56  }
0x264: {  	v5 =	vsub.f32 v4, v45;
	v10 =	vmin.f32 v10, v60;
	v12 =	vsub.f32 $9.817477310e-02, v12  }
0x265: {  	vm12 =	veq.f32 v4, $1.568069820e+00;
	vm13 =	vlt.f32 v45, v4;
	v11 =	vmin.f32 v11, v58  }
0x266: {  	v11 =	vsub.f32 $9.817477310e-02, v11;
	v5 =	vand.u32 $0x7FFFFFFF, v5;
	v12 =	vand.u32 $0x7FFFFFFF, v12  }
0x267: {  	vm14 =	vgt.f32 v45, v4;
	v62 =	vsub.f32 $6.283185480e+00, v5;
	v12 =	vsel vm3, $0x3FBC7EDD, v12  }
0x268: {  	v10 =	vsub.f32 $9.817477310e-02, v10;
	v11 =	vand.u32 $0x7FFFFFFF, v11;
	v12 =	vnsel vm4, $0x0, v12  }
0x269: {  	s23 =	sadd.s32 $0x1, s23;
	v61 =	vsel vm0, $0x3FBC7EDD, v11;
	v5 =	vmin.f32 v5, v62;
	v3 =	vadd.f32 v12, v3  }
0x26a: {  	p0 =	sne.s32 s23, $0xA;
	v10 =	vand.u32 $0x7FFFFFFF, v10;
	v6 =	vnsel vm1, $0x0, v61;
	v5 =	vsub.f32 $9.817477310e-02, v5  }
.Ltmp2:
0x26b: {  	v10 =	vsel vm2, $0x3FBC7EDD, v10;
	vm1 =	vmor vm11, vm10;
	v3 =	vadd.f32 v3, v6;
	(pc) =	sbr.rel @p0 .LBB2_2-.Ltmp2, $4  }
0x26c: {  	vm0 =	vmor vm12, vm9;
	v63 =	vnsel vm1, $0x0, v10;
	v4 =	vand.u32 $0x7FFFFFFF, v5  }
0x26d: {  	vm15 =	vmor vm14, vm13;
	v4 =	vsel vm0, $0x3FBC7EDD, v4;
	v3 =	vadd.f32 v3, v63  }
0x26e: {  	v4 =	vnsel vm15, $0x0, v4  }
0x26f: {  	s22 =	sadd.s32 $0xA0, s22;
	s21 =	sadd.s32 $0xA0, s21;
	v3 =	vadd.f32 v3, v4  }
0x270: {  	s20 =	sadd.s32 $0x1, s20  }
0x271: {  	p0 =	sne.s32 s20, s10  }
.Ltmp3:
0x272: {  	[tilespmem:$0x1AF00] =	vst v3;
	(pc) =	sbr.rel @p0 .LBB2_1-.Ltmp3, $4  }
0x273: {  	[hbm4b:s9+s3] =	stream.linear.scatter [tilespmem:s19], [sflag:$0x3], $0x80, $0x38;
	[tilespmem:$0x1AF80] =	vst v63  }
0x274: {  	_ =	swait.ge [sflag:s13], $0x80  }
0x275: {  	[sflag:s13] =	ssyncset.done $0x0  }
0x276: {  	[sflag:s13] =	ssyncadd.s32 $0xFFFFFF80  }
0x277: {  	_ =	sfence.sel $0x180000  }
0x278: {  	[bflag:$0x0] =	sbarrier.arrive $0xFFFF  }
0x279: {  	p0 =	sne.s32 s1, $0x0;
	_ =	strace $0x90000047  }
0x27a: {  	s0 =	sadd.s32 @!p0 $0x100000, s0;
	[bflag:$0x2] =	sbarrier.arrive $0xFFFF  }
0x27b: {  	[sflag:s0] =	ssyncadd.tile.s32 @!p0 $0x1;
	_ =	shalt  }
.Lfunc_end2:
_tile_overlayer_lowered:
.L_overlay_start_2:
0x27c: {  	(tag) =	ssettag $0x2  }
0x27d: {  	s0 =	rddreg [dreg:$0x0];
	s2 =	stileid.u32  }
0x27e: {  	s1 =	rddreg [dreg:$0x1];
	p0 =	sne.s32 s2, $0x0  }
0x27f: {  	s3 =	rddreg [dreg:$0x2];
	[bflag:$0x3] =	sbarrier.arrive $0xFFFF;
	s2 =	simm.s32 @!p0 $0x1C03  }
0x280: {  	[timem:s3], [sflag:s2] =	dma.local @!p0 [hbm:s0], s1  }
0x281: {  	s0 =	simm.s32 @!p0 $0x3  }
0x282: {  	_ =	swait.ge @!p0 [sflag:s0], s1  }
0x283: {  	s1 =	ssub.s32 @!p0 $0x0, s1;
	[sflag:s0] =	ssyncset.done @!p0 $0x0  }
0x284: {  	[sflag:s0] =	ssyncadd.s32 @!p0 s1  }
0x285: {  	[bflag:$0x3] =	sbarrier.arrive $0xFFFF  }
0x286: {  	_ =	shalt  }

</sc_bundles>
